<compile_context>
chip_gen: v7x
topology: tpu7x:2x2x1
jax: 0.10.2.dev20260603
libtpu: 0.0.44.dev20260713+nightly
codegen_flags: <defaults>
</compile_context>

<pallas_src>
import functools
import jax
import jax.numpy as jnp
from jax import lax
from jax.experimental import pallas as pl
from jax.experimental.pallas import tpu as pltpu
from jax.experimental.pallas import tpu_sc as plsc

T, D, E, K, F = 2048, 2048, 8, 2, 1024

BLK = 256
NB = 23
PMAX = NB * BLK

DI = D // 2

NC, NS = 2, 16
NW = NC * NS
TPW = T // NW
CHT = 8
NCH = TPW // CHT


_CH = 512


def _route_body(x_ref, gw_ref, ids_ref, w_ref, spos_ref, gid_ref, nact_ref):
    logits = jnp.dot(x_ref[...], gw_ref[...], preferred_element_type=jnp.float32)
    m = jnp.max(logits, axis=-1, keepdims=True)
    p = jnp.exp(logits - m)
    p = p / jnp.sum(p, axis=-1, keepdims=True)

    lane = lax.broadcasted_iota(jnp.int32, (T, E), 1)
    w1 = jnp.max(p, axis=-1, keepdims=True)
    a1 = jnp.min(jnp.where(p == w1, lane, E), axis=-1, keepdims=True)
    p2 = jnp.where(lane == a1, -1.0, p)
    w2 = jnp.max(p2, axis=-1, keepdims=True)
    a2 = jnp.min(jnp.where(p2 == w2, lane, E), axis=-1, keepdims=True)

    s = w1 + w2
    ids_ref[...] = jnp.concatenate([a1, a2], axis=1)
    w_ref[...] = jnp.concatenate([w1 / s, w2 / s], axis=1)

    oh1 = (lane == a1).astype(jnp.float32)
    oh2 = (lane == a2).astype(jnp.float32)
    moh = jnp.concatenate([oh1, oh2], axis=0)

    ii = lax.broadcasted_iota(jnp.int32, (_CH, _CH), 0)
    jj = lax.broadcasted_iota(jnp.int32, (_CH, _CH), 1)
    ltri = (jj <= ii).astype(jnp.float32)
    chunks = []
    carry = jnp.zeros((1, E), jnp.float32)
    for c in range(2 * T // _CH):
        blk = lax.slice(moh, (c * _CH, 0), ((c + 1) * _CH, E))
        cs = jnp.dot(ltri, blk, preferred_element_type=jnp.float32) + carry
        chunks.append(cs)
        carry = lax.slice(cs, (_CH - 1, 0), (_CH, E))
    cum = jnp.concatenate(chunks, axis=0)

    counts = carry
    cb = jnp.floor((counts + (BLK - 1)) / BLK)
    psz = cb * BLK
    ei = lax.broadcasted_iota(jnp.int32, (E, E), 0)
    ej = lax.broadcasted_iota(jnp.int32, (E, E), 1)
    sut = (ei < ej).astype(jnp.float32)
    po = jnp.dot(psz, sut, preferred_element_type=jnp.float32)
    eb = (po + psz) / BLK

    ebb = jnp.broadcast_to(eb, (E, E))
    eb_col = jnp.sum(jnp.where(ej == ei, ebb, 0.0), axis=-1, keepdims=True)
    bidx = lax.broadcasted_iota(jnp.int32, (E, NB), 1).astype(jnp.float32)
    gid = jnp.sum((bidx >= eb_col).astype(jnp.float32), axis=0, keepdims=True)
    gid_ref[...] = jnp.minimum(gid, E - 1).astype(jnp.int32)
    nact_ref[...] = eb[:, E - 1:E].astype(jnp.int32)

    cum1 = lax.slice(cum, (0, 0), (T, E))
    cum2 = lax.slice(cum, (T, 0), (2 * T, E))
    r1 = jnp.sum(cum1 * oh1, axis=-1, keepdims=True) - 1.0
    r2 = jnp.sum(cum2 * oh2, axis=-1, keepdims=True) - 1.0
    po1 = jnp.sum(oh1 * po, axis=-1, keepdims=True)
    po2 = jnp.sum(oh2 * po, axis=-1, keepdims=True)
    spos_ref[...] = jnp.concatenate(
        [(po1 + r1).astype(jnp.int32), (po2 + r2).astype(jnp.int32)], axis=1)


def _route(x, gate_w):
    return pl.pallas_call(
        _route_body,
        grid=(1,),
        in_specs=[
            pl.BlockSpec((T, D), lambda i: (0, 0)),
            pl.BlockSpec((D, E), lambda i: (0, 0)),
        ],
        out_specs=[
            pl.BlockSpec((T, K), lambda i: (0, 0)),
            pl.BlockSpec((T, K), lambda i: (0, 0)),
            pl.BlockSpec((T, K), lambda i: (0, 0)),
            pl.BlockSpec((1, NB), lambda i: (0, 0)),
            pl.BlockSpec((1, 1), lambda i: (0, 0)),
        ],
        out_shape=[
            jax.ShapeDtypeStruct((T, K), jnp.int32),
            jax.ShapeDtypeStruct((T, K), jnp.float32),
            jax.ShapeDtypeStruct((T, K), jnp.int32),
            jax.ShapeDtypeStruct((1, NB), jnp.int32),
            jax.ShapeDtypeStruct((1, 1), jnp.int32),
        ],
        compiler_params=pltpu.CompilerParams(
            vmem_limit_bytes=110 * 1024 * 1024),
    )(x, gate_w)




def _dispatch_body(x_hbm, s0_hbm, s1_hbm, xs_hbm, s0_v, s1_v,
                   buf_a, buf_b, sem_l, sem0, sem1):
    wid = lax.axis_index("s") * NC + lax.axis_index("c")
    base = wid * TPW
    pltpu.sync_copy(s0_hbm.at[wid], s0_v)
    pltpu.sync_copy(s1_hbm.at[wid], s1_v)
    bufs = (buf_a, buf_b)
    pend = [None, None]
    ld = pltpu.async_copy(x_hbm.at[pl.ds(base, CHT)], bufs[0], sem_l)
    for c in range(NCH):
        ld.wait()
        i = c % 2
        d0 = pltpu.async_copy(bufs[i], xs_hbm.at[s0_v.at[c]], sem0)
        d1 = pltpu.async_copy(bufs[i], xs_hbm.at[s1_v.at[c]], sem1)
        pend[i] = (d0, d1)
        if c + 1 < NCH:
            j = (c + 1) % 2
            if pend[j] is not None:
                pend[j][0].wait()
                pend[j][1].wait()
                pend[j] = None
            ld = pltpu.async_copy(
                x_hbm.at[pl.ds(base + (c + 1) * CHT, CHT)], bufs[j], sem_l)
    for p in pend:
        if p is not None:
            p[0].wait()
            p[1].wait()


def _dispatch(x, s0, s1):
    mesh = plsc.VectorSubcoreMesh(core_axis_name="c", subcore_axis_name="s")
    return pl.kernel(
        _dispatch_body,
        mesh=mesh,
        out_type=jax.ShapeDtypeStruct((PMAX, D), jnp.float32),
        scratch_types=[
            pltpu.VMEM((NCH, CHT), jnp.int32),
            pltpu.VMEM((NCH, CHT), jnp.int32),
            pltpu.VMEM((CHT, D), jnp.float32),
            pltpu.VMEM((CHT, D), jnp.float32),
            pltpu.SemaphoreType.DMA,
            pltpu.SemaphoreType.DMA,
            pltpu.SemaphoreType.DMA,
        ],
    )(x, s0, s1)




def _gmlp_body(gid_ref, nact_ref, x_ref, wg_ref, wu_ref, wd_ref, out_ref):
    b = pl.program_id(0)

    @pl.when(b < nact_ref[0])
    def _():
        x = x_ref[...]
        g = jnp.dot(x, wg_ref[0], preferred_element_type=jnp.float32)
        u = jnp.dot(x, wu_ref[0], preferred_element_type=jnp.float32)
        h = g * jax.nn.sigmoid(g) * u
        out_ref[...] = jnp.dot(h, wd_ref[0], preferred_element_type=jnp.float32)


def _gmlp(gid, nact, xs, w_gate, w_up, w_down):
    grid_spec = pltpu.PrefetchScalarGridSpec(
        num_scalar_prefetch=2,
        grid=(NB,),
        in_specs=[
            pl.BlockSpec(
                (BLK, D),
                lambda b, gid, nact: (jnp.minimum(b, nact[0] - 1), 0)),
            pl.BlockSpec((1, D, F), lambda b, gid, nact: (gid[b], 0, 0)),
            pl.BlockSpec((1, D, F), lambda b, gid, nact: (gid[b], 0, 0)),
            pl.BlockSpec((1, F, D), lambda b, gid, nact: (gid[b], 0, 0)),
        ],
        out_specs=pl.BlockSpec(
            (BLK, D), lambda b, gid, nact: (jnp.minimum(b, nact[0] - 1), 0)),
    )
    return pl.pallas_call(
        _gmlp_body,
        grid_spec=grid_spec,
        out_shape=jax.ShapeDtypeStruct((PMAX, D), jnp.float32),
        compiler_params=pltpu.CompilerParams(
            vmem_limit_bytes=110 * 1024 * 1024),
    )(gid, nact, xs, w_gate, w_up, w_down)




def _cgather_body(ys_hbm, s0_hbm, s1_hbm, y0_hbm, y1_hbm,
                  s0_v, s1_v, b0a, b0b, b1a, b1b, sem0, sem1):
    wid = lax.axis_index("s") * NC + lax.axis_index("c")
    base = wid * TPW
    pltpu.sync_copy(s0_hbm.at[wid], s0_v)
    pltpu.sync_copy(s1_hbm.at[wid], s1_v)
    b0 = (b0a, b0b)
    b1 = (b1a, b1b)
    g0 = pltpu.async_copy(ys_hbm.at[s0_v.at[0]], b0[0], sem0)
    g1 = pltpu.async_copy(ys_hbm.at[s1_v.at[0]], b1[0], sem1)
    for c in range(NCH):
        g0.wait()
        g1.wait()
        i = c % 2
        if c + 1 < NCH:
            j = (c + 1) % 2
            g0 = pltpu.async_copy(ys_hbm.at[s0_v.at[c + 1]], b0[j], sem0)
            g1 = pltpu.async_copy(ys_hbm.at[s1_v.at[c + 1]], b1[j], sem1)
        pltpu.sync_copy(b0[i], y0_hbm.at[pl.ds(base + c * CHT, CHT)])
        pltpu.sync_copy(b1[i], y1_hbm.at[pl.ds(base + c * CHT, CHT)])


def _cgather(ys, s0, s1):
    mesh = plsc.VectorSubcoreMesh(core_axis_name="c", subcore_axis_name="s")
    return pl.kernel(
        _cgather_body,
        mesh=mesh,
        out_type=[
            jax.ShapeDtypeStruct((T, D), jnp.float32),
            jax.ShapeDtypeStruct((T, D), jnp.float32),
        ],
        scratch_types=[
            pltpu.VMEM((NCH, CHT), jnp.int32),
            pltpu.VMEM((NCH, CHT), jnp.int32),
            pltpu.VMEM((CHT, D), jnp.float32),
            pltpu.VMEM((CHT, D), jnp.float32),
            pltpu.VMEM((CHT, D), jnp.float32),
            pltpu.VMEM((CHT, D), jnp.float32),
            pltpu.SemaphoreType.DMA,
            pltpu.SemaphoreType.DMA,
        ],
    )(ys, s0, s1)



_CTB = 512


def _combine_body(w_ref, y0_ref, y1_ref, out_ref):
    w0 = w_ref[:, 0:1]
    w1 = w_ref[:, 1:2]
    out_ref[...] = w0 * y0_ref[...] + w1 * y1_ref[...]


def _combine(w, y0, y1):
    return pl.pallas_call(
        _combine_body,
        grid=(T // _CTB,),
        in_specs=[
            pl.BlockSpec((_CTB, K), lambda i: (i, 0)),
            pl.BlockSpec((_CTB, D), lambda i: (i, 0)),
            pl.BlockSpec((_CTB, D), lambda i: (i, 0)),
        ],
        out_specs=pl.BlockSpec((_CTB, D), lambda i: (i, 0)),
        out_shape=jax.ShapeDtypeStruct((T, D), jnp.float32),
    )(w, y0, y1)


def kernel(hidden_states, gate_w, w_gate, w_up, w_down):
    ids, w, spos, gid, nact = _route(hidden_states, gate_w)
    s0 = spos[:, 0].reshape(NW, NCH, CHT)
    s1 = spos[:, 1].reshape(NW, NCH, CHT)
    xs = _dispatch(hidden_states, s0, s1)
    ys = _gmlp(gid.reshape(NB), nact.reshape(1), xs, w_gate, w_up, w_down)
    y0, y1 = _cgather(ys, s0, s1)
    out = _combine(w, y0, y1)
    return (out, ids)

# --- scband reference (transcript-rebuilt; emitter-appended) ---
"""Pipeline reference for scband-mi-mo-v2-moe-3728031613183 (READ-ONLY COPY).

The authoritative reference and input builder live on the scoring server;
editing this copy changes nothing except your own understanding.
"""

import jax, jax.numpy as jnp
import numpy as np

T, D, E, K, F = 2048, 2048, 8, 2, 1024


def setup_inputs(seed: int = 0) -> dict:
    key = jax.random.key(seed)
    ks = jax.random.split(key, 5)
    return {
        "hidden_states": jax.random.normal(ks[0], (T, D), dtype=jnp.float32),
        "gate_w": jax.random.normal(ks[1], (D, E), dtype=jnp.float32) * 0.02,
        "w_gate": jax.random.normal(ks[2], (E, D, F), dtype=jnp.float32) * 0.02,
        "w_up": jax.random.normal(ks[3], (E, D, F), dtype=jnp.float32) * 0.02,
        "w_down": jax.random.normal(ks[4], (E, F, D), dtype=jnp.float32) * 0.02,
    }


def reference(hidden_states, gate_w, w_gate, w_up, w_down):
    # --- GateLogit: router logits with softmax scoring (computed in fp32) ---
    router_logits = jnp.dot(hidden_states.astype(jnp.float32), gate_w.astype(jnp.float32))
    probs = jax.nn.softmax(router_logits, axis=-1)
    # --- TopK (greedy, no correction bias) with renormalization ---
    topk_weights, topk_ids = jax.lax.top_k(probs, K)
    topk_weights = topk_weights / jnp.sum(topk_weights, axis=-1, keepdims=True)
    # combine weights scattered back to dense [T, E]
    combine = jnp.sum(
        jax.nn.one_hot(topk_ids, E, dtype=jnp.float32) * topk_weights[..., None],
        axis=1,
    )  # [T, E]
    # --- EPMoE experts: gated SiLU MLP per expert, dense dispatch reference ---
    g = jax.nn.silu(jnp.einsum('td,edf->tef', hidden_states, w_gate))
    u = jnp.einsum('td,edf->tef', hidden_states, w_up)
    y = jnp.einsum('tef,efd->ted', g * u, w_down)
    mlp_output = jnp.einsum('te,ted->td', combine, y).astype(hidden_states.dtype)
    return (mlp_output, topk_ids)

if __name__ == "__main__":
    import jax
    _d = setup_inputs()
    print(jax.jit(kernel)(*tuple(_d.values())))

</pallas_src>

<mosaic_0001>
#map = affine_map<(d0, d1) -> (0, 0)>
#map1 = affine_map<(d0, d1) -> (0, 0, 0)>
module attributes {stable_mosaic.version = 14 : i64} {
  func.func @_cgather_body(%arg0: i32, %arg1: i32, %arg2: memref<5888x2048xf32, #tpu.memory_space<hbm>>, %arg3: memref<32x8x8xi32, #tpu.memory_space<hbm>>, %arg4: memref<32x8x8xi32, #tpu.memory_space<hbm>>, %arg5: memref<2048x2048xf32, #tpu.memory_space<hbm>>, %arg6: memref<2048x2048xf32, #tpu.memory_space<hbm>>, %arg7: memref<8x8xi32, #tpu.memory_space<vmem>>, %arg8: memref<8x8xi32, #tpu.memory_space<vmem>>, %arg9: memref<8x2048xf32, #tpu.memory_space<vmem>>, %arg10: memref<8x2048xf32, #tpu.memory_space<vmem>>, %arg11: memref<8x2048xf32, #tpu.memory_space<vmem>>, %arg12: memref<8x2048xf32, #tpu.memory_space<vmem>>, %arg13: memref<!tpu.dma_semaphore, #tpu.memory_space<semaphore_mem>>, %arg14: memref<!tpu.dma_semaphore, #tpu.memory_space<semaphore_mem>>) attributes {dimension_semantics = [#tpu.dimension_semantics<core_parallel>, #tpu.dimension_semantics<subcore_parallel>], iteration_bounds = array<i64: 2, 16>, scalar_prefetch = 0 : i64, scratch_operands = 8 : i64, tpu.core_type = #tpu.core_type<sc_vector_subcore>, window_params = [{transform_indices = #map}, {transform_indices = #map1}, {transform_indices = #map1}, {transform_indices = #map}, {transform_indices = #map}]} {
    %mul3A = arith.constant 2 : i32
    %mul3A_0 = arith.muli %arg1, %mul3A : i32
    %add3A = arith.addi %mul3A_0, %arg0 : i32
    %mul3A_1 = arith.constant 64 : i32
    %mul3A_2 = arith.muli %add3A, %mul3A_1 : i32
    "tpu.region"() ({
      %run_scoped3A = tpu.sem_alloc : memref<!tpu.dma_semaphore, #tpu.memory_space<semaphore_mem>>
      %dma_start3A_257 = arith.constant 0 : i32
      %dma_start3A_258 = arith.constant 0 : i32
      %dma_start3A_259 = tpu.memref_slice %arg3[%add3A, %dma_start3A_257, %dma_start3A_258] : memref<32x8x8xi32, #tpu.memory_space<hbm>> -> memref<1x8x8xi32, #tpu.memory_space<hbm>>
      %dma_start3A_260 = tpu.memref_squeeze %dma_start3A_259 : memref<1x8x8xi32, #tpu.memory_space<hbm>> -> memref<8x8xi32, #tpu.memory_space<hbm>>
      %dma_start3A_261 = arith.constant 0 : i32
      %dma_start3A_262 = arith.constant 0 : i32
      %dma_start3A_263 = tpu.memref_slice %arg3[%add3A, %dma_start3A_261, %dma_start3A_262] : memref<32x8x8xi32, #tpu.memory_space<hbm>> -> memref<1x8x8xi32, #tpu.memory_space<hbm>>
      %dma_start3A_264 = tpu.memref_squeeze %dma_start3A_263 : memref<1x8x8xi32, #tpu.memory_space<hbm>> -> memref<8x8xi32, #tpu.memory_space<hbm>>
      tpu.enqueue_dma source(%dma_start3A_264 : memref<8x8xi32, #tpu.memory_space<hbm>>) target(%arg7 : memref<8x8xi32, #tpu.memory_space<vmem>>) target_semaphore(%run_scoped3A : memref<!tpu.dma_semaphore, #tpu.memory_space<semaphore_mem>>)
      %dma_wait3A_265 = arith.constant 0 : i32
      %dma_wait3A_266 = arith.constant 0 : i32
      %dma_wait3A_267 = tpu.memref_slice %arg3[%add3A, %dma_wait3A_265, %dma_wait3A_266] : memref<32x8x8xi32, #tpu.memory_space<hbm>> -> memref<1x8x8xi32, #tpu.memory_space<hbm>>
      %dma_wait3A_268 = tpu.memref_squeeze %dma_wait3A_267 : memref<1x8x8xi32, #tpu.memory_space<hbm>> -> memref<8x8xi32, #tpu.memory_space<hbm>>
      %dma_wait3A_269 = arith.constant 0 : i32
      %dma_wait3A_270 = arith.constant 0 : i32
      %dma_wait3A_271 = tpu.memref_slice %arg3[%add3A, %dma_wait3A_269, %dma_wait3A_270] : memref<32x8x8xi32, #tpu.memory_space<hbm>> -> memref<1x8x8xi32, #tpu.memory_space<hbm>>
      %dma_wait3A_272 = tpu.memref_squeeze %dma_wait3A_271 : memref<1x8x8xi32, #tpu.memory_space<hbm>> -> memref<8x8xi32, #tpu.memory_space<hbm>>
      tpu.wait_dma2 semaphore(%run_scoped3A : memref<!tpu.dma_semaphore, #tpu.memory_space<semaphore_mem>>) src(%dma_wait3A_272 : memref<8x8xi32, #tpu.memory_space<hbm>>) dst(%arg7 : memref<8x8xi32, #tpu.memory_space<vmem>>)
      tpu.yield
    }) : () -> ()
    "tpu.region"() ({
      %run_scoped3A = tpu.sem_alloc : memref<!tpu.dma_semaphore, #tpu.memory_space<semaphore_mem>>
      %dma_start3A_257 = arith.constant 0 : i32
      %dma_start3A_258 = arith.constant 0 : i32
      %dma_start3A_259 = tpu.memref_slice %arg4[%add3A, %dma_start3A_257, %dma_start3A_258] : memref<32x8x8xi32, #tpu.memory_space<hbm>> -> memref<1x8x8xi32, #tpu.memory_space<hbm>>
      %dma_start3A_260 = tpu.memref_squeeze %dma_start3A_259 : memref<1x8x8xi32, #tpu.memory_space<hbm>> -> memref<8x8xi32, #tpu.memory_space<hbm>>
      %dma_start3A_261 = arith.constant 0 : i32
      %dma_start3A_262 = arith.constant 0 : i32
      %dma_start3A_263 = tpu.memref_slice %arg4[%add3A, %dma_start3A_261, %dma_start3A_262] : memref<32x8x8xi32, #tpu.memory_space<hbm>> -> memref<1x8x8xi32, #tpu.memory_space<hbm>>
      %dma_start3A_264 = tpu.memref_squeeze %dma_start3A_263 : memref<1x8x8xi32, #tpu.memory_space<hbm>> -> memref<8x8xi32, #tpu.memory_space<hbm>>
      tpu.enqueue_dma source(%dma_start3A_264 : memref<8x8xi32, #tpu.memory_space<hbm>>) target(%arg8 : memref<8x8xi32, #tpu.memory_space<vmem>>) target_semaphore(%run_scoped3A : memref<!tpu.dma_semaphore, #tpu.memory_space<semaphore_mem>>)
      %dma_wait3A_265 = arith.constant 0 : i32
      %dma_wait3A_266 = arith.constant 0 : i32
      %dma_wait3A_267 = tpu.memref_slice %arg4[%add3A, %dma_wait3A_265, %dma_wait3A_266] : memref<32x8x8xi32, #tpu.memory_space<hbm>> -> memref<1x8x8xi32, #tpu.memory_space<hbm>>
      %dma_wait3A_268 = tpu.memref_squeeze %dma_wait3A_267 : memref<1x8x8xi32, #tpu.memory_space<hbm>> -> memref<8x8xi32, #tpu.memory_space<hbm>>
      %dma_wait3A_269 = arith.constant 0 : i32
      %dma_wait3A_270 = arith.constant 0 : i32
      %dma_wait3A_271 = tpu.memref_slice %arg4[%add3A, %dma_wait3A_269, %dma_wait3A_270] : memref<32x8x8xi32, #tpu.memory_space<hbm>> -> memref<1x8x8xi32, #tpu.memory_space<hbm>>
      %dma_wait3A_272 = tpu.memref_squeeze %dma_wait3A_271 : memref<1x8x8xi32, #tpu.memory_space<hbm>> -> memref<8x8xi32, #tpu.memory_space<hbm>>
      tpu.wait_dma2 semaphore(%run_scoped3A : memref<!tpu.dma_semaphore, #tpu.memory_space<semaphore_mem>>) src(%dma_wait3A_272 : memref<8x8xi32, #tpu.memory_space<hbm>>) dst(%arg8 : memref<8x8xi32, #tpu.memory_space<vmem>>)
      tpu.yield
    }) : () -> ()
    %dma_start3A = arith.constant 0 : i32
    %dma_start3A_3 = arith.constant 0 : i32
    %dma_start3A_4 = tpu.memref_slice %arg7[%dma_start3A, %dma_start3A_3] : memref<8x8xi32, #tpu.memory_space<vmem>> -> memref<1x8xi32, #tpu.memory_space<vmem>>
    %dma_start3A_5 = tpu.memref_squeeze %dma_start3A_4 : memref<1x8xi32, #tpu.memory_space<vmem>> -> memref<8xi32, #tpu.memory_space<vmem>>
    %dma_start3A_6 = arith.constant 0 : i32
    %dma_start3A_7 = arith.constant 0 : i32
    %dma_start3A_8 = tpu.memref_slice %arg2[%dma_start3A_6, %dma_start3A_7] : memref<5888x2048xf32, #tpu.memory_space<hbm>> -> memref<5888x2048xf32, #tpu.memory_space<hbm>>
    tpu.enqueue_indirect_dma source(%dma_start3A_8 : memref<5888x2048xf32, #tpu.memory_space<hbm>>) target(%arg9 : memref<8x2048xf32, #tpu.memory_space<vmem>>) offsets(%dma_start3A_5 : memref<8xi32, #tpu.memory_space<vmem>>) semaphore(%arg13 : memref<!tpu.dma_semaphore, #tpu.memory_space<semaphore_mem>>)
    %dma_start3A_9 = arith.constant 0 : i32
    %dma_start3A_10 = arith.constant 0 : i32
    %dma_start3A_11 = tpu.memref_slice %arg8[%dma_start3A_9, %dma_start3A_10] : memref<8x8xi32, #tpu.memory_space<vmem>> -> memref<1x8xi32, #tpu.memory_space<vmem>>
    %dma_start3A_12 = tpu.memref_squeeze %dma_start3A_11 : memref<1x8xi32, #tpu.memory_space<vmem>> -> memref<8xi32, #tpu.memory_space<vmem>>
    %dma_start3A_13 = arith.constant 0 : i32
    %dma_start3A_14 = arith.constant 0 : i32
    %dma_start3A_15 = tpu.memref_slice %arg2[%dma_start3A_13, %dma_start3A_14] : memref<5888x2048xf32, #tpu.memory_space<hbm>> -> memref<5888x2048xf32, #tpu.memory_space<hbm>>
    tpu.enqueue_indirect_dma source(%dma_start3A_15 : memref<5888x2048xf32, #tpu.memory_space<hbm>>) target(%arg11 : memref<8x2048xf32, #tpu.memory_space<vmem>>) offsets(%dma_start3A_12 : memref<8xi32, #tpu.memory_space<vmem>>) semaphore(%arg14 : memref<!tpu.dma_semaphore, #tpu.memory_space<semaphore_mem>>)
    %dma_wait3A = arith.constant 0 : i32
    %dma_wait3A_16 = arith.constant 0 : i32
    %dma_wait3A_17 = tpu.memref_slice %arg7[%dma_wait3A, %dma_wait3A_16] : memref<8x8xi32, #tpu.memory_space<vmem>> -> memref<1x8xi32, #tpu.memory_space<vmem>>
    %dma_wait3A_18 = tpu.memref_squeeze %dma_wait3A_17 : memref<1x8xi32, #tpu.memory_space<vmem>> -> memref<8xi32, #tpu.memory_space<vmem>>
    %dma_wait3A_19 = arith.constant 0 : i32
    %dma_wait3A_20 = arith.constant 0 : i32
    %dma_wait3A_21 = tpu.memref_slice %arg2[%dma_wait3A_19, %dma_wait3A_20] : memref<5888x2048xf32, #tpu.memory_space<hbm>> -> memref<5888x2048xf32, #tpu.memory_space<hbm>>
    tpu.wait_indirect_dma semaphore(%arg13 : memref<!tpu.dma_semaphore, #tpu.memory_space<semaphore_mem>>) src(%dma_wait3A_21 : memref<5888x2048xf32, #tpu.memory_space<hbm>>) dst(%arg9 : memref<8x2048xf32, #tpu.memory_space<vmem>>)
    %dma_wait3A_22 = arith.constant 0 : i32
    %dma_wait3A_23 = arith.constant 0 : i32
    %dma_wait3A_24 = tpu.memref_slice %arg8[%dma_wait3A_22, %dma_wait3A_23] : memref<8x8xi32, #tpu.memory_space<vmem>> -> memref<1x8xi32, #tpu.memory_space<vmem>>
    %dma_wait3A_25 = tpu.memref_squeeze %dma_wait3A_24 : memref<1x8xi32, #tpu.memory_space<vmem>> -> memref<8xi32, #tpu.memory_space<vmem>>
    %dma_wait3A_26 = arith.constant 0 : i32
    %dma_wait3A_27 = arith.constant 0 : i32
    %dma_wait3A_28 = tpu.memref_slice %arg2[%dma_wait3A_26, %dma_wait3A_27] : memref<5888x2048xf32, #tpu.memory_space<hbm>> -> memref<5888x2048xf32, #tpu.memory_space<hbm>>
    tpu.wait_indirect_dma semaphore(%arg14 : memref<!tpu.dma_semaphore, #tpu.memory_space<semaphore_mem>>) src(%dma_wait3A_28 : memref<5888x2048xf32, #tpu.memory_space<hbm>>) dst(%arg11 : memref<8x2048xf32, #tpu.memory_space<vmem>>)
    %dma_start3A_29 = arith.constant 1 : i32
    %dma_start3A_30 = arith.constant 0 : i32
    %dma_start3A_31 = tpu.memref_slice %arg7[%dma_start3A_29, %dma_start3A_30] : memref<8x8xi32, #tpu.memory_space<vmem>> -> memref<1x8xi32, #tpu.memory_space<vmem>>
    %dma_start3A_32 = tpu.memref_squeeze %dma_start3A_31 : memref<1x8xi32, #tpu.memory_space<vmem>> -> memref<8xi32, #tpu.memory_space<vmem>>
    %dma_start3A_33 = arith.constant 0 : i32
    %dma_start3A_34 = arith.constant 0 : i32
    %dma_start3A_35 = tpu.memref_slice %arg2[%dma_start3A_33, %dma_start3A_34] : memref<5888x2048xf32, #tpu.memory_space<hbm>> -> memref<5888x2048xf32, #tpu.memory_space<hbm>>
    tpu.enqueue_indirect_dma source(%dma_start3A_35 : memref<5888x2048xf32, #tpu.memory_space<hbm>>) target(%arg10 : memref<8x2048xf32, #tpu.memory_space<vmem>>) offsets(%dma_start3A_32 : memref<8xi32, #tpu.memory_space<vmem>>) semaphore(%arg13 : memref<!tpu.dma_semaphore, #tpu.memory_space<semaphore_mem>>)
    %dma_start3A_36 = arith.constant 1 : i32
    %dma_start3A_37 = arith.constant 0 : i32
    %dma_start3A_38 = tpu.memref_slice %arg8[%dma_start3A_36, %dma_start3A_37] : memref<8x8xi32, #tpu.memory_space<vmem>> -> memref<1x8xi32, #tpu.memory_space<vmem>>
    %dma_start3A_39 = tpu.memref_squeeze %dma_start3A_38 : memref<1x8xi32, #tpu.memory_space<vmem>> -> memref<8xi32, #tpu.memory_space<vmem>>
    %dma_start3A_40 = arith.constant 0 : i32
    %dma_start3A_41 = arith.constant 0 : i32
    %dma_start3A_42 = tpu.memref_slice %arg2[%dma_start3A_40, %dma_start3A_41] : memref<5888x2048xf32, #tpu.memory_space<hbm>> -> memref<5888x2048xf32, #tpu.memory_space<hbm>>
    tpu.enqueue_indirect_dma source(%dma_start3A_42 : memref<5888x2048xf32, #tpu.memory_space<hbm>>) target(%arg12 : memref<8x2048xf32, #tpu.memory_space<vmem>>) offsets(%dma_start3A_39 : memref<8xi32, #tpu.memory_space<vmem>>) semaphore(%arg14 : memref<!tpu.dma_semaphore, #tpu.memory_space<semaphore_mem>>)
    %add3A_43 = arith.constant 0 : i32
    %add3A_44 = arith.addi %mul3A_2, %add3A_43 : i32
    "tpu.region"() ({
      %run_scoped3A = tpu.sem_alloc : memref<!tpu.dma_semaphore, #tpu.memory_space<semaphore_mem>>
      %dma_start3A_257 = arith.constant 0 : i32
      %dma_start3A_258 = tpu.memref_slice %arg5[%add3A_44, %dma_start3A_257] : memref<2048x2048xf32, #tpu.memory_space<hbm>> -> memref<8x2048xf32, #tpu.memory_space<hbm>>
      %dma_start3A_259 = arith.constant 0 : i32
      %dma_start3A_260 = tpu.memref_slice %arg5[%add3A_44, %dma_start3A_259] : memref<2048x2048xf32, #tpu.memory_space<hbm>> -> memref<8x2048xf32, #tpu.memory_space<hbm>>
      tpu.enqueue_dma source(%arg9 : memref<8x2048xf32, #tpu.memory_space<vmem>>) target(%dma_start3A_260 : memref<8x2048xf32, #tpu.memory_space<hbm>>) target_semaphore(%run_scoped3A : memref<!tpu.dma_semaphore, #tpu.memory_space<semaphore_mem>>)
      %dma_wait3A_261 = arith.constant 0 : i32
      %dma_wait3A_262 = tpu.memref_slice %arg5[%add3A_44, %dma_wait3A_261] : memref<2048x2048xf32, #tpu.memory_space<hbm>> -> memref<8x2048xf32, #tpu.memory_space<hbm>>
      %dma_wait3A_263 = arith.constant 0 : i32
      %dma_wait3A_264 = tpu.memref_slice %arg5[%add3A_44, %dma_wait3A_263] : memref<2048x2048xf32, #tpu.memory_space<hbm>> -> memref<8x2048xf32, #tpu.memory_space<hbm>>
      tpu.wait_dma2 semaphore(%run_scoped3A : memref<!tpu.dma_semaphore, #tpu.memory_space<semaphore_mem>>) src(%arg9 : memref<8x2048xf32, #tpu.memory_space<vmem>>) dst(%dma_wait3A_264 : memref<8x2048xf32, #tpu.memory_space<hbm>>)
      tpu.yield
    }) : () -> ()
    %add3A_45 = arith.constant 0 : i32
    %add3A_46 = arith.addi %mul3A_2, %add3A_45 : i32
    "tpu.region"() ({
      %run_scoped3A = tpu.sem_alloc : memref<!tpu.dma_semaphore, #tpu.memory_space<semaphore_mem>>
      %dma_start3A_257 = arith.constant 0 : i32
      %dma_start3A_258 = tpu.memref_slice %arg6[%add3A_46, %dma_start3A_257] : memref<2048x2048xf32, #tpu.memory_space<hbm>> -> memref<8x2048xf32, #tpu.memory_space<hbm>>
      %dma_start3A_259 = arith.constant 0 : i32
      %dma_start3A_260 = tpu.memref_slice %arg6[%add3A_46, %dma_start3A_259] : memref<2048x2048xf32, #tpu.memory_space<hbm>> -> memref<8x2048xf32, #tpu.memory_space<hbm>>
      tpu.enqueue_dma source(%arg11 : memref<8x2048xf32, #tpu.memory_space<vmem>>) target(%dma_start3A_260 : memref<8x2048xf32, #tpu.memory_space<hbm>>) target_semaphore(%run_scoped3A : memref<!tpu.dma_semaphore, #tpu.memory_space<semaphore_mem>>)
      %dma_wait3A_261 = arith.constant 0 : i32
      %dma_wait3A_262 = tpu.memref_slice %arg6[%add3A_46, %dma_wait3A_261] : memref<2048x2048xf32, #tpu.memory_space<hbm>> -> memref<8x2048xf32, #tpu.memory_space<hbm>>
      %dma_wait3A_263 = arith.constant 0 : i32
      %dma_wait3A_264 = tpu.memref_slice %arg6[%add3A_46, %dma_wait3A_263] : memref<2048x2048xf32, #tpu.memory_space<hbm>> -> memref<8x2048xf32, #tpu.memory_space<hbm>>
      tpu.wait_dma2 semaphore(%run_scoped3A : memref<!tpu.dma_semaphore, #tpu.memory_space<semaphore_mem>>) src(%arg11 : memref<8x2048xf32, #tpu.memory_space<vmem>>) dst(%dma_wait3A_264 : memref<8x2048xf32, #tpu.memory_space<hbm>>)
      tpu.yield
    }) : () -> ()
    %dma_wait3A_47 = arith.constant 1 : i32
    %dma_wait3A_48 = arith.constant 0 : i32
    %dma_wait3A_49 = tpu.memref_slice %arg7[%dma_wait3A_47, %dma_wait3A_48] : memref<8x8xi32, #tpu.memory_space<vmem>> -> memref<1x8xi32, #tpu.memory_space<vmem>>
    %dma_wait3A_50 = tpu.memref_squeeze %dma_wait3A_49 : memref<1x8xi32, #tpu.memory_space<vmem>> -> memref<8xi32, #tpu.memory_space<vmem>>
    %dma_wait3A_51 = arith.constant 0 : i32
    %dma_wait3A_52 = arith.constant 0 : i32
    %dma_wait3A_53 = tpu.memref_slice %arg2[%dma_wait3A_51, %dma_wait3A_52] : memref<5888x2048xf32, #tpu.memory_space<hbm>> -> memref<5888x2048xf32, #tpu.memory_space<hbm>>
    tpu.wait_indirect_dma semaphore(%arg13 : memref<!tpu.dma_semaphore, #tpu.memory_space<semaphore_mem>>) src(%dma_wait3A_53 : memref<5888x2048xf32, #tpu.memory_space<hbm>>) dst(%arg10 : memref<8x2048xf32, #tpu.memory_space<vmem>>)
    %dma_wait3A_54 = arith.constant 1 : i32
    %dma_wait3A_55 = arith.constant 0 : i32
    %dma_wait3A_56 = tpu.memref_slice %arg8[%dma_wait3A_54, %dma_wait3A_55] : memref<8x8xi32, #tpu.memory_space<vmem>> -> memref<1x8xi32, #tpu.memory_space<vmem>>
    %dma_wait3A_57 = tpu.memref_squeeze %dma_wait3A_56 : memref<1x8xi32, #tpu.memory_space<vmem>> -> memref<8xi32, #tpu.memory_space<vmem>>
    %dma_wait3A_58 = arith.constant 0 : i32
    %dma_wait3A_59 = arith.constant 0 : i32
    %dma_wait3A_60 = tpu.memref_slice %arg2[%dma_wait3A_58, %dma_wait3A_59] : memref<5888x2048xf32, #tpu.memory_space<hbm>> -> memref<5888x2048xf32, #tpu.memory_space<hbm>>
    tpu.wait_indirect_dma semaphore(%arg14 : memref<!tpu.dma_semaphore, #tpu.memory_space<semaphore_mem>>) src(%dma_wait3A_60 : memref<5888x2048xf32, #tpu.memory_space<hbm>>) dst(%arg12 : memref<8x2048xf32, #tpu.memory_space<vmem>>)
    %dma_start3A_61 = arith.constant 2 : i32
    %dma_start3A_62 = arith.constant 0 : i32
    %dma_start3A_63 = tpu.memref_slice %arg7[%dma_start3A_61, %dma_start3A_62] : memref<8x8xi32, #tpu.memory_space<vmem>> -> memref<1x8xi32, #tpu.memory_space<vmem>>
    %dma_start3A_64 = tpu.memref_squeeze %dma_start3A_63 : memref<1x8xi32, #tpu.memory_space<vmem>> -> memref<8xi32, #tpu.memory_space<vmem>>
    %dma_start3A_65 = arith.constant 0 : i32
    %dma_start3A_66 = arith.constant 0 : i32
    %dma_start3A_67 = tpu.memref_slice %arg2[%dma_start3A_65, %dma_start3A_66] : memref<5888x2048xf32, #tpu.memory_space<hbm>> -> memref<5888x2048xf32, #tpu.memory_space<hbm>>
    tpu.enqueue_indirect_dma source(%dma_start3A_67 : memref<5888x2048xf32, #tpu.memory_space<hbm>>) target(%arg9 : memref<8x2048xf32, #tpu.memory_space<vmem>>) offsets(%dma_start3A_64 : memref<8xi32, #tpu.memory_space<vmem>>) semaphore(%arg13 : memref<!tpu.dma_semaphore, #tpu.memory_space<semaphore_mem>>)
    %dma_start3A_68 = arith.constant 2 : i32
    %dma_start3A_69 = arith.constant 0 : i32
    %dma_start3A_70 = tpu.memref_slice %arg8[%dma_start3A_68, %dma_start3A_69] : memref<8x8xi32, #tpu.memory_space<vmem>> -> memref<1x8xi32, #tpu.memory_space<vmem>>
    %dma_start3A_71 = tpu.memref_squeeze %dma_start3A_70 : memref<1x8xi32, #tpu.memory_space<vmem>> -> memref<8xi32, #tpu.memory_space<vmem>>
    %dma_start3A_72 = arith.constant 0 : i32
    %dma_start3A_73 = arith.constant 0 : i32
    %dma_start3A_74 = tpu.memref_slice %arg2[%dma_start3A_72, %dma_start3A_73] : memref<5888x2048xf32, #tpu.memory_space<hbm>> -> memref<5888x2048xf32, #tpu.memory_space<hbm>>
    tpu.enqueue_indirect_dma source(%dma_start3A_74 : memref<5888x2048xf32, #tpu.memory_space<hbm>>) target(%arg11 : memref<8x2048xf32, #tpu.memory_space<vmem>>) offsets(%dma_start3A_71 : memref<8xi32, #tpu.memory_space<vmem>>) semaphore(%arg14 : memref<!tpu.dma_semaphore, #tpu.memory_space<semaphore_mem>>)
    %add3A_75 = arith.constant 8 : i32
    %add3A_76 = arith.addi %mul3A_2, %add3A_75 : i32
    "tpu.region"() ({
      %run_scoped3A = tpu.sem_alloc : memref<!tpu.dma_semaphore, #tpu.memory_space<semaphore_mem>>
      %dma_start3A_257 = arith.constant 0 : i32
      %dma_start3A_258 = tpu.memref_slice %arg5[%add3A_76, %dma_start3A_257] : memref<2048x2048xf32, #tpu.memory_space<hbm>> -> memref<8x2048xf32, #tpu.memory_space<hbm>>
      %dma_start3A_259 = arith.constant 0 : i32
      %dma_start3A_260 = tpu.memref_slice %arg5[%add3A_76, %dma_start3A_259] : memref<2048x2048xf32, #tpu.memory_space<hbm>> -> memref<8x2048xf32, #tpu.memory_space<hbm>>
      tpu.enqueue_dma source(%arg10 : memref<8x2048xf32, #tpu.memory_space<vmem>>) target(%dma_start3A_260 : memref<8x2048xf32, #tpu.memory_space<hbm>>) target_semaphore(%run_scoped3A : memref<!tpu.dma_semaphore, #tpu.memory_space<semaphore_mem>>)
      %dma_wait3A_261 = arith.constant 0 : i32
      %dma_wait3A_262 = tpu.memref_slice %arg5[%add3A_76, %dma_wait3A_261] : memref<2048x2048xf32, #tpu.memory_space<hbm>> -> memref<8x2048xf32, #tpu.memory_space<hbm>>
      %dma_wait3A_263 = arith.constant 0 : i32
      %dma_wait3A_264 = tpu.memref_slice %arg5[%add3A_76, %dma_wait3A_263] : memref<2048x2048xf32, #tpu.memory_space<hbm>> -> memref<8x2048xf32, #tpu.memory_space<hbm>>
      tpu.wait_dma2 semaphore(%run_scoped3A : memref<!tpu.dma_semaphore, #tpu.memory_space<semaphore_mem>>) src(%arg10 : memref<8x2048xf32, #tpu.memory_space<vmem>>) dst(%dma_wait3A_264 : memref<8x2048xf32, #tpu.memory_space<hbm>>)
      tpu.yield
    }) : () -> ()
    %add3A_77 = arith.constant 8 : i32
    %add3A_78 = arith.addi %mul3A_2, %add3A_77 : i32
    "tpu.region"() ({
      %run_scoped3A = tpu.sem_alloc : memref<!tpu.dma_semaphore, #tpu.memory_space<semaphore_mem>>
      %dma_start3A_257 = arith.constant 0 : i32
      %dma_start3A_258 = tpu.memref_slice %arg6[%add3A_78, %dma_start3A_257] : memref<2048x2048xf32, #tpu.memory_space<hbm>> -> memref<8x2048xf32, #tpu.memory_space<hbm>>
      %dma_start3A_259 = arith.constant 0 : i32
      %dma_start3A_260 = tpu.memref_slice %arg6[%add3A_78, %dma_start3A_259] : memref<2048x2048xf32, #tpu.memory_space<hbm>> -> memref<8x2048xf32, #tpu.memory_space<hbm>>
      tpu.enqueue_dma source(%arg12 : memref<8x2048xf32, #tpu.memory_space<vmem>>) target(%dma_start3A_260 : memref<8x2048xf32, #tpu.memory_space<hbm>>) target_semaphore(%run_scoped3A : memref<!tpu.dma_semaphore, #tpu.memory_space<semaphore_mem>>)
      %dma_wait3A_261 = arith.constant 0 : i32
      %dma_wait3A_262 = tpu.memref_slice %arg6[%add3A_78, %dma_wait3A_261] : memref<2048x2048xf32, #tpu.memory_space<hbm>> -> memref<8x2048xf32, #tpu.memory_space<hbm>>
      %dma_wait3A_263 = arith.constant 0 : i32
      %dma_wait3A_264 = tpu.memref_slice %arg6[%add3A_78, %dma_wait3A_263] : memref<2048x2048xf32, #tpu.memory_space<hbm>> -> memref<8x2048xf32, #tpu.memory_space<hbm>>
      tpu.wait_dma2 semaphore(%run_scoped3A : memref<!tpu.dma_semaphore, #tpu.memory_space<semaphore_mem>>) src(%arg12 : memref<8x2048xf32, #tpu.memory_space<vmem>>) dst(%dma_wait3A_264 : memref<8x2048xf32, #tpu.memory_space<hbm>>)
      tpu.yield
    }) : () -> ()
    %dma_wait3A_79 = arith.constant 2 : i32
    %dma_wait3A_80 = arith.constant 0 : i32
    %dma_wait3A_81 = tpu.memref_slice %arg7[%dma_wait3A_79, %dma_wait3A_80] : memref<8x8xi32, #tpu.memory_space<vmem>> -> memref<1x8xi32, #tpu.memory_space<vmem>>
    %dma_wait3A_82 = tpu.memref_squeeze %dma_wait3A_81 : memref<1x8xi32, #tpu.memory_space<vmem>> -> memref<8xi32, #tpu.memory_space<vmem>>
    %dma_wait3A_83 = arith.constant 0 : i32
    %dma_wait3A_84 = arith.constant 0 : i32
    %dma_wait3A_85 = tpu.memref_slice %arg2[%dma_wait3A_83, %dma_wait3A_84] : memref<5888x2048xf32, #tpu.memory_space<hbm>> -> memref<5888x2048xf32, #tpu.memory_space<hbm>>
    tpu.wait_indirect_dma semaphore(%arg13 : memref<!tpu.dma_semaphore, #tpu.memory_space<semaphore_mem>>) src(%dma_wait3A_85 : memref<5888x2048xf32, #tpu.memory_space<hbm>>) dst(%arg9 : memref<8x2048xf32, #tpu.memory_space<vmem>>)
    %dma_wait3A_86 = arith.constant 2 : i32
    %dma_wait3A_87 = arith.constant 0 : i32
    %dma_wait3A_88 = tpu.memref_slice %arg8[%dma_wait3A_86, %dma_wait3A_87] : memref<8x8xi32, #tpu.memory_space<vmem>> -> memref<1x8xi32, #tpu.memory_space<vmem>>
    %dma_wait3A_89 = tpu.memref_squeeze %dma_wait3A_88 : memref<1x8xi32, #tpu.memory_space<vmem>> -> memref<8xi32, #tpu.memory_space<vmem>>
    %dma_wait3A_90 = arith.constant 0 : i32
    %dma_wait3A_91 = arith.constant 0 : i32
    %dma_wait3A_92 = tpu.memref_slice %arg2[%dma_wait3A_90, %dma_wait3A_91] : memref<5888x2048xf32, #tpu.memory_space<hbm>> -> memref<5888x2048xf32, #tpu.memory_space<hbm>>
    tpu.wait_indirect_dma semaphore(%arg14 : memref<!tpu.dma_semaphore, #tpu.memory_space<semaphore_mem>>) src(%dma_wait3A_92 : memref<5888x2048xf32, #tpu.memory_space<hbm>>) dst(%arg11 : memref<8x2048xf32, #tpu.memory_space<vmem>>)
    %dma_start3A_93 = arith.constant 3 : i32
    %dma_start3A_94 = arith.constant 0 : i32
    %dma_start3A_95 = tpu.memref_slice %arg7[%dma_start3A_93, %dma_start3A_94] : memref<8x8xi32, #tpu.memory_space<vmem>> -> memref<1x8xi32, #tpu.memory_space<vmem>>
    %dma_start3A_96 = tpu.memref_squeeze %dma_start3A_95 : memref<1x8xi32, #tpu.memory_space<vmem>> -> memref<8xi32, #tpu.memory_space<vmem>>
    %dma_start3A_97 = arith.constant 0 : i32
    %dma_start3A_98 = arith.constant 0 : i32
    %dma_start3A_99 = tpu.memref_slice %arg2[%dma_start3A_97, %dma_start3A_98] : memref<5888x2048xf32, #tpu.memory_space<hbm>> -> memref<5888x2048xf32, #tpu.memory_space<hbm>>
    tpu.enqueue_indirect_dma source(%dma_start3A_99 : memref<5888x2048xf32, #tpu.memory_space<hbm>>) target(%arg10 : memref<8x2048xf32, #tpu.memory_space<vmem>>) offsets(%dma_start3A_96 : memref<8xi32, #tpu.memory_space<vmem>>) semaphore(%arg13 : memref<!tpu.dma_semaphore, #tpu.memory_space<semaphore_mem>>)
    %dma_start3A_100 = arith.constant 3 : i32
    %dma_start3A_101 = arith.constant 0 : i32
    %dma_start3A_102 = tpu.memref_slice %arg8[%dma_start3A_100, %dma_start3A_101] : memref<8x8xi32, #tpu.memory_space<vmem>> -> memref<1x8xi32, #tpu.memory_space<vmem>>
    %dma_start3A_103 = tpu.memref_squeeze %dma_start3A_102 : memref<1x8xi32, #tpu.memory_space<vmem>> -> memref<8xi32, #tpu.memory_space<vmem>>
    %dma_start3A_104 = arith.constant 0 : i32
    %dma_start3A_105 = arith.constant 0 : i32
    %dma_start3A_106 = tpu.memref_slice %arg2[%dma_start3A_104, %dma_start3A_105] : memref<5888x2048xf32, #tpu.memory_space<hbm>> -> memref<5888x2048xf32, #tpu.memory_space<hbm>>
    tpu.enqueue_indirect_dma source(%dma_start3A_106 : memref<5888x2048xf32, #tpu.memory_space<hbm>>) target(%arg12 : memref<8x2048xf32, #tpu.memory_space<vmem>>) offsets(%dma_start3A_103 : memref<8xi32, #tpu.memory_space<vmem>>) semaphore(%arg14 : memref<!tpu.dma_semaphore, #tpu.memory_space<semaphore_mem>>)
    %add3A_107 = arith.constant 16 : i32
    %add3A_108 = arith.addi %mul3A_2, %add3A_107 : i32
    "tpu.region"() ({
      %run_scoped3A = tpu.sem_alloc : memref<!tpu.dma_semaphore, #tpu.memory_space<semaphore_mem>>
      %dma_start3A_257 = arith.constant 0 : i32
      %dma_start3A_258 = tpu.memref_slice %arg5[%add3A_108, %dma_start3A_257] : memref<2048x2048xf32, #tpu.memory_space<hbm>> -> memref<8x2048xf32, #tpu.memory_space<hbm>>
      %dma_start3A_259 = arith.constant 0 : i32
      %dma_start3A_260 = tpu.memref_slice %arg5[%add3A_108, %dma_start3A_259] : memref<2048x2048xf32, #tpu.memory_space<hbm>> -> memref<8x2048xf32, #tpu.memory_space<hbm>>
      tpu.enqueue_dma source(%arg9 : memref<8x2048xf32, #tpu.memory_space<vmem>>) target(%dma_start3A_260 : memref<8x2048xf32, #tpu.memory_space<hbm>>) target_semaphore(%run_scoped3A : memref<!tpu.dma_semaphore, #tpu.memory_space<semaphore_mem>>)
      %dma_wait3A_261 = arith.constant 0 : i32
      %dma_wait3A_262 = tpu.memref_slice %arg5[%add3A_108, %dma_wait3A_261] : memref<2048x2048xf32, #tpu.memory_space<hbm>> -> memref<8x2048xf32, #tpu.memory_space<hbm>>
      %dma_wait3A_263 = arith.constant 0 : i32
      %dma_wait3A_264 = tpu.memref_slice %arg5[%add3A_108, %dma_wait3A_263] : memref<2048x2048xf32, #tpu.memory_space<hbm>> -> memref<8x2048xf32, #tpu.memory_space<hbm>>
      tpu.wait_dma2 semaphore(%run_scoped3A : memref<!tpu.dma_semaphore, #tpu.memory_space<semaphore_mem>>) src(%arg9 : memref<8x2048xf32, #tpu.memory_space<vmem>>) dst(%dma_wait3A_264 : memref<8x2048xf32, #tpu.memory_space<hbm>>)
      tpu.yield
    }) : () -> ()
    %add3A_109 = arith.constant 16 : i32
    %add3A_110 = arith.addi %mul3A_2, %add3A_109 : i32
    "tpu.region"() ({
      %run_scoped3A = tpu.sem_alloc : memref<!tpu.dma_semaphore, #tpu.memory_space<semaphore_mem>>
      %dma_start3A_257 = arith.constant 0 : i32
      %dma_start3A_258 = tpu.memref_slice %arg6[%add3A_110, %dma_start3A_257] : memref<2048x2048xf32, #tpu.memory_space<hbm>> -> memref<8x2048xf32, #tpu.memory_space<hbm>>
      %dma_start3A_259 = arith.constant 0 : i32
      %dma_start3A_260 = tpu.memref_slice %arg6[%add3A_110, %dma_start3A_259] : memref<2048x2048xf32, #tpu.memory_space<hbm>> -> memref<8x2048xf32, #tpu.memory_space<hbm>>
      tpu.enqueue_dma source(%arg11 : memref<8x2048xf32, #tpu.memory_space<vmem>>) target(%dma_start3A_260 : memref<8x2048xf32, #tpu.memory_space<hbm>>) target_semaphore(%run_scoped3A : memref<!tpu.dma_semaphore, #tpu.memory_space<semaphore_mem>>)
      %dma_wait3A_261 = arith.constant 0 : i32
      %dma_wait3A_262 = tpu.memref_slice %arg6[%add3A_110, %dma_wait3A_261] : memref<2048x2048xf32, #tpu.memory_space<hbm>> -> memref<8x2048xf32, #tpu.memory_space<hbm>>
      %dma_wait3A_263 = arith.constant 0 : i32
      %dma_wait3A_264 = tpu.memref_slice %arg6[%add3A_110, %dma_wait3A_263] : memref<2048x2048xf32, #tpu.memory_space<hbm>> -> memref<8x2048xf32, #tpu.memory_space<hbm>>
      tpu.wait_dma2 semaphore(%run_scoped3A : memref<!tpu.dma_semaphore, #tpu.memory_space<semaphore_mem>>) src(%arg11 : memref<8x2048xf32, #tpu.memory_space<vmem>>) dst(%dma_wait3A_264 : memref<8x2048xf32, #tpu.memory_space<hbm>>)
      tpu.yield
    }) : () -> ()
    %dma_wait3A_111 = arith.constant 3 : i32
    %dma_wait3A_112 = arith.constant 0 : i32
    %dma_wait3A_113 = tpu.memref_slice %arg7[%dma_wait3A_111, %dma_wait3A_112] : memref<8x8xi32, #tpu.memory_space<vmem>> -> memref<1x8xi32, #tpu.memory_space<vmem>>
    %dma_wait3A_114 = tpu.memref_squeeze %dma_wait3A_113 : memref<1x8xi32, #tpu.memory_space<vmem>> -> memref<8xi32, #tpu.memory_space<vmem>>
    %dma_wait3A_115 = arith.constant 0 : i32
    %dma_wait3A_116 = arith.constant 0 : i32
    %dma_wait3A_117 = tpu.memref_slice %arg2[%dma_wait3A_115, %dma_wait3A_116] : memref<5888x2048xf32, #tpu.memory_space<hbm>> -> memref<5888x2048xf32, #tpu.memory_space<hbm>>
    tpu.wait_indirect_dma semaphore(%arg13 : memref<!tpu.dma_semaphore, #tpu.memory_space<semaphore_mem>>) src(%dma_wait3A_117 : memref<5888x2048xf32, #tpu.memory_space<hbm>>) dst(%arg10 : memref<8x2048xf32, #tpu.memory_space<vmem>>)
    %dma_wait3A_118 = arith.constant 3 : i32
    %dma_wait3A_119 = arith.constant 0 : i32
    %dma_wait3A_120 = tpu.memref_slice %arg8[%dma_wait3A_118, %dma_wait3A_119] : memref<8x8xi32, #tpu.memory_space<vmem>> -> memref<1x8xi32, #tpu.memory_space<vmem>>
    %dma_wait3A_121 = tpu.memref_squeeze %dma_wait3A_120 : memref<1x8xi32, #tpu.memory_space<vmem>> -> memref<8xi32, #tpu.memory_space<vmem>>
    %dma_wait3A_122 = arith.constant 0 : i32
    %dma_wait3A_123 = arith.constant 0 : i32
    %dma_wait3A_124 = tpu.memref_slice %arg2[%dma_wait3A_122, %dma_wait3A_123] : memref<5888x2048xf32, #tpu.memory_space<hbm>> -> memref<5888x2048xf32, #tpu.memory_space<hbm>>
    tpu.wait_indirect_dma semaphore(%arg14 : memref<!tpu.dma_semaphore, #tpu.memory_space<semaphore_mem>>) src(%dma_wait3A_124 : memref<5888x2048xf32, #tpu.memory_space<hbm>>) dst(%arg12 : memref<8x2048xf32, #tpu.memory_space<vmem>>)
    %dma_start3A_125 = arith.constant 4 : i32
    %dma_start3A_126 = arith.constant 0 : i32
    %dma_start3A_127 = tpu.memref_slice %arg7[%dma_start3A_125, %dma_start3A_126] : memref<8x8xi32, #tpu.memory_space<vmem>> -> memref<1x8xi32, #tpu.memory_space<vmem>>
    %dma_start3A_128 = tpu.memref_squeeze %dma_start3A_127 : memref<1x8xi32, #tpu.memory_space<vmem>> -> memref<8xi32, #tpu.memory_space<vmem>>
    %dma_start3A_129 = arith.constant 0 : i32
    %dma_start3A_130 = arith.constant 0 : i32
    %dma_start3A_131 = tpu.memref_slice %arg2[%dma_start3A_129, %dma_start3A_130] : memref<5888x2048xf32, #tpu.memory_space<hbm>> -> memref<5888x2048xf32, #tpu.memory_space<hbm>>
    tpu.enqueue_indirect_dma source(%dma_start3A_131 : memref<5888x2048xf32, #tpu.memory_space<hbm>>) target(%arg9 : memref<8x2048xf32, #tpu.memory_space<vmem>>) offsets(%dma_start3A_128 : memref<8xi32, #tpu.memory_space<vmem>>) semaphore(%arg13 : memref<!tpu.dma_semaphore, #tpu.memory_space<semaphore_mem>>)
    %dma_start3A_132 = arith.constant 4 : i32
    %dma_start3A_133 = arith.constant 0 : i32
    %dma_start3A_134 = tpu.memref_slice %arg8[%dma_start3A_132, %dma_start3A_133] : memref<8x8xi32, #tpu.memory_space<vmem>> -> memref<1x8xi32, #tpu.memory_space<vmem>>
    %dma_start3A_135 = tpu.memref_squeeze %dma_start3A_134 : memref<1x8xi32, #tpu.memory_space<vmem>> -> memref<8xi32, #tpu.memory_space<vmem>>
    %dma_start3A_136 = arith.constant 0 : i32
    %dma_start3A_137 = arith.constant 0 : i32
    %dma_start3A_138 = tpu.memref_slice %arg2[%dma_start3A_136, %dma_start3A_137] : memref<5888x2048xf32, #tpu.memory_space<hbm>> -> memref<5888x2048xf32, #tpu.memory_space<hbm>>
    tpu.enqueue_indirect_dma source(%dma_start3A_138 : memref<5888x2048xf32, #tpu.memory_space<hbm>>) target(%arg11 : memref<8x2048xf32, #tpu.memory_space<vmem>>) offsets(%dma_start3A_135 : memref<8xi32, #tpu.memory_space<vmem>>) semaphore(%arg14 : memref<!tpu.dma_semaphore, #tpu.memory_space<semaphore_mem>>)
    %add3A_139 = arith.constant 24 : i32
    %add3A_140 = arith.addi %mul3A_2, %add3A_139 : i32
    "tpu.region"() ({
      %run_scoped3A = tpu.sem_alloc : memref<!tpu.dma_semaphore, #tpu.memory_space<semaphore_mem>>
      %dma_start3A_257 = arith.constant 0 : i32
      %dma_start3A_258 = tpu.memref_slice %arg5[%add3A_140, %dma_start3A_257] : memref<2048x2048xf32, #tpu.memory_space<hbm>> -> memref<8x2048xf32, #tpu.memory_space<hbm>>
      %dma_start3A_259 = arith.constant 0 : i32
      %dma_start3A_260 = tpu.memref_slice %arg5[%add3A_140, %dma_start3A_259] : memref<2048x2048xf32, #tpu.memory_space<hbm>> -> memref<8x2048xf32, #tpu.memory_space<hbm>>
      tpu.enqueue_dma source(%arg10 : memref<8x2048xf32, #tpu.memory_space<vmem>>) target(%dma_start3A_260 : memref<8x2048xf32, #tpu.memory_space<hbm>>) target_semaphore(%run_scoped3A : memref<!tpu.dma_semaphore, #tpu.memory_space<semaphore_mem>>)
      %dma_wait3A_261 = arith.constant 0 : i32
      %dma_wait3A_262 = tpu.memref_slice %arg5[%add3A_140, %dma_wait3A_261] : memref<2048x2048xf32, #tpu.memory_space<hbm>> -> memref<8x2048xf32, #tpu.memory_space<hbm>>
      %dma_wait3A_263 = arith.constant 0 : i32
      %dma_wait3A_264 = tpu.memref_slice %arg5[%add3A_140, %dma_wait3A_263] : memref<2048x2048xf32, #tpu.memory_space<hbm>> -> memref<8x2048xf32, #tpu.memory_space<hbm>>
      tpu.wait_dma2 semaphore(%run_scoped3A : memref<!tpu.dma_semaphore, #tpu.memory_space<semaphore_mem>>) src(%arg10 : memref<8x2048xf32, #tpu.memory_space<vmem>>) dst(%dma_wait3A_264 : memref<8x2048xf32, #tpu.memory_space<hbm>>)
      tpu.yield
    }) : () -> ()
    %add3A_141 = arith.constant 24 : i32
    %add3A_142 = arith.addi %mul3A_2, %add3A_141 : i32
    "tpu.region"() ({
      %run_scoped3A = tpu.sem_alloc : memref<!tpu.dma_semaphore, #tpu.memory_space<semaphore_mem>>
      %dma_start3A_257 = arith.constant 0 : i32
      %dma_start3A_258 = tpu.memref_slice %arg6[%add3A_142, %dma_start3A_257] : memref<2048x2048xf32, #tpu.memory_space<hbm>> -> memref<8x2048xf32, #tpu.memory_space<hbm>>
      %dma_start3A_259 = arith.constant 0 : i32
      %dma_start3A_260 = tpu.memref_slice %arg6[%add3A_142, %dma_start3A_259] : memref<2048x2048xf32, #tpu.memory_space<hbm>> -> memref<8x2048xf32, #tpu.memory_space<hbm>>
      tpu.enqueue_dma source(%arg12 : memref<8x2048xf32, #tpu.memory_space<vmem>>) target(%dma_start3A_260 : memref<8x2048xf32, #tpu.memory_space<hbm>>) target_semaphore(%run_scoped3A : memref<!tpu.dma_semaphore, #tpu.memory_space<semaphore_mem>>)
      %dma_wait3A_261 = arith.constant 0 : i32
      %dma_wait3A_262 = tpu.memref_slice %arg6[%add3A_142, %dma_wait3A_261] : memref<2048x2048xf32, #tpu.memory_space<hbm>> -> memref<8x2048xf32, #tpu.memory_space<hbm>>
      %dma_wait3A_263 = arith.constant 0 : i32
      %dma_wait3A_264 = tpu.memref_slice %arg6[%add3A_142, %dma_wait3A_263] : memref<2048x2048xf32, #tpu.memory_space<hbm>> -> memref<8x2048xf32, #tpu.memory_space<hbm>>
      tpu.wait_dma2 semaphore(%run_scoped3A : memref<!tpu.dma_semaphore, #tpu.memory_space<semaphore_mem>>) src(%arg12 : memref<8x2048xf32, #tpu.memory_space<vmem>>) dst(%dma_wait3A_264 : memref<8x2048xf32, #tpu.memory_space<hbm>>)
      tpu.yield
    }) : () -> ()
    %dma_wait3A_143 = arith.constant 4 : i32
    %dma_wait3A_144 = arith.constant 0 : i32
    %dma_wait3A_145 = tpu.memref_slice %arg7[%dma_wait3A_143, %dma_wait3A_144] : memref<8x8xi32, #tpu.memory_space<vmem>> -> memref<1x8xi32, #tpu.memory_space<vmem>>
    %dma_wait3A_146 = tpu.memref_squeeze %dma_wait3A_145 : memref<1x8xi32, #tpu.memory_space<vmem>> -> memref<8xi32, #tpu.memory_space<vmem>>
    %dma_wait3A_147 = arith.constant 0 : i32
    %dma_wait3A_148 = arith.constant 0 : i32
    %dma_wait3A_149 = tpu.memref_slice %arg2[%dma_wait3A_147, %dma_wait3A_148] : memref<5888x2048xf32, #tpu.memory_space<hbm>> -> memref<5888x2048xf32, #tpu.memory_space<hbm>>
    tpu.wait_indirect_dma semaphore(%arg13 : memref<!tpu.dma_semaphore, #tpu.memory_space<semaphore_mem>>) src(%dma_wait3A_149 : memref<5888x2048xf32, #tpu.memory_space<hbm>>) dst(%arg9 : memref<8x2048xf32, #tpu.memory_space<vmem>>)
    %dma_wait3A_150 = arith.constant 4 : i32
    %dma_wait3A_151 = arith.constant 0 : i32
    %dma_wait3A_152 = tpu.memref_slice %arg8[%dma_wait3A_150, %dma_wait3A_151] : memref<8x8xi32, #tpu.memory_space<vmem>> -> memref<1x8xi32, #tpu.memory_space<vmem>>
    %dma_wait3A_153 = tpu.memref_squeeze %dma_wait3A_152 : memref<1x8xi32, #tpu.memory_space<vmem>> -> memref<8xi32, #tpu.memory_space<vmem>>
    %dma_wait3A_154 = arith.constant 0 : i32
    %dma_wait3A_155 = arith.constant 0 : i32
    %dma_wait3A_156 = tpu.memref_slice %arg2[%dma_wait3A_154, %dma_wait3A_155] : memref<5888x2048xf32, #tpu.memory_space<hbm>> -> memref<5888x2048xf32, #tpu.memory_space<hbm>>
    tpu.wait_indirect_dma semaphore(%arg14 : memref<!tpu.dma_semaphore, #tpu.memory_space<semaphore_mem>>) src(%dma_wait3A_156 : memref<5888x2048xf32, #tpu.memory_space<hbm>>) dst(%arg11 : memref<8x2048xf32, #tpu.memory_space<vmem>>)
    %dma_start3A_157 = arith.constant 5 : i32
    %dma_start3A_158 = arith.constant 0 : i32
    %dma_start3A_159 = tpu.memref_slice %arg7[%dma_start3A_157, %dma_start3A_158] : memref<8x8xi32, #tpu.memory_space<vmem>> -> memref<1x8xi32, #tpu.memory_space<vmem>>
    %dma_start3A_160 = tpu.memref_squeeze %dma_start3A_159 : memref<1x8xi32, #tpu.memory_space<vmem>> -> memref<8xi32, #tpu.memory_space<vmem>>
    %dma_start3A_161 = arith.constant 0 : i32
    %dma_start3A_162 = arith.constant 0 : i32
    %dma_start3A_163 = tpu.memref_slice %arg2[%dma_start3A_161, %dma_start3A_162] : memref<5888x2048xf32, #tpu.memory_space<hbm>> -> memref<5888x2048xf32, #tpu.memory_space<hbm>>
    tpu.enqueue_indirect_dma source(%dma_start3A_163 : memref<5888x2048xf32, #tpu.memory_space<hbm>>) target(%arg10 : memref<8x2048xf32, #tpu.memory_space<vmem>>) offsets(%dma_start3A_160 : memref<8xi32, #tpu.memory_space<vmem>>) semaphore(%arg13 : memref<!tpu.dma_semaphore, #tpu.memory_space<semaphore_mem>>)
    %dma_start3A_164 = arith.constant 5 : i32
    %dma_start3A_165 = arith.constant 0 : i32
    %dma_start3A_166 = tpu.memref_slice %arg8[%dma_start3A_164, %dma_start3A_165] : memref<8x8xi32, #tpu.memory_space<vmem>> -> memref<1x8xi32, #tpu.memory_space<vmem>>
    %dma_start3A_167 = tpu.memref_squeeze %dma_start3A_166 : memref<1x8xi32, #tpu.memory_space<vmem>> -> memref<8xi32, #tpu.memory_space<vmem>>
    %dma_start3A_168 = arith.constant 0 : i32
    %dma_start3A_169 = arith.constant 0 : i32
    %dma_start3A_170 = tpu.memref_slice %arg2[%dma_start3A_168, %dma_start3A_169] : memref<5888x2048xf32, #tpu.memory_space<hbm>> -> memref<5888x2048xf32, #tpu.memory_space<hbm>>
    tpu.enqueue_indirect_dma source(%dma_start3A_170 : memref<5888x2048xf32, #tpu.memory_space<hbm>>) target(%arg12 : memref<8x2048xf32, #tpu.memory_space<vmem>>) offsets(%dma_start3A_167 : memref<8xi32, #tpu.memory_space<vmem>>) semaphore(%arg14 : memref<!tpu.dma_semaphore, #tpu.memory_space<semaphore_mem>>)
    %add3A_171 = arith.constant 32 : i32
    %add3A_172 = arith.addi %mul3A_2, %add3A_171 : i32
    "tpu.region"() ({
      %run_scoped3A = tpu.sem_alloc : memref<!tpu.dma_semaphore, #tpu.memory_space<semaphore_mem>>
      %dma_start3A_257 = arith.constant 0 : i32
      %dma_start3A_258 = tpu.memref_slice %arg5[%add3A_172, %dma_start3A_257] : memref<2048x2048xf32, #tpu.memory_space<hbm>> -> memref<8x2048xf32, #tpu.memory_space<hbm>>
      %dma_start3A_259 = arith.constant 0 : i32
      %dma_start3A_260 = tpu.memref_slice %arg5[%add3A_172, %dma_start3A_259] : memref<2048x2048xf32, #tpu.memory_space<hbm>> -> memref<8x2048xf32, #tpu.memory_space<hbm>>
      tpu.enqueue_dma source(%arg9 : memref<8x2048xf32, #tpu.memory_space<vmem>>) target(%dma_start3A_260 : memref<8x2048xf32, #tpu.memory_space<hbm>>) target_semaphore(%run_scoped3A : memref<!tpu.dma_semaphore, #tpu.memory_space<semaphore_mem>>)
      %dma_wait3A_261 = arith.constant 0 : i32
      %dma_wait3A_262 = tpu.memref_slice %arg5[%add3A_172, %dma_wait3A_261] : memref<2048x2048xf32, #tpu.memory_space<hbm>> -> memref<8x2048xf32, #tpu.memory_space<hbm>>
      %dma_wait3A_263 = arith.constant 0 : i32
      %dma_wait3A_264 = tpu.memref_slice %arg5[%add3A_172, %dma_wait3A_263] : memref<2048x2048xf32, #tpu.memory_space<hbm>> -> memref<8x2048xf32, #tpu.memory_space<hbm>>
      tpu.wait_dma2 semaphore(%run_scoped3A : memref<!tpu.dma_semaphore, #tpu.memory_space<semaphore_mem>>) src(%arg9 : memref<8x2048xf32, #tpu.memory_space<vmem>>) dst(%dma_wait3A_264 : memref<8x2048xf32, #tpu.memory_space<hbm>>)
      tpu.yield
    }) : () -> ()
    %add3A_173 = arith.constant 32 : i32
    %add3A_174 = arith.addi %mul3A_2, %add3A_173 : i32
    "tpu.region"() ({
      %run_scoped3A = tpu.sem_alloc : memref<!tpu.dma_semaphore, #tpu.memory_space<semaphore_mem>>
      %dma_start3A_257 = arith.constant 0 : i32
      %dma_start3A_258 = tpu.memref_slice %arg6[%add3A_174, %dma_start3A_257] : memref<2048x2048xf32, #tpu.memory_space<hbm>> -> memref<8x2048xf32, #tpu.memory_space<hbm>>
      %dma_start3A_259 = arith.constant 0 : i32
      %dma_start3A_260 = tpu.memref_slice %arg6[%add3A_174, %dma_start3A_259] : memref<2048x2048xf32, #tpu.memory_space<hbm>> -> memref<8x2048xf32, #tpu.memory_space<hbm>>
      tpu.enqueue_dma source(%arg11 : memref<8x2048xf32, #tpu.memory_space<vmem>>) target(%dma_start3A_260 : memref<8x2048xf32, #tpu.memory_space<hbm>>) target_semaphore(%run_scoped3A : memref<!tpu.dma_semaphore, #tpu.memory_space<semaphore_mem>>)
      %dma_wait3A_261 = arith.constant 0 : i32
      %dma_wait3A_262 = tpu.memref_slice %arg6[%add3A_174, %dma_wait3A_261] : memref<2048x2048xf32, #tpu.memory_space<hbm>> -> memref<8x2048xf32, #tpu.memory_space<hbm>>
      %dma_wait3A_263 = arith.constant 0 : i32
      %dma_wait3A_264 = tpu.memref_slice %arg6[%add3A_174, %dma_wait3A_263] : memref<2048x2048xf32, #tpu.memory_space<hbm>> -> memref<8x2048xf32, #tpu.memory_space<hbm>>
      tpu.wait_dma2 semaphore(%run_scoped3A : memref<!tpu.dma_semaphore, #tpu.memory_space<semaphore_mem>>) src(%arg11 : memref<8x2048xf32, #tpu.memory_space<vmem>>) dst(%dma_wait3A_264 : memref<8x2048xf32, #tpu.memory_space<hbm>>)
      tpu.yield
    }) : () -> ()
    %dma_wait3A_175 = arith.constant 5 : i32
    %dma_wait3A_176 = arith.constant 0 : i32
    %dma_wait3A_177 = tpu.memref_slice %arg7[%dma_wait3A_175, %dma_wait3A_176] : memref<8x8xi32, #tpu.memory_space<vmem>> -> memref<1x8xi32, #tpu.memory_space<vmem>>
    %dma_wait3A_178 = tpu.memref_squeeze %dma_wait3A_177 : memref<1x8xi32, #tpu.memory_space<vmem>> -> memref<8xi32, #tpu.memory_space<vmem>>
    %dma_wait3A_179 = arith.constant 0 : i32
    %dma_wait3A_180 = arith.constant 0 : i32
    %dma_wait3A_181 = tpu.memref_slice %arg2[%dma_wait3A_179, %dma_wait3A_180] : memref<5888x2048xf32, #tpu.memory_space<hbm>> -> memref<5888x2048xf32, #tpu.memory_space<hbm>>
    tpu.wait_indirect_dma semaphore(%arg13 : memref<!tpu.dma_semaphore, #tpu.memory_space<semaphore_mem>>) src(%dma_wait3A_181 : memref<5888x2048xf32, #tpu.memory_space<hbm>>) dst(%arg10 : memref<8x2048xf32, #tpu.memory_space<vmem>>)
    %dma_wait3A_182 = arith.constant 5 : i32
    %dma_wait3A_183 = arith.constant 0 : i32
    %dma_wait3A_184 = tpu.memref_slice %arg8[%dma_wait3A_182, %dma_wait3A_183] : memref<8x8xi32, #tpu.memory_space<vmem>> -> memref<1x8xi32, #tpu.memory_space<vmem>>
    %dma_wait3A_185 = tpu.memref_squeeze %dma_wait3A_184 : memref<1x8xi32, #tpu.memory_space<vmem>> -> memref<8xi32, #tpu.memory_space<vmem>>
    %dma_wait3A_186 = arith.constant 0 : i32
    %dma_wait3A_187 = arith.constant 0 : i32
    %dma_wait3A_188 = tpu.memref_slice %arg2[%dma_wait3A_186, %dma_wait3A_187] : memref<5888x2048xf32, #tpu.memory_space<hbm>> -> memref<5888x2048xf32, #tpu.memory_space<hbm>>
    tpu.wait_indirect_dma semaphore(%arg14 : memref<!tpu.dma_semaphore, #tpu.memory_space<semaphore_mem>>) src(%dma_wait3A_188 : memref<5888x2048xf32, #tpu.memory_space<hbm>>) dst(%arg12 : memref<8x2048xf32, #tpu.memory_space<vmem>>)
    %dma_start3A_189 = arith.constant 6 : i32
    %dma_start3A_190 = arith.constant 0 : i32
    %dma_start3A_191 = tpu.memref_slice %arg7[%dma_start3A_189, %dma_start3A_190] : memref<8x8xi32, #tpu.memory_space<vmem>> -> memref<1x8xi32, #tpu.memory_space<vmem>>
    %dma_start3A_192 = tpu.memref_squeeze %dma_start3A_191 : memref<1x8xi32, #tpu.memory_space<vmem>> -> memref<8xi32, #tpu.memory_space<vmem>>
    %dma_start3A_193 = arith.constant 0 : i32
    %dma_start3A_194 = arith.constant 0 : i32
    %dma_start3A_195 = tpu.memref_slice %arg2[%dma_start3A_193, %dma_start3A_194] : memref<5888x2048xf32, #tpu.memory_space<hbm>> -> memref<5888x2048xf32, #tpu.memory_space<hbm>>
    tpu.enqueue_indirect_dma source(%dma_start3A_195 : memref<5888x2048xf32, #tpu.memory_space<hbm>>) target(%arg9 : memref<8x2048xf32, #tpu.memory_space<vmem>>) offsets(%dma_start3A_192 : memref<8xi32, #tpu.memory_space<vmem>>) semaphore(%arg13 : memref<!tpu.dma_semaphore, #tpu.memory_space<semaphore_mem>>)
    %dma_start3A_196 = arith.constant 6 : i32
    %dma_start3A_197 = arith.constant 0 : i32
    %dma_start3A_198 = tpu.memref_slice %arg8[%dma_start3A_196, %dma_start3A_197] : memref<8x8xi32, #tpu.memory_space<vmem>> -> memref<1x8xi32, #tpu.memory_space<vmem>>
    %dma_start3A_199 = tpu.memref_squeeze %dma_start3A_198 : memref<1x8xi32, #tpu.memory_space<vmem>> -> memref<8xi32, #tpu.memory_space<vmem>>
    %dma_start3A_200 = arith.constant 0 : i32
    %dma_start3A_201 = arith.constant 0 : i32
    %dma_start3A_202 = tpu.memref_slice %arg2[%dma_start3A_200, %dma_start3A_201] : memref<5888x2048xf32, #tpu.memory_space<hbm>> -> memref<5888x2048xf32, #tpu.memory_space<hbm>>
    tpu.enqueue_indirect_dma source(%dma_start3A_202 : memref<5888x2048xf32, #tpu.memory_space<hbm>>) target(%arg11 : memref<8x2048xf32, #tpu.memory_space<vmem>>) offsets(%dma_start3A_199 : memref<8xi32, #tpu.memory_space<vmem>>) semaphore(%arg14 : memref<!tpu.dma_semaphore, #tpu.memory_space<semaphore_mem>>)
    %add3A_203 = arith.constant 40 : i32
    %add3A_204 = arith.addi %mul3A_2, %add3A_203 : i32
    "tpu.region"() ({
      %run_scoped3A = tpu.sem_alloc : memref<!tpu.dma_semaphore, #tpu.memory_space<semaphore_mem>>
      %dma_start3A_257 = arith.constant 0 : i32
      %dma_start3A_258 = tpu.memref_slice %arg5[%add3A_204, %dma_start3A_257] : memref<2048x2048xf32, #tpu.memory_space<hbm>> -> memref<8x2048xf32, #tpu.memory_space<hbm>>
      %dma_start3A_259 = arith.constant 0 : i32
      %dma_start3A_260 = tpu.memref_slice %arg5[%add3A_204, %dma_start3A_259] : memref<2048x2048xf32, #tpu.memory_space<hbm>> -> memref<8x2048xf32, #tpu.memory_space<hbm>>
      tpu.enqueue_dma source(%arg10 : memref<8x2048xf32, #tpu.memory_space<vmem>>) target(%dma_start3A_260 : memref<8x2048xf32, #tpu.memory_space<hbm>>) target_semaphore(%run_scoped3A : memref<!tpu.dma_semaphore, #tpu.memory_space<semaphore_mem>>)
      %dma_wait3A_261 = arith.constant 0 : i32
      %dma_wait3A_262 = tpu.memref_slice %arg5[%add3A_204, %dma_wait3A_261] : memref<2048x2048xf32, #tpu.memory_space<hbm>> -> memref<8x2048xf32, #tpu.memory_space<hbm>>
      %dma_wait3A_263 = arith.constant 0 : i32
      %dma_wait3A_264 = tpu.memref_slice %arg5[%add3A_204, %dma_wait3A_263] : memref<2048x2048xf32, #tpu.memory_space<hbm>> -> memref<8x2048xf32, #tpu.memory_space<hbm>>
      tpu.wait_dma2 semaphore(%run_scoped3A : memref<!tpu.dma_semaphore, #tpu.memory_space<semaphore_mem>>) src(%arg10 : memref<8x2048xf32, #tpu.memory_space<vmem>>) dst(%dma_wait3A_264 : memref<8x2048xf32, #tpu.memory_space<hbm>>)
      tpu.yield
    }) : () -> ()
    %add3A_205 = arith.constant 40 : i32
    %add3A_206 = arith.addi %mul3A_2, %add3A_205 : i32
    "tpu.region"() ({
      %run_scoped3A = tpu.sem_alloc : memref<!tpu.dma_semaphore, #tpu.memory_space<semaphore_mem>>
      %dma_start3A_257 = arith.constant 0 : i32
      %dma_start3A_258 = tpu.memref_slice %arg6[%add3A_206, %dma_start3A_257] : memref<2048x2048xf32, #tpu.memory_space<hbm>> -> memref<8x2048xf32, #tpu.memory_space<hbm>>
      %dma_start3A_259 = arith.constant 0 : i32
      %dma_start3A_260 = tpu.memref_slice %arg6[%add3A_206, %dma_start3A_259] : memref<2048x2048xf32, #tpu.memory_space<hbm>> -> memref<8x2048xf32, #tpu.memory_space<hbm>>
      tpu.enqueue_dma source(%arg12 : memref<8x2048xf32, #tpu.memory_space<vmem>>) target(%dma_start3A_260 : memref<8x2048xf32, #tpu.memory_space<hbm>>) target_semaphore(%run_scoped3A : memref<!tpu.dma_semaphore, #tpu.memory_space<semaphore_mem>>)
      %dma_wait3A_261 = arith.constant 0 : i32
      %dma_wait3A_262 = tpu.memref_slice %arg6[%add3A_206, %dma_wait3A_261] : memref<2048x2048xf32, #tpu.memory_space<hbm>> -> memref<8x2048xf32, #tpu.memory_space<hbm>>
      %dma_wait3A_263 = arith.constant 0 : i32
      %dma_wait3A_264 = tpu.memref_slice %arg6[%add3A_206, %dma_wait3A_263] : memref<2048x2048xf32, #tpu.memory_space<hbm>> -> memref<8x2048xf32, #tpu.memory_space<hbm>>
      tpu.wait_dma2 semaphore(%run_scoped3A : memref<!tpu.dma_semaphore, #tpu.memory_space<semaphore_mem>>) src(%arg12 : memref<8x2048xf32, #tpu.memory_space<vmem>>) dst(%dma_wait3A_264 : memref<8x2048xf32, #tpu.memory_space<hbm>>)
      tpu.yield
    }) : () -> ()
    %dma_wait3A_207 = arith.constant 6 : i32
    %dma_wait3A_208 = arith.constant 0 : i32
    %dma_wait3A_209 = tpu.memref_slice %arg7[%dma_wait3A_207, %dma_wait3A_208] : memref<8x8xi32, #tpu.memory_space<vmem>> -> memref<1x8xi32, #tpu.memory_space<vmem>>
    %dma_wait3A_210 = tpu.memref_squeeze %dma_wait3A_209 : memref<1x8xi32, #tpu.memory_space<vmem>> -> memref<8xi32, #tpu.memory_space<vmem>>
    %dma_wait3A_211 = arith.constant 0 : i32
    %dma_wait3A_212 = arith.constant 0 : i32
    %dma_wait3A_213 = tpu.memref_slice %arg2[%dma_wait3A_211, %dma_wait3A_212] : memref<5888x2048xf32, #tpu.memory_space<hbm>> -> memref<5888x2048xf32, #tpu.memory_space<hbm>>
    tpu.wait_indirect_dma semaphore(%arg13 : memref<!tpu.dma_semaphore, #tpu.memory_space<semaphore_mem>>) src(%dma_wait3A_213 : memref<5888x2048xf32, #tpu.memory_space<hbm>>) dst(%arg9 : memref<8x2048xf32, #tpu.memory_space<vmem>>)
    %dma_wait3A_214 = arith.constant 6 : i32
    %dma_wait3A_215 = arith.constant 0 : i32
    %dma_wait3A_216 = tpu.memref_slice %arg8[%dma_wait3A_214, %dma_wait3A_215] : memref<8x8xi32, #tpu.memory_space<vmem>> -> memref<1x8xi32, #tpu.memory_space<vmem>>
    %dma_wait3A_217 = tpu.memref_squeeze %dma_wait3A_216 : memref<1x8xi32, #tpu.memory_space<vmem>> -> memref<8xi32, #tpu.memory_space<vmem>>
    %dma_wait3A_218 = arith.constant 0 : i32
    %dma_wait3A_219 = arith.constant 0 : i32
    %dma_wait3A_220 = tpu.memref_slice %arg2[%dma_wait3A_218, %dma_wait3A_219] : memref<5888x2048xf32, #tpu.memory_space<hbm>> -> memref<5888x2048xf32, #tpu.memory_space<hbm>>
    tpu.wait_indirect_dma semaphore(%arg14 : memref<!tpu.dma_semaphore, #tpu.memory_space<semaphore_mem>>) src(%dma_wait3A_220 : memref<5888x2048xf32, #tpu.memory_space<hbm>>) dst(%arg11 : memref<8x2048xf32, #tpu.memory_space<vmem>>)
    %dma_start3A_221 = arith.constant 7 : i32
    %dma_start3A_222 = arith.constant 0 : i32
    %dma_start3A_223 = tpu.memref_slice %arg7[%dma_start3A_221, %dma_start3A_222] : memref<8x8xi32, #tpu.memory_space<vmem>> -> memref<1x8xi32, #tpu.memory_space<vmem>>
    %dma_start3A_224 = tpu.memref_squeeze %dma_start3A_223 : memref<1x8xi32, #tpu.memory_space<vmem>> -> memref<8xi32, #tpu.memory_space<vmem>>
    %dma_start3A_225 = arith.constant 0 : i32
    %dma_start3A_226 = arith.constant 0 : i32
    %dma_start3A_227 = tpu.memref_slice %arg2[%dma_start3A_225, %dma_start3A_226] : memref<5888x2048xf32, #tpu.memory_space<hbm>> -> memref<5888x2048xf32, #tpu.memory_space<hbm>>
    tpu.enqueue_indirect_dma source(%dma_start3A_227 : memref<5888x2048xf32, #tpu.memory_space<hbm>>) target(%arg10 : memref<8x2048xf32, #tpu.memory_space<vmem>>) offsets(%dma_start3A_224 : memref<8xi32, #tpu.memory_space<vmem>>) semaphore(%arg13 : memref<!tpu.dma_semaphore, #tpu.memory_space<semaphore_mem>>)
    %dma_start3A_228 = arith.constant 7 : i32
    %dma_start3A_229 = arith.constant 0 : i32
    %dma_start3A_230 = tpu.memref_slice %arg8[%dma_start3A_228, %dma_start3A_229] : memref<8x8xi32, #tpu.memory_space<vmem>> -> memref<1x8xi32, #tpu.memory_space<vmem>>
    %dma_start3A_231 = tpu.memref_squeeze %dma_start3A_230 : memref<1x8xi32, #tpu.memory_space<vmem>> -> memref<8xi32, #tpu.memory_space<vmem>>
    %dma_start3A_232 = arith.constant 0 : i32
    %dma_start3A_233 = arith.constant 0 : i32
    %dma_start3A_234 = tpu.memref_slice %arg2[%dma_start3A_232, %dma_start3A_233] : memref<5888x2048xf32, #tpu.memory_space<hbm>> -> memref<5888x2048xf32, #tpu.memory_space<hbm>>
    tpu.enqueue_indirect_dma source(%dma_start3A_234 : memref<5888x2048xf32, #tpu.memory_space<hbm>>) target(%arg12 : memref<8x2048xf32, #tpu.memory_space<vmem>>) offsets(%dma_start3A_231 : memref<8xi32, #tpu.memory_space<vmem>>) semaphore(%arg14 : memref<!tpu.dma_semaphore, #tpu.memory_space<semaphore_mem>>)
    %add3A_235 = arith.constant 48 : i32
    %add3A_236 = arith.addi %mul3A_2, %add3A_235 : i32
    "tpu.region"() ({
      %run_scoped3A = tpu.sem_alloc : memref<!tpu.dma_semaphore, #tpu.memory_space<semaphore_mem>>
      %dma_start3A_257 = arith.constant 0 : i32
      %dma_start3A_258 = tpu.memref_slice %arg5[%add3A_236, %dma_start3A_257] : memref<2048x2048xf32, #tpu.memory_space<hbm>> -> memref<8x2048xf32, #tpu.memory_space<hbm>>
      %dma_start3A_259 = arith.constant 0 : i32
      %dma_start3A_260 = tpu.memref_slice %arg5[%add3A_236, %dma_start3A_259] : memref<2048x2048xf32, #tpu.memory_space<hbm>> -> memref<8x2048xf32, #tpu.memory_space<hbm>>
      tpu.enqueue_dma source(%arg9 : memref<8x2048xf32, #tpu.memory_space<vmem>>) target(%dma_start3A_260 : memref<8x2048xf32, #tpu.memory_space<hbm>>) target_semaphore(%run_scoped3A : memref<!tpu.dma_semaphore, #tpu.memory_space<semaphore_mem>>)
      %dma_wait3A_261 = arith.constant 0 : i32
      %dma_wait3A_262 = tpu.memref_slice %arg5[%add3A_236, %dma_wait3A_261] : memref<2048x2048xf32, #tpu.memory_space<hbm>> -> memref<8x2048xf32, #tpu.memory_space<hbm>>
      %dma_wait3A_263 = arith.constant 0 : i32
      %dma_wait3A_264 = tpu.memref_slice %arg5[%add3A_236, %dma_wait3A_263] : memref<2048x2048xf32, #tpu.memory_space<hbm>> -> memref<8x2048xf32, #tpu.memory_space<hbm>>
      tpu.wait_dma2 semaphore(%run_scoped3A : memref<!tpu.dma_semaphore, #tpu.memory_space<semaphore_mem>>) src(%arg9 : memref<8x2048xf32, #tpu.memory_space<vmem>>) dst(%dma_wait3A_264 : memref<8x2048xf32, #tpu.memory_space<hbm>>)
      tpu.yield
    }) : () -> ()
    %add3A_237 = arith.constant 48 : i32
    %add3A_238 = arith.addi %mul3A_2, %add3A_237 : i32
    "tpu.region"() ({
      %run_scoped3A = tpu.sem_alloc : memref<!tpu.dma_semaphore, #tpu.memory_space<semaphore_mem>>
      %dma_start3A_257 = arith.constant 0 : i32
      %dma_start3A_258 = tpu.memref_slice %arg6[%add3A_238, %dma_start3A_257] : memref<2048x2048xf32, #tpu.memory_space<hbm>> -> memref<8x2048xf32, #tpu.memory_space<hbm>>
      %dma_start3A_259 = arith.constant 0 : i32
      %dma_start3A_260 = tpu.memref_slice %arg6[%add3A_238, %dma_start3A_259] : memref<2048x2048xf32, #tpu.memory_space<hbm>> -> memref<8x2048xf32, #tpu.memory_space<hbm>>
      tpu.enqueue_dma source(%arg11 : memref<8x2048xf32, #tpu.memory_space<vmem>>) target(%dma_start3A_260 : memref<8x2048xf32, #tpu.memory_space<hbm>>) target_semaphore(%run_scoped3A : memref<!tpu.dma_semaphore, #tpu.memory_space<semaphore_mem>>)
      %dma_wait3A_261 = arith.constant 0 : i32
      %dma_wait3A_262 = tpu.memref_slice %arg6[%add3A_238, %dma_wait3A_261] : memref<2048x2048xf32, #tpu.memory_space<hbm>> -> memref<8x2048xf32, #tpu.memory_space<hbm>>
      %dma_wait3A_263 = arith.constant 0 : i32
      %dma_wait3A_264 = tpu.memref_slice %arg6[%add3A_238, %dma_wait3A_263] : memref<2048x2048xf32, #tpu.memory_space<hbm>> -> memref<8x2048xf32, #tpu.memory_space<hbm>>
      tpu.wait_dma2 semaphore(%run_scoped3A : memref<!tpu.dma_semaphore, #tpu.memory_space<semaphore_mem>>) src(%arg11 : memref<8x2048xf32, #tpu.memory_space<vmem>>) dst(%dma_wait3A_264 : memref<8x2048xf32, #tpu.memory_space<hbm>>)
      tpu.yield
    }) : () -> ()
    %dma_wait3A_239 = arith.constant 7 : i32
    %dma_wait3A_240 = arith.constant 0 : i32
    %dma_wait3A_241 = tpu.memref_slice %arg7[%dma_wait3A_239, %dma_wait3A_240] : memref<8x8xi32, #tpu.memory_space<vmem>> -> memref<1x8xi32, #tpu.memory_space<vmem>>
    %dma_wait3A_242 = tpu.memref_squeeze %dma_wait3A_241 : memref<1x8xi32, #tpu.memory_space<vmem>> -> memref<8xi32, #tpu.memory_space<vmem>>
    %dma_wait3A_243 = arith.constant 0 : i32
    %dma_wait3A_244 = arith.constant 0 : i32
    %dma_wait3A_245 = tpu.memref_slice %arg2[%dma_wait3A_243, %dma_wait3A_244] : memref<5888x2048xf32, #tpu.memory_space<hbm>> -> memref<5888x2048xf32, #tpu.memory_space<hbm>>
    tpu.wait_indirect_dma semaphore(%arg13 : memref<!tpu.dma_semaphore, #tpu.memory_space<semaphore_mem>>) src(%dma_wait3A_245 : memref<5888x2048xf32, #tpu.memory_space<hbm>>) dst(%arg10 : memref<8x2048xf32, #tpu.memory_space<vmem>>)
    %dma_wait3A_246 = arith.constant 7 : i32
    %dma_wait3A_247 = arith.constant 0 : i32
    %dma_wait3A_248 = tpu.memref_slice %arg8[%dma_wait3A_246, %dma_wait3A_247] : memref<8x8xi32, #tpu.memory_space<vmem>> -> memref<1x8xi32, #tpu.memory_space<vmem>>
    %dma_wait3A_249 = tpu.memref_squeeze %dma_wait3A_248 : memref<1x8xi32, #tpu.memory_space<vmem>> -> memref<8xi32, #tpu.memory_space<vmem>>
    %dma_wait3A_250 = arith.constant 0 : i32
    %dma_wait3A_251 = arith.constant 0 : i32
    %dma_wait3A_252 = tpu.memref_slice %arg2[%dma_wait3A_250, %dma_wait3A_251] : memref<5888x2048xf32, #tpu.memory_space<hbm>> -> memref<5888x2048xf32, #tpu.memory_space<hbm>>
    tpu.wait_indirect_dma semaphore(%arg14 : memref<!tpu.dma_semaphore, #tpu.memory_space<semaphore_mem>>) src(%dma_wait3A_252 : memref<5888x2048xf32, #tpu.memory_space<hbm>>) dst(%arg12 : memref<8x2048xf32, #tpu.memory_space<vmem>>)
    %add3A_253 = arith.constant 56 : i32
    %add3A_254 = arith.addi %mul3A_2, %add3A_253 : i32
    "tpu.region"() ({
      %run_scoped3A = tpu.sem_alloc : memref<!tpu.dma_semaphore, #tpu.memory_space<semaphore_mem>>
      %dma_start3A_257 = arith.constant 0 : i32
      %dma_start3A_258 = tpu.memref_slice %arg5[%add3A_254, %dma_start3A_257] : memref<2048x2048xf32, #tpu.memory_space<hbm>> -> memref<8x2048xf32, #tpu.memory_space<hbm>>
      %dma_start3A_259 = arith.constant 0 : i32
      %dma_start3A_260 = tpu.memref_slice %arg5[%add3A_254, %dma_start3A_259] : memref<2048x2048xf32, #tpu.memory_space<hbm>> -> memref<8x2048xf32, #tpu.memory_space<hbm>>
      tpu.enqueue_dma source(%arg10 : memref<8x2048xf32, #tpu.memory_space<vmem>>) target(%dma_start3A_260 : memref<8x2048xf32, #tpu.memory_space<hbm>>) target_semaphore(%run_scoped3A : memref<!tpu.dma_semaphore, #tpu.memory_space<semaphore_mem>>)
      %dma_wait3A_261 = arith.constant 0 : i32
      %dma_wait3A_262 = tpu.memref_slice %arg5[%add3A_254, %dma_wait3A_261] : memref<2048x2048xf32, #tpu.memory_space<hbm>> -> memref<8x2048xf32, #tpu.memory_space<hbm>>
      %dma_wait3A_263 = arith.constant 0 : i32
      %dma_wait3A_264 = tpu.memref_slice %arg5[%add3A_254, %dma_wait3A_263] : memref<2048x2048xf32, #tpu.memory_space<hbm>> -> memref<8x2048xf32, #tpu.memory_space<hbm>>
      tpu.wait_dma2 semaphore(%run_scoped3A : memref<!tpu.dma_semaphore, #tpu.memory_space<semaphore_mem>>) src(%arg10 : memref<8x2048xf32, #tpu.memory_space<vmem>>) dst(%dma_wait3A_264 : memref<8x2048xf32, #tpu.memory_space<hbm>>)
      tpu.yield
    }) : () -> ()
    %add3A_255 = arith.constant 56 : i32
    %add3A_256 = arith.addi %mul3A_2, %add3A_255 : i32
    "tpu.region"() ({
      %run_scoped3A = tpu.sem_alloc : memref<!tpu.dma_semaphore, #tpu.memory_space<semaphore_mem>>
      %dma_start3A_257 = arith.constant 0 : i32
      %dma_start3A_258 = tpu.memref_slice %arg6[%add3A_256, %dma_start3A_257] : memref<2048x2048xf32, #tpu.memory_space<hbm>> -> memref<8x2048xf32, #tpu.memory_space<hbm>>
      %dma_start3A_259 = arith.constant 0 : i32
      %dma_start3A_260 = tpu.memref_slice %arg6[%add3A_256, %dma_start3A_259] : memref<2048x2048xf32, #tpu.memory_space<hbm>> -> memref<8x2048xf32, #tpu.memory_space<hbm>>
      tpu.enqueue_dma source(%arg12 : memref<8x2048xf32, #tpu.memory_space<vmem>>) target(%dma_start3A_260 : memref<8x2048xf32, #tpu.memory_space<hbm>>) target_semaphore(%run_scoped3A : memref<!tpu.dma_semaphore, #tpu.memory_space<semaphore_mem>>)
      %dma_wait3A_261 = arith.constant 0 : i32
      %dma_wait3A_262 = tpu.memref_slice %arg6[%add3A_256, %dma_wait3A_261] : memref<2048x2048xf32, #tpu.memory_space<hbm>> -> memref<8x2048xf32, #tpu.memory_space<hbm>>
      %dma_wait3A_263 = arith.constant 0 : i32
      %dma_wait3A_264 = tpu.memref_slice %arg6[%add3A_256, %dma_wait3A_263] : memref<2048x2048xf32, #tpu.memory_space<hbm>> -> memref<8x2048xf32, #tpu.memory_space<hbm>>
      tpu.wait_dma2 semaphore(%run_scoped3A : memref<!tpu.dma_semaphore, #tpu.memory_space<semaphore_mem>>) src(%arg12 : memref<8x2048xf32, #tpu.memory_space<vmem>>) dst(%dma_wait3A_264 : memref<8x2048xf32, #tpu.memory_space<hbm>>)
      tpu.yield
    }) : () -> ()
    return
  }
}

#map = affine_map<(d0, d1) -> (0, 0)>
#map1 = affine_map<(d0, d1) -> (0, 0, 0)>
module attributes {stable_mosaic.version = 14 : i64} {
  func.func @_dispatch_body(%arg0: i32, %arg1: i32, %arg2: memref<2048x2048xf32, #tpu.memory_space<hbm>>, %arg3: memref<32x8x8xi32, #tpu.memory_space<hbm>>, %arg4: memref<32x8x8xi32, #tpu.memory_space<hbm>>, %arg5: memref<5888x2048xf32, #tpu.memory_space<hbm>>, %arg6: memref<8x8xi32, #tpu.memory_space<vmem>>, %arg7: memref<8x8xi32, #tpu.memory_space<vmem>>, %arg8: memref<8x2048xf32, #tpu.memory_space<vmem>>, %arg9: memref<8x2048xf32, #tpu.memory_space<vmem>>, %arg10: memref<!tpu.dma_semaphore, #tpu.memory_space<semaphore_mem>>, %arg11: memref<!tpu.dma_semaphore, #tpu.memory_space<semaphore_mem>>, %arg12: memref<!tpu.dma_semaphore, #tpu.memory_space<semaphore_mem>>) attributes {dimension_semantics = [#tpu.dimension_semantics<core_parallel>, #tpu.dimension_semantics<subcore_parallel>], iteration_bounds = array<i64: 2, 16>, scalar_prefetch = 0 : i64, scratch_operands = 7 : i64, tpu.core_type = #tpu.core_type<sc_vector_subcore>, window_params = [{transform_indices = #map}, {transform_indices = #map1}, {transform_indices = #map1}, {transform_indices = #map}]} {
    %mul3A = arith.constant 2 : i32
    %mul3A_0 = arith.muli %arg1, %mul3A : i32
    %add3A = arith.addi %mul3A_0, %arg0 : i32
    %mul3A_1 = arith.constant 64 : i32
    %mul3A_2 = arith.muli %add3A, %mul3A_1 : i32
    "tpu.region"() ({
      %run_scoped3A = tpu.sem_alloc : memref<!tpu.dma_semaphore, #tpu.memory_space<semaphore_mem>>
      %dma_start3A_303 = arith.constant 0 : i32
      %dma_start3A_304 = arith.constant 0 : i32
      %dma_start3A_305 = tpu.memref_slice %arg3[%add3A, %dma_start3A_303, %dma_start3A_304] : memref<32x8x8xi32, #tpu.memory_space<hbm>> -> memref<1x8x8xi32, #tpu.memory_space<hbm>>
      %dma_start3A_306 = tpu.memref_squeeze %dma_start3A_305 : memref<1x8x8xi32, #tpu.memory_space<hbm>> -> memref<8x8xi32, #tpu.memory_space<hbm>>
      %dma_start3A_307 = arith.constant 0 : i32
      %dma_start3A_308 = arith.constant 0 : i32
      %dma_start3A_309 = tpu.memref_slice %arg3[%add3A, %dma_start3A_307, %dma_start3A_308] : memref<32x8x8xi32, #tpu.memory_space<hbm>> -> memref<1x8x8xi32, #tpu.memory_space<hbm>>
      %dma_start3A_310 = tpu.memref_squeeze %dma_start3A_309 : memref<1x8x8xi32, #tpu.memory_space<hbm>> -> memref<8x8xi32, #tpu.memory_space<hbm>>
      tpu.enqueue_dma source(%dma_start3A_310 : memref<8x8xi32, #tpu.memory_space<hbm>>) target(%arg6 : memref<8x8xi32, #tpu.memory_space<vmem>>) target_semaphore(%run_scoped3A : memref<!tpu.dma_semaphore, #tpu.memory_space<semaphore_mem>>)
      %dma_wait3A_311 = arith.constant 0 : i32
      %dma_wait3A_312 = arith.constant 0 : i32
      %dma_wait3A_313 = tpu.memref_slice %arg3[%add3A, %dma_wait3A_311, %dma_wait3A_312] : memref<32x8x8xi32, #tpu.memory_space<hbm>> -> memref<1x8x8xi32, #tpu.memory_space<hbm>>
      %dma_wait3A_314 = tpu.memref_squeeze %dma_wait3A_313 : memref<1x8x8xi32, #tpu.memory_space<hbm>> -> memref<8x8xi32, #tpu.memory_space<hbm>>
      %dma_wait3A_315 = arith.constant 0 : i32
      %dma_wait3A_316 = arith.constant 0 : i32
      %dma_wait3A_317 = tpu.memref_slice %arg3[%add3A, %dma_wait3A_315, %dma_wait3A_316] : memref<32x8x8xi32, #tpu.memory_space<hbm>> -> memref<1x8x8xi32, #tpu.memory_space<hbm>>
      %dma_wait3A_318 = tpu.memref_squeeze %dma_wait3A_317 : memref<1x8x8xi32, #tpu.memory_space<hbm>> -> memref<8x8xi32, #tpu.memory_space<hbm>>
      tpu.wait_dma2 semaphore(%run_scoped3A : memref<!tpu.dma_semaphore, #tpu.memory_space<semaphore_mem>>) src(%dma_wait3A_318 : memref<8x8xi32, #tpu.memory_space<hbm>>) dst(%arg6 : memref<8x8xi32, #tpu.memory_space<vmem>>)
      tpu.yield
    }) : () -> ()
    "tpu.region"() ({
      %run_scoped3A = tpu.sem_alloc : memref<!tpu.dma_semaphore, #tpu.memory_space<semaphore_mem>>
      %dma_start3A_303 = arith.constant 0 : i32
      %dma_start3A_304 = arith.constant 0 : i32
      %dma_start3A_305 = tpu.memref_slice %arg4[%add3A, %dma_start3A_303, %dma_start3A_304] : memref<32x8x8xi32, #tpu.memory_space<hbm>> -> memref<1x8x8xi32, #tpu.memory_space<hbm>>
      %dma_start3A_306 = tpu.memref_squeeze %dma_start3A_305 : memref<1x8x8xi32, #tpu.memory_space<hbm>> -> memref<8x8xi32, #tpu.memory_space<hbm>>
      %dma_start3A_307 = arith.constant 0 : i32
      %dma_start3A_308 = arith.constant 0 : i32
      %dma_start3A_309 = tpu.memref_slice %arg4[%add3A, %dma_start3A_307, %dma_start3A_308] : memref<32x8x8xi32, #tpu.memory_space<hbm>> -> memref<1x8x8xi32, #tpu.memory_space<hbm>>
      %dma_start3A_310 = tpu.memref_squeeze %dma_start3A_309 : memref<1x8x8xi32, #tpu.memory_space<hbm>> -> memref<8x8xi32, #tpu.memory_space<hbm>>
      tpu.enqueue_dma source(%dma_start3A_310 : memref<8x8xi32, #tpu.memory_space<hbm>>) target(%arg7 : memref<8x8xi32, #tpu.memory_space<vmem>>) target_semaphore(%run_scoped3A : memref<!tpu.dma_semaphore, #tpu.memory_space<semaphore_mem>>)
      %dma_wait3A_311 = arith.constant 0 : i32
      %dma_wait3A_312 = arith.constant 0 : i32
      %dma_wait3A_313 = tpu.memref_slice %arg4[%add3A, %dma_wait3A_311, %dma_wait3A_312] : memref<32x8x8xi32, #tpu.memory_space<hbm>> -> memref<1x8x8xi32, #tpu.memory_space<hbm>>
      %dma_wait3A_314 = tpu.memref_squeeze %dma_wait3A_313 : memref<1x8x8xi32, #tpu.memory_space<hbm>> -> memref<8x8xi32, #tpu.memory_space<hbm>>
      %dma_wait3A_315 = arith.constant 0 : i32
      %dma_wait3A_316 = arith.constant 0 : i32
      %dma_wait3A_317 = tpu.memref_slice %arg4[%add3A, %dma_wait3A_315, %dma_wait3A_316] : memref<32x8x8xi32, #tpu.memory_space<hbm>> -> memref<1x8x8xi32, #tpu.memory_space<hbm>>
      %dma_wait3A_318 = tpu.memref_squeeze %dma_wait3A_317 : memref<1x8x8xi32, #tpu.memory_space<hbm>> -> memref<8x8xi32, #tpu.memory_space<hbm>>
      tpu.wait_dma2 semaphore(%run_scoped3A : memref<!tpu.dma_semaphore, #tpu.memory_space<semaphore_mem>>) src(%dma_wait3A_318 : memref<8x8xi32, #tpu.memory_space<hbm>>) dst(%arg7 : memref<8x8xi32, #tpu.memory_space<vmem>>)
      tpu.yield
    }) : () -> ()
    %dma_start3A = arith.constant 0 : i32
    %dma_start3A_3 = tpu.memref_slice %arg2[%mul3A_2, %dma_start3A] : memref<2048x2048xf32, #tpu.memory_space<hbm>> -> memref<8x2048xf32, #tpu.memory_space<hbm>>
    %dma_start3A_4 = arith.constant 0 : i32
    %dma_start3A_5 = tpu.memref_slice %arg2[%mul3A_2, %dma_start3A_4] : memref<2048x2048xf32, #tpu.memory_space<hbm>> -> memref<8x2048xf32, #tpu.memory_space<hbm>>
    tpu.enqueue_dma source(%dma_start3A_5 : memref<8x2048xf32, #tpu.memory_space<hbm>>) target(%arg8 : memref<8x2048xf32, #tpu.memory_space<vmem>>) target_semaphore(%arg10 : memref<!tpu.dma_semaphore, #tpu.memory_space<semaphore_mem>>)
    %dma_wait3A = arith.constant 0 : i32
    %dma_wait3A_6 = tpu.memref_slice %arg2[%mul3A_2, %dma_wait3A] : memref<2048x2048xf32, #tpu.memory_space<hbm>> -> memref<8x2048xf32, #tpu.memory_space<hbm>>
    %dma_wait3A_7 = arith.constant 0 : i32
    %dma_wait3A_8 = tpu.memref_slice %arg2[%mul3A_2, %dma_wait3A_7] : memref<2048x2048xf32, #tpu.memory_space<hbm>> -> memref<8x2048xf32, #tpu.memory_space<hbm>>
    tpu.wait_dma2 semaphore(%arg10 : memref<!tpu.dma_semaphore, #tpu.memory_space<semaphore_mem>>) src(%dma_wait3A_8 : memref<8x2048xf32, #tpu.memory_space<hbm>>) dst(%arg8 : memref<8x2048xf32, #tpu.memory_space<vmem>>)
    %dma_start3A_9 = arith.constant 0 : i32
    %dma_start3A_10 = arith.constant 0 : i32
    %dma_start3A_11 = tpu.memref_slice %arg6[%dma_start3A_9, %dma_start3A_10] : memref<8x8xi32, #tpu.memory_space<vmem>> -> memref<1x8xi32, #tpu.memory_space<vmem>>
    %dma_start3A_12 = tpu.memref_squeeze %dma_start3A_11 : memref<1x8xi32, #tpu.memory_space<vmem>> -> memref<8xi32, #tpu.memory_space<vmem>>
    %dma_start3A_13 = arith.constant 0 : i32
    %dma_start3A_14 = arith.constant 0 : i32
    %dma_start3A_15 = tpu.memref_slice %arg5[%dma_start3A_13, %dma_start3A_14] : memref<5888x2048xf32, #tpu.memory_space<hbm>> -> memref<5888x2048xf32, #tpu.memory_space<hbm>>
    tpu.enqueue_indirect_dma source(%arg8 : memref<8x2048xf32, #tpu.memory_space<vmem>>) target(%dma_start3A_15 : memref<5888x2048xf32, #tpu.memory_space<hbm>>) offsets(%dma_start3A_12 : memref<8xi32, #tpu.memory_space<vmem>>) semaphore(%arg11 : memref<!tpu.dma_semaphore, #tpu.memory_space<semaphore_mem>>)
    %dma_start3A_16 = arith.constant 0 : i32
    %dma_start3A_17 = arith.constant 0 : i32
    %dma_start3A_18 = tpu.memref_slice %arg7[%dma_start3A_16, %dma_start3A_17] : memref<8x8xi32, #tpu.memory_space<vmem>> -> memref<1x8xi32, #tpu.memory_space<vmem>>
    %dma_start3A_19 = tpu.memref_squeeze %dma_start3A_18 : memref<1x8xi32, #tpu.memory_space<vmem>> -> memref<8xi32, #tpu.memory_space<vmem>>
    %dma_start3A_20 = arith.constant 0 : i32
    %dma_start3A_21 = arith.constant 0 : i32
    %dma_start3A_22 = tpu.memref_slice %arg5[%dma_start3A_20, %dma_start3A_21] : memref<5888x2048xf32, #tpu.memory_space<hbm>> -> memref<5888x2048xf32, #tpu.memory_space<hbm>>
    tpu.enqueue_indirect_dma source(%arg8 : memref<8x2048xf32, #tpu.memory_space<vmem>>) target(%dma_start3A_22 : memref<5888x2048xf32, #tpu.memory_space<hbm>>) offsets(%dma_start3A_19 : memref<8xi32, #tpu.memory_space<vmem>>) semaphore(%arg12 : memref<!tpu.dma_semaphore, #tpu.memory_space<semaphore_mem>>)
    %add3A_23 = arith.constant 8 : i32
    %add3A_24 = arith.addi %mul3A_2, %add3A_23 : i32
    %dma_start3A_25 = arith.constant 0 : i32
    %dma_start3A_26 = tpu.memref_slice %arg2[%add3A_24, %dma_start3A_25] : memref<2048x2048xf32, #tpu.memory_space<hbm>> -> memref<8x2048xf32, #tpu.memory_space<hbm>>
    %dma_start3A_27 = arith.constant 0 : i32
    %dma_start3A_28 = tpu.memref_slice %arg2[%add3A_24, %dma_start3A_27] : memref<2048x2048xf32, #tpu.memory_space<hbm>> -> memref<8x2048xf32, #tpu.memory_space<hbm>>
    tpu.enqueue_dma source(%dma_start3A_28 : memref<8x2048xf32, #tpu.memory_space<hbm>>) target(%arg9 : memref<8x2048xf32, #tpu.memory_space<vmem>>) target_semaphore(%arg10 : memref<!tpu.dma_semaphore, #tpu.memory_space<semaphore_mem>>)
    %dma_wait3A_29 = arith.constant 0 : i32
    %dma_wait3A_30 = tpu.memref_slice %arg2[%add3A_24, %dma_wait3A_29] : memref<2048x2048xf32, #tpu.memory_space<hbm>> -> memref<8x2048xf32, #tpu.memory_space<hbm>>
    %dma_wait3A_31 = arith.constant 0 : i32
    %dma_wait3A_32 = tpu.memref_slice %arg2[%add3A_24, %dma_wait3A_31] : memref<2048x2048xf32, #tpu.memory_space<hbm>> -> memref<8x2048xf32, #tpu.memory_space<hbm>>
    tpu.wait_dma2 semaphore(%arg10 : memref<!tpu.dma_semaphore, #tpu.memory_space<semaphore_mem>>) src(%dma_wait3A_32 : memref<8x2048xf32, #tpu.memory_space<hbm>>) dst(%arg9 : memref<8x2048xf32, #tpu.memory_space<vmem>>)
    %dma_start3A_33 = arith.constant 1 : i32
    %dma_start3A_34 = arith.constant 0 : i32
    %dma_start3A_35 = tpu.memref_slice %arg6[%dma_start3A_33, %dma_start3A_34] : memref<8x8xi32, #tpu.memory_space<vmem>> -> memref<1x8xi32, #tpu.memory_space<vmem>>
    %dma_start3A_36 = tpu.memref_squeeze %dma_start3A_35 : memref<1x8xi32, #tpu.memory_space<vmem>> -> memref<8xi32, #tpu.memory_space<vmem>>
    %dma_start3A_37 = arith.constant 0 : i32
    %dma_start3A_38 = arith.constant 0 : i32
    %dma_start3A_39 = tpu.memref_slice %arg5[%dma_start3A_37, %dma_start3A_38] : memref<5888x2048xf32, #tpu.memory_space<hbm>> -> memref<5888x2048xf32, #tpu.memory_space<hbm>>
    tpu.enqueue_indirect_dma source(%arg9 : memref<8x2048xf32, #tpu.memory_space<vmem>>) target(%dma_start3A_39 : memref<5888x2048xf32, #tpu.memory_space<hbm>>) offsets(%dma_start3A_36 : memref<8xi32, #tpu.memory_space<vmem>>) semaphore(%arg11 : memref<!tpu.dma_semaphore, #tpu.memory_space<semaphore_mem>>)
    %dma_start3A_40 = arith.constant 1 : i32
    %dma_start3A_41 = arith.constant 0 : i32
    %dma_start3A_42 = tpu.memref_slice %arg7[%dma_start3A_40, %dma_start3A_41] : memref<8x8xi32, #tpu.memory_space<vmem>> -> memref<1x8xi32, #tpu.memory_space<vmem>>
    %dma_start3A_43 = tpu.memref_squeeze %dma_start3A_42 : memref<1x8xi32, #tpu.memory_space<vmem>> -> memref<8xi32, #tpu.memory_space<vmem>>
    %dma_start3A_44 = arith.constant 0 : i32
    %dma_start3A_45 = arith.constant 0 : i32
    %dma_start3A_46 = tpu.memref_slice %arg5[%dma_start3A_44, %dma_start3A_45] : memref<5888x2048xf32, #tpu.memory_space<hbm>> -> memref<5888x2048xf32, #tpu.memory_space<hbm>>
    tpu.enqueue_indirect_dma source(%arg9 : memref<8x2048xf32, #tpu.memory_space<vmem>>) target(%dma_start3A_46 : memref<5888x2048xf32, #tpu.memory_space<hbm>>) offsets(%dma_start3A_43 : memref<8xi32, #tpu.memory_space<vmem>>) semaphore(%arg12 : memref<!tpu.dma_semaphore, #tpu.memory_space<semaphore_mem>>)
    %dma_wait3A_47 = arith.constant 0 : i32
    %dma_wait3A_48 = arith.constant 0 : i32
    %dma_wait3A_49 = tpu.memref_slice %arg6[%dma_wait3A_47, %dma_wait3A_48] : memref<8x8xi32, #tpu.memory_space<vmem>> -> memref<1x8xi32, #tpu.memory_space<vmem>>
    %dma_wait3A_50 = tpu.memref_squeeze %dma_wait3A_49 : memref<1x8xi32, #tpu.memory_space<vmem>> -> memref<8xi32, #tpu.memory_space<vmem>>
    %dma_wait3A_51 = arith.constant 0 : i32
    %dma_wait3A_52 = arith.constant 0 : i32
    %dma_wait3A_53 = tpu.memref_slice %arg5[%dma_wait3A_51, %dma_wait3A_52] : memref<5888x2048xf32, #tpu.memory_space<hbm>> -> memref<5888x2048xf32, #tpu.memory_space<hbm>>
    tpu.wait_indirect_dma semaphore(%arg11 : memref<!tpu.dma_semaphore, #tpu.memory_space<semaphore_mem>>) src(%arg8 : memref<8x2048xf32, #tpu.memory_space<vmem>>) dst(%dma_wait3A_53 : memref<5888x2048xf32, #tpu.memory_space<hbm>>)
    %dma_wait3A_54 = arith.constant 0 : i32
    %dma_wait3A_55 = arith.constant 0 : i32
    %dma_wait3A_56 = tpu.memref_slice %arg7[%dma_wait3A_54, %dma_wait3A_55] : memref<8x8xi32, #tpu.memory_space<vmem>> -> memref<1x8xi32, #tpu.memory_space<vmem>>
    %dma_wait3A_57 = tpu.memref_squeeze %dma_wait3A_56 : memref<1x8xi32, #tpu.memory_space<vmem>> -> memref<8xi32, #tpu.memory_space<vmem>>
    %dma_wait3A_58 = arith.constant 0 : i32
    %dma_wait3A_59 = arith.constant 0 : i32
    %dma_wait3A_60 = tpu.memref_slice %arg5[%dma_wait3A_58, %dma_wait3A_59] : memref<5888x2048xf32, #tpu.memory_space<hbm>> -> memref<5888x2048xf32, #tpu.memory_space<hbm>>
    tpu.wait_indirect_dma semaphore(%arg12 : memref<!tpu.dma_semaphore, #tpu.memory_space<semaphore_mem>>) src(%arg8 : memref<8x2048xf32, #tpu.memory_space<vmem>>) dst(%dma_wait3A_60 : memref<5888x2048xf32, #tpu.memory_space<hbm>>)
    %add3A_61 = arith.constant 16 : i32
    %add3A_62 = arith.addi %mul3A_2, %add3A_61 : i32
    %dma_start3A_63 = arith.constant 0 : i32
    %dma_start3A_64 = tpu.memref_slice %arg2[%add3A_62, %dma_start3A_63] : memref<2048x2048xf32, #tpu.memory_space<hbm>> -> memref<8x2048xf32, #tpu.memory_space<hbm>>
    %dma_start3A_65 = arith.constant 0 : i32
    %dma_start3A_66 = tpu.memref_slice %arg2[%add3A_62, %dma_start3A_65] : memref<2048x2048xf32, #tpu.memory_space<hbm>> -> memref<8x2048xf32, #tpu.memory_space<hbm>>
    tpu.enqueue_dma source(%dma_start3A_66 : memref<8x2048xf32, #tpu.memory_space<hbm>>) target(%arg8 : memref<8x2048xf32, #tpu.memory_space<vmem>>) target_semaphore(%arg10 : memref<!tpu.dma_semaphore, #tpu.memory_space<semaphore_mem>>)
    %dma_wait3A_67 = arith.constant 0 : i32
    %dma_wait3A_68 = tpu.memref_slice %arg2[%add3A_62, %dma_wait3A_67] : memref<2048x2048xf32, #tpu.memory_space<hbm>> -> memref<8x2048xf32, #tpu.memory_space<hbm>>
    %dma_wait3A_69 = arith.constant 0 : i32
    %dma_wait3A_70 = tpu.memref_slice %arg2[%add3A_62, %dma_wait3A_69] : memref<2048x2048xf32, #tpu.memory_space<hbm>> -> memref<8x2048xf32, #tpu.memory_space<hbm>>
    tpu.wait_dma2 semaphore(%arg10 : memref<!tpu.dma_semaphore, #tpu.memory_space<semaphore_mem>>) src(%dma_wait3A_70 : memref<8x2048xf32, #tpu.memory_space<hbm>>) dst(%arg8 : memref<8x2048xf32, #tpu.memory_space<vmem>>)
    %dma_start3A_71 = arith.constant 2 : i32
    %dma_start3A_72 = arith.constant 0 : i32
    %dma_start3A_73 = tpu.memref_slice %arg6[%dma_start3A_71, %dma_start3A_72] : memref<8x8xi32, #tpu.memory_space<vmem>> -> memref<1x8xi32, #tpu.memory_space<vmem>>
    %dma_start3A_74 = tpu.memref_squeeze %dma_start3A_73 : memref<1x8xi32, #tpu.memory_space<vmem>> -> memref<8xi32, #tpu.memory_space<vmem>>
    %dma_start3A_75 = arith.constant 0 : i32
    %dma_start3A_76 = arith.constant 0 : i32
    %dma_start3A_77 = tpu.memref_slice %arg5[%dma_start3A_75, %dma_start3A_76] : memref<5888x2048xf32, #tpu.memory_space<hbm>> -> memref<5888x2048xf32, #tpu.memory_space<hbm>>
    tpu.enqueue_indirect_dma source(%arg8 : memref<8x2048xf32, #tpu.memory_space<vmem>>) target(%dma_start3A_77 : memref<5888x2048xf32, #tpu.memory_space<hbm>>) offsets(%dma_start3A_74 : memref<8xi32, #tpu.memory_space<vmem>>) semaphore(%arg11 : memref<!tpu.dma_semaphore, #tpu.memory_space<semaphore_mem>>)
    %dma_start3A_78 = arith.constant 2 : i32
    %dma_start3A_79 = arith.constant 0 : i32
    %dma_start3A_80 = tpu.memref_slice %arg7[%dma_start3A_78, %dma_start3A_79] : memref<8x8xi32, #tpu.memory_space<vmem>> -> memref<1x8xi32, #tpu.memory_space<vmem>>
    %dma_start3A_81 = tpu.memref_squeeze %dma_start3A_80 : memref<1x8xi32, #tpu.memory_space<vmem>> -> memref<8xi32, #tpu.memory_space<vmem>>
    %dma_start3A_82 = arith.constant 0 : i32
    %dma_start3A_83 = arith.constant 0 : i32
    %dma_start3A_84 = tpu.memref_slice %arg5[%dma_start3A_82, %dma_start3A_83] : memref<5888x2048xf32, #tpu.memory_space<hbm>> -> memref<5888x2048xf32, #tpu.memory_space<hbm>>
    tpu.enqueue_indirect_dma source(%arg8 : memref<8x2048xf32, #tpu.memory_space<vmem>>) target(%dma_start3A_84 : memref<5888x2048xf32, #tpu.memory_space<hbm>>) offsets(%dma_start3A_81 : memref<8xi32, #tpu.memory_space<vmem>>) semaphore(%arg12 : memref<!tpu.dma_semaphore, #tpu.memory_space<semaphore_mem>>)
    %dma_wait3A_85 = arith.constant 1 : i32
    %dma_wait3A_86 = arith.constant 0 : i32
    %dma_wait3A_87 = tpu.memref_slice %arg6[%dma_wait3A_85, %dma_wait3A_86] : memref<8x8xi32, #tpu.memory_space<vmem>> -> memref<1x8xi32, #tpu.memory_space<vmem>>
    %dma_wait3A_88 = tpu.memref_squeeze %dma_wait3A_87 : memref<1x8xi32, #tpu.memory_space<vmem>> -> memref<8xi32, #tpu.memory_space<vmem>>
    %dma_wait3A_89 = arith.constant 0 : i32
    %dma_wait3A_90 = arith.constant 0 : i32
    %dma_wait3A_91 = tpu.memref_slice %arg5[%dma_wait3A_89, %dma_wait3A_90] : memref<5888x2048xf32, #tpu.memory_space<hbm>> -> memref<5888x2048xf32, #tpu.memory_space<hbm>>
    tpu.wait_indirect_dma semaphore(%arg11 : memref<!tpu.dma_semaphore, #tpu.memory_space<semaphore_mem>>) src(%arg9 : memref<8x2048xf32, #tpu.memory_space<vmem>>) dst(%dma_wait3A_91 : memref<5888x2048xf32, #tpu.memory_space<hbm>>)
    %dma_wait3A_92 = arith.constant 1 : i32
    %dma_wait3A_93 = arith.constant 0 : i32
    %dma_wait3A_94 = tpu.memref_slice %arg7[%dma_wait3A_92, %dma_wait3A_93] : memref<8x8xi32, #tpu.memory_space<vmem>> -> memref<1x8xi32, #tpu.memory_space<vmem>>
    %dma_wait3A_95 = tpu.memref_squeeze %dma_wait3A_94 : memref<1x8xi32, #tpu.memory_space<vmem>> -> memref<8xi32, #tpu.memory_space<vmem>>
    %dma_wait3A_96 = arith.constant 0 : i32
    %dma_wait3A_97 = arith.constant 0 : i32
    %dma_wait3A_98 = tpu.memref_slice %arg5[%dma_wait3A_96, %dma_wait3A_97] : memref<5888x2048xf32, #tpu.memory_space<hbm>> -> memref<5888x2048xf32, #tpu.memory_space<hbm>>
    tpu.wait_indirect_dma semaphore(%arg12 : memref<!tpu.dma_semaphore, #tpu.memory_space<semaphore_mem>>) src(%arg9 : memref<8x2048xf32, #tpu.memory_space<vmem>>) dst(%dma_wait3A_98 : memref<5888x2048xf32, #tpu.memory_space<hbm>>)
    %add3A_99 = arith.constant 24 : i32
    %add3A_100 = arith.addi %mul3A_2, %add3A_99 : i32
    %dma_start3A_101 = arith.constant 0 : i32
    %dma_start3A_102 = tpu.memref_slice %arg2[%add3A_100, %dma_start3A_101] : memref<2048x2048xf32, #tpu.memory_space<hbm>> -> memref<8x2048xf32, #tpu.memory_space<hbm>>
    %dma_start3A_103 = arith.constant 0 : i32
    %dma_start3A_104 = tpu.memref_slice %arg2[%add3A_100, %dma_start3A_103] : memref<2048x2048xf32, #tpu.memory_space<hbm>> -> memref<8x2048xf32, #tpu.memory_space<hbm>>
    tpu.enqueue_dma source(%dma_start3A_104 : memref<8x2048xf32, #tpu.memory_space<hbm>>) target(%arg9 : memref<8x2048xf32, #tpu.memory_space<vmem>>) target_semaphore(%arg10 : memref<!tpu.dma_semaphore, #tpu.memory_space<semaphore_mem>>)
    %dma_wait3A_105 = arith.constant 0 : i32
    %dma_wait3A_106 = tpu.memref_slice %arg2[%add3A_100, %dma_wait3A_105] : memref<2048x2048xf32, #tpu.memory_space<hbm>> -> memref<8x2048xf32, #tpu.memory_space<hbm>>
    %dma_wait3A_107 = arith.constant 0 : i32
    %dma_wait3A_108 = tpu.memref_slice %arg2[%add3A_100, %dma_wait3A_107] : memref<2048x2048xf32, #tpu.memory_space<hbm>> -> memref<8x2048xf32, #tpu.memory_space<hbm>>
    tpu.wait_dma2 semaphore(%arg10 : memref<!tpu.dma_semaphore, #tpu.memory_space<semaphore_mem>>) src(%dma_wait3A_108 : memref<8x2048xf32, #tpu.memory_space<hbm>>) dst(%arg9 : memref<8x2048xf32, #tpu.memory_space<vmem>>)
    %dma_start3A_109 = arith.constant 3 : i32
    %dma_start3A_110 = arith.constant 0 : i32
    %dma_start3A_111 = tpu.memref_slice %arg6[%dma_start3A_109, %dma_start3A_110] : memref<8x8xi32, #tpu.memory_space<vmem>> -> memref<1x8xi32, #tpu.memory_space<vmem>>
    %dma_start3A_112 = tpu.memref_squeeze %dma_start3A_111 : memref<1x8xi32, #tpu.memory_space<vmem>> -> memref<8xi32, #tpu.memory_space<vmem>>
    %dma_start3A_113 = arith.constant 0 : i32
    %dma_start3A_114 = arith.constant 0 : i32
    %dma_start3A_115 = tpu.memref_slice %arg5[%dma_start3A_113, %dma_start3A_114] : memref<5888x2048xf32, #tpu.memory_space<hbm>> -> memref<5888x2048xf32, #tpu.memory_space<hbm>>
    tpu.enqueue_indirect_dma source(%arg9 : memref<8x2048xf32, #tpu.memory_space<vmem>>) target(%dma_start3A_115 : memref<5888x2048xf32, #tpu.memory_space<hbm>>) offsets(%dma_start3A_112 : memref<8xi32, #tpu.memory_space<vmem>>) semaphore(%arg11 : memref<!tpu.dma_semaphore, #tpu.memory_space<semaphore_mem>>)
    %dma_start3A_116 = arith.constant 3 : i32
    %dma_start3A_117 = arith.constant 0 : i32
    %dma_start3A_118 = tpu.memref_slice %arg7[%dma_start3A_116, %dma_start3A_117] : memref<8x8xi32, #tpu.memory_space<vmem>> -> memref<1x8xi32, #tpu.memory_space<vmem>>
    %dma_start3A_119 = tpu.memref_squeeze %dma_start3A_118 : memref<1x8xi32, #tpu.memory_space<vmem>> -> memref<8xi32, #tpu.memory_space<vmem>>
    %dma_start3A_120 = arith.constant 0 : i32
    %dma_start3A_121 = arith.constant 0 : i32
    %dma_start3A_122 = tpu.memref_slice %arg5[%dma_start3A_120, %dma_start3A_121] : memref<5888x2048xf32, #tpu.memory_space<hbm>> -> memref<5888x2048xf32, #tpu.memory_space<hbm>>
    tpu.enqueue_indirect_dma source(%arg9 : memref<8x2048xf32, #tpu.memory_space<vmem>>) target(%dma_start3A_122 : memref<5888x2048xf32, #tpu.memory_space<hbm>>) offsets(%dma_start3A_119 : memref<8xi32, #tpu.memory_space<vmem>>) semaphore(%arg12 : memref<!tpu.dma_semaphore, #tpu.memory_space<semaphore_mem>>)
    %dma_wait3A_123 = arith.constant 2 : i32
    %dma_wait3A_124 = arith.constant 0 : i32
    %dma_wait3A_125 = tpu.memref_slice %arg6[%dma_wait3A_123, %dma_wait3A_124] : memref<8x8xi32, #tpu.memory_space<vmem>> -> memref<1x8xi32, #tpu.memory_space<vmem>>
    %dma_wait3A_126 = tpu.memref_squeeze %dma_wait3A_125 : memref<1x8xi32, #tpu.memory_space<vmem>> -> memref<8xi32, #tpu.memory_space<vmem>>
    %dma_wait3A_127 = arith.constant 0 : i32
    %dma_wait3A_128 = arith.constant 0 : i32
    %dma_wait3A_129 = tpu.memref_slice %arg5[%dma_wait3A_127, %dma_wait3A_128] : memref<5888x2048xf32, #tpu.memory_space<hbm>> -> memref<5888x2048xf32, #tpu.memory_space<hbm>>
    tpu.wait_indirect_dma semaphore(%arg11 : memref<!tpu.dma_semaphore, #tpu.memory_space<semaphore_mem>>) src(%arg8 : memref<8x2048xf32, #tpu.memory_space<vmem>>) dst(%dma_wait3A_129 : memref<5888x2048xf32, #tpu.memory_space<hbm>>)
    %dma_wait3A_130 = arith.constant 2 : i32
    %dma_wait3A_131 = arith.constant 0 : i32
    %dma_wait3A_132 = tpu.memref_slice %arg7[%dma_wait3A_130, %dma_wait3A_131] : memref<8x8xi32, #tpu.memory_space<vmem>> -> memref<1x8xi32, #tpu.memory_space<vmem>>
    %dma_wait3A_133 = tpu.memref_squeeze %dma_wait3A_132 : memref<1x8xi32, #tpu.memory_space<vmem>> -> memref<8xi32, #tpu.memory_space<vmem>>
    %dma_wait3A_134 = arith.constant 0 : i32
    %dma_wait3A_135 = arith.constant 0 : i32
    %dma_wait3A_136 = tpu.memref_slice %arg5[%dma_wait3A_134, %dma_wait3A_135] : memref<5888x2048xf32, #tpu.memory_space<hbm>> -> memref<5888x2048xf32, #tpu.memory_space<hbm>>
    tpu.wait_indirect_dma semaphore(%arg12 : memref<!tpu.dma_semaphore, #tpu.memory_space<semaphore_mem>>) src(%arg8 : memref<8x2048xf32, #tpu.memory_space<vmem>>) dst(%dma_wait3A_136 : memref<5888x2048xf32, #tpu.memory_space<hbm>>)
    %add3A_137 = arith.constant 32 : i32
    %add3A_138 = arith.addi %mul3A_2, %add3A_137 : i32
    %dma_start3A_139 = arith.constant 0 : i32
    %dma_start3A_140 = tpu.memref_slice %arg2[%add3A_138, %dma_start3A_139] : memref<2048x2048xf32, #tpu.memory_space<hbm>> -> memref<8x2048xf32, #tpu.memory_space<hbm>>
    %dma_start3A_141 = arith.constant 0 : i32
    %dma_start3A_142 = tpu.memref_slice %arg2[%add3A_138, %dma_start3A_141] : memref<2048x2048xf32, #tpu.memory_space<hbm>> -> memref<8x2048xf32, #tpu.memory_space<hbm>>
    tpu.enqueue_dma source(%dma_start3A_142 : memref<8x2048xf32, #tpu.memory_space<hbm>>) target(%arg8 : memref<8x2048xf32, #tpu.memory_space<vmem>>) target_semaphore(%arg10 : memref<!tpu.dma_semaphore, #tpu.memory_space<semaphore_mem>>)
    %dma_wait3A_143 = arith.constant 0 : i32
    %dma_wait3A_144 = tpu.memref_slice %arg2[%add3A_138, %dma_wait3A_143] : memref<2048x2048xf32, #tpu.memory_space<hbm>> -> memref<8x2048xf32, #tpu.memory_space<hbm>>
    %dma_wait3A_145 = arith.constant 0 : i32
    %dma_wait3A_146 = tpu.memref_slice %arg2[%add3A_138, %dma_wait3A_145] : memref<2048x2048xf32, #tpu.memory_space<hbm>> -> memref<8x2048xf32, #tpu.memory_space<hbm>>
    tpu.wait_dma2 semaphore(%arg10 : memref<!tpu.dma_semaphore, #tpu.memory_space<semaphore_mem>>) src(%dma_wait3A_146 : memref<8x2048xf32, #tpu.memory_space<hbm>>) dst(%arg8 : memref<8x2048xf32, #tpu.memory_space<vmem>>)
    %dma_start3A_147 = arith.constant 4 : i32
    %dma_start3A_148 = arith.constant 0 : i32
    %dma_start3A_149 = tpu.memref_slice %arg6[%dma_start3A_147, %dma_start3A_148] : memref<8x8xi32, #tpu.memory_space<vmem>> -> memref<1x8xi32, #tpu.memory_space<vmem>>
    %dma_start3A_150 = tpu.memref_squeeze %dma_start3A_149 : memref<1x8xi32, #tpu.memory_space<vmem>> -> memref<8xi32, #tpu.memory_space<vmem>>
    %dma_start3A_151 = arith.constant 0 : i32
    %dma_start3A_152 = arith.constant 0 : i32
    %dma_start3A_153 = tpu.memref_slice %arg5[%dma_start3A_151, %dma_start3A_152] : memref<5888x2048xf32, #tpu.memory_space<hbm>> -> memref<5888x2048xf32, #tpu.memory_space<hbm>>
    tpu.enqueue_indirect_dma source(%arg8 : memref<8x2048xf32, #tpu.memory_space<vmem>>) target(%dma_start3A_153 : memref<5888x2048xf32, #tpu.memory_space<hbm>>) offsets(%dma_start3A_150 : memref<8xi32, #tpu.memory_space<vmem>>) semaphore(%arg11 : memref<!tpu.dma_semaphore, #tpu.memory_space<semaphore_mem>>)
    %dma_start3A_154 = arith.constant 4 : i32
    %dma_start3A_155 = arith.constant 0 : i32
    %dma_start3A_156 = tpu.memref_slice %arg7[%dma_start3A_154, %dma_start3A_155] : memref<8x8xi32, #tpu.memory_space<vmem>> -> memref<1x8xi32, #tpu.memory_space<vmem>>
    %dma_start3A_157 = tpu.memref_squeeze %dma_start3A_156 : memref<1x8xi32, #tpu.memory_space<vmem>> -> memref<8xi32, #tpu.memory_space<vmem>>
    %dma_start3A_158 = arith.constant 0 : i32
    %dma_start3A_159 = arith.constant 0 : i32
    %dma_start3A_160 = tpu.memref_slice %arg5[%dma_start3A_158, %dma_start3A_159] : memref<5888x2048xf32, #tpu.memory_space<hbm>> -> memref<5888x2048xf32, #tpu.memory_space<hbm>>
    tpu.enqueue_indirect_dma source(%arg8 : memref<8x2048xf32, #tpu.memory_space<vmem>>) target(%dma_start3A_160 : memref<5888x2048xf32, #tpu.memory_space<hbm>>) offsets(%dma_start3A_157 : memref<8xi32, #tpu.memory_space<vmem>>) semaphore(%arg12 : memref<!tpu.dma_semaphore, #tpu.memory_space<semaphore_mem>>)
    %dma_wait3A_161 = arith.constant 3 : i32
    %dma_wait3A_162 = arith.constant 0 : i32
    %dma_wait3A_163 = tpu.memref_slice %arg6[%dma_wait3A_161, %dma_wait3A_162] : memref<8x8xi32, #tpu.memory_space<vmem>> -> memref<1x8xi32, #tpu.memory_space<vmem>>
    %dma_wait3A_164 = tpu.memref_squeeze %dma_wait3A_163 : memref<1x8xi32, #tpu.memory_space<vmem>> -> memref<8xi32, #tpu.memory_space<vmem>>
    %dma_wait3A_165 = arith.constant 0 : i32
    %dma_wait3A_166 = arith.constant 0 : i32
    %dma_wait3A_167 = tpu.memref_slice %arg5[%dma_wait3A_165, %dma_wait3A_166] : memref<5888x2048xf32, #tpu.memory_space<hbm>> -> memref<5888x2048xf32, #tpu.memory_space<hbm>>
    tpu.wait_indirect_dma semaphore(%arg11 : memref<!tpu.dma_semaphore, #tpu.memory_space<semaphore_mem>>) src(%arg9 : memref<8x2048xf32, #tpu.memory_space<vmem>>) dst(%dma_wait3A_167 : memref<5888x2048xf32, #tpu.memory_space<hbm>>)
    %dma_wait3A_168 = arith.constant 3 : i32
    %dma_wait3A_169 = arith.constant 0 : i32
    %dma_wait3A_170 = tpu.memref_slice %arg7[%dma_wait3A_168, %dma_wait3A_169] : memref<8x8xi32, #tpu.memory_space<vmem>> -> memref<1x8xi32, #tpu.memory_space<vmem>>
    %dma_wait3A_171 = tpu.memref_squeeze %dma_wait3A_170 : memref<1x8xi32, #tpu.memory_space<vmem>> -> memref<8xi32, #tpu.memory_space<vmem>>
    %dma_wait3A_172 = arith.constant 0 : i32
    %dma_wait3A_173 = arith.constant 0 : i32
    %dma_wait3A_174 = tpu.memref_slice %arg5[%dma_wait3A_172, %dma_wait3A_173] : memref<5888x2048xf32, #tpu.memory_space<hbm>> -> memref<5888x2048xf32, #tpu.memory_space<hbm>>
    tpu.wait_indirect_dma semaphore(%arg12 : memref<!tpu.dma_semaphore, #tpu.memory_space<semaphore_mem>>) src(%arg9 : memref<8x2048xf32, #tpu.memory_space<vmem>>) dst(%dma_wait3A_174 : memref<5888x2048xf32, #tpu.memory_space<hbm>>)
    %add3A_175 = arith.constant 40 : i32
    %add3A_176 = arith.addi %mul3A_2, %add3A_175 : i32
    %dma_start3A_177 = arith.constant 0 : i32
    %dma_start3A_178 = tpu.memref_slice %arg2[%add3A_176, %dma_start3A_177] : memref<2048x2048xf32, #tpu.memory_space<hbm>> -> memref<8x2048xf32, #tpu.memory_space<hbm>>
    %dma_start3A_179 = arith.constant 0 : i32
    %dma_start3A_180 = tpu.memref_slice %arg2[%add3A_176, %dma_start3A_179] : memref<2048x2048xf32, #tpu.memory_space<hbm>> -> memref<8x2048xf32, #tpu.memory_space<hbm>>
    tpu.enqueue_dma source(%dma_start3A_180 : memref<8x2048xf32, #tpu.memory_space<hbm>>) target(%arg9 : memref<8x2048xf32, #tpu.memory_space<vmem>>) target_semaphore(%arg10 : memref<!tpu.dma_semaphore, #tpu.memory_space<semaphore_mem>>)
    %dma_wait3A_181 = arith.constant 0 : i32
    %dma_wait3A_182 = tpu.memref_slice %arg2[%add3A_176, %dma_wait3A_181] : memref<2048x2048xf32, #tpu.memory_space<hbm>> -> memref<8x2048xf32, #tpu.memory_space<hbm>>
    %dma_wait3A_183 = arith.constant 0 : i32
    %dma_wait3A_184 = tpu.memref_slice %arg2[%add3A_176, %dma_wait3A_183] : memref<2048x2048xf32, #tpu.memory_space<hbm>> -> memref<8x2048xf32, #tpu.memory_space<hbm>>
    tpu.wait_dma2 semaphore(%arg10 : memref<!tpu.dma_semaphore, #tpu.memory_space<semaphore_mem>>) src(%dma_wait3A_184 : memref<8x2048xf32, #tpu.memory_space<hbm>>) dst(%arg9 : memref<8x2048xf32, #tpu.memory_space<vmem>>)
    %dma_start3A_185 = arith.constant 5 : i32
    %dma_start3A_186 = arith.constant 0 : i32
    %dma_start3A_187 = tpu.memref_slice %arg6[%dma_start3A_185, %dma_start3A_186] : memref<8x8xi32, #tpu.memory_space<vmem>> -> memref<1x8xi32, #tpu.memory_space<vmem>>
    %dma_start3A_188 = tpu.memref_squeeze %dma_start3A_187 : memref<1x8xi32, #tpu.memory_space<vmem>> -> memref<8xi32, #tpu.memory_space<vmem>>
    %dma_start3A_189 = arith.constant 0 : i32
    %dma_start3A_190 = arith.constant 0 : i32
    %dma_start3A_191 = tpu.memref_slice %arg5[%dma_start3A_189, %dma_start3A_190] : memref<5888x2048xf32, #tpu.memory_space<hbm>> -> memref<5888x2048xf32, #tpu.memory_space<hbm>>
    tpu.enqueue_indirect_dma source(%arg9 : memref<8x2048xf32, #tpu.memory_space<vmem>>) target(%dma_start3A_191 : memref<5888x2048xf32, #tpu.memory_space<hbm>>) offsets(%dma_start3A_188 : memref<8xi32, #tpu.memory_space<vmem>>) semaphore(%arg11 : memref<!tpu.dma_semaphore, #tpu.memory_space<semaphore_mem>>)
    %dma_start3A_192 = arith.constant 5 : i32
    %dma_start3A_193 = arith.constant 0 : i32
    %dma_start3A_194 = tpu.memref_slice %arg7[%dma_start3A_192, %dma_start3A_193] : memref<8x8xi32, #tpu.memory_space<vmem>> -> memref<1x8xi32, #tpu.memory_space<vmem>>
    %dma_start3A_195 = tpu.memref_squeeze %dma_start3A_194 : memref<1x8xi32, #tpu.memory_space<vmem>> -> memref<8xi32, #tpu.memory_space<vmem>>
    %dma_start3A_196 = arith.constant 0 : i32
    %dma_start3A_197 = arith.constant 0 : i32
    %dma_start3A_198 = tpu.memref_slice %arg5[%dma_start3A_196, %dma_start3A_197] : memref<5888x2048xf32, #tpu.memory_space<hbm>> -> memref<5888x2048xf32, #tpu.memory_space<hbm>>
    tpu.enqueue_indirect_dma source(%arg9 : memref<8x2048xf32, #tpu.memory_space<vmem>>) target(%dma_start3A_198 : memref<5888x2048xf32, #tpu.memory_space<hbm>>) offsets(%dma_start3A_195 : memref<8xi32, #tpu.memory_space<vmem>>) semaphore(%arg12 : memref<!tpu.dma_semaphore, #tpu.memory_space<semaphore_mem>>)
    %dma_wait3A_199 = arith.constant 4 : i32
    %dma_wait3A_200 = arith.constant 0 : i32
    %dma_wait3A_201 = tpu.memref_slice %arg6[%dma_wait3A_199, %dma_wait3A_200] : memref<8x8xi32, #tpu.memory_space<vmem>> -> memref<1x8xi32, #tpu.memory_space<vmem>>
    %dma_wait3A_202 = tpu.memref_squeeze %dma_wait3A_201 : memref<1x8xi32, #tpu.memory_space<vmem>> -> memref<8xi32, #tpu.memory_space<vmem>>
    %dma_wait3A_203 = arith.constant 0 : i32
    %dma_wait3A_204 = arith.constant 0 : i32
    %dma_wait3A_205 = tpu.memref_slice %arg5[%dma_wait3A_203, %dma_wait3A_204] : memref<5888x2048xf32, #tpu.memory_space<hbm>> -> memref<5888x2048xf32, #tpu.memory_space<hbm>>
    tpu.wait_indirect_dma semaphore(%arg11 : memref<!tpu.dma_semaphore, #tpu.memory_space<semaphore_mem>>) src(%arg8 : memref<8x2048xf32, #tpu.memory_space<vmem>>) dst(%dma_wait3A_205 : memref<5888x2048xf32, #tpu.memory_space<hbm>>)
    %dma_wait3A_206 = arith.constant 4 : i32
    %dma_wait3A_207 = arith.constant 0 : i32
    %dma_wait3A_208 = tpu.memref_slice %arg7[%dma_wait3A_206, %dma_wait3A_207] : memref<8x8xi32, #tpu.memory_space<vmem>> -> memref<1x8xi32, #tpu.memory_space<vmem>>
    %dma_wait3A_209 = tpu.memref_squeeze %dma_wait3A_208 : memref<1x8xi32, #tpu.memory_space<vmem>> -> memref<8xi32, #tpu.memory_space<vmem>>
    %dma_wait3A_210 = arith.constant 0 : i32
    %dma_wait3A_211 = arith.constant 0 : i32
    %dma_wait3A_212 = tpu.memref_slice %arg5[%dma_wait3A_210, %dma_wait3A_211] : memref<5888x2048xf32, #tpu.memory_space<hbm>> -> memref<5888x2048xf32, #tpu.memory_space<hbm>>
    tpu.wait_indirect_dma semaphore(%arg12 : memref<!tpu.dma_semaphore, #tpu.memory_space<semaphore_mem>>) src(%arg8 : memref<8x2048xf32, #tpu.memory_space<vmem>>) dst(%dma_wait3A_212 : memref<5888x2048xf32, #tpu.memory_space<hbm>>)
    %add3A_213 = arith.constant 48 : i32
    %add3A_214 = arith.addi %mul3A_2, %add3A_213 : i32
    %dma_start3A_215 = arith.constant 0 : i32
    %dma_start3A_216 = tpu.memref_slice %arg2[%add3A_214, %dma_start3A_215] : memref<2048x2048xf32, #tpu.memory_space<hbm>> -> memref<8x2048xf32, #tpu.memory_space<hbm>>
    %dma_start3A_217 = arith.constant 0 : i32
    %dma_start3A_218 = tpu.memref_slice %arg2[%add3A_214, %dma_start3A_217] : memref<2048x2048xf32, #tpu.memory_space<hbm>> -> memref<8x2048xf32, #tpu.memory_space<hbm>>
    tpu.enqueue_dma source(%dma_start3A_218 : memref<8x2048xf32, #tpu.memory_space<hbm>>) target(%arg8 : memref<8x2048xf32, #tpu.memory_space<vmem>>) target_semaphore(%arg10 : memref<!tpu.dma_semaphore, #tpu.memory_space<semaphore_mem>>)
    %dma_wait3A_219 = arith.constant 0 : i32
    %dma_wait3A_220 = tpu.memref_slice %arg2[%add3A_214, %dma_wait3A_219] : memref<2048x2048xf32, #tpu.memory_space<hbm>> -> memref<8x2048xf32, #tpu.memory_space<hbm>>
    %dma_wait3A_221 = arith.constant 0 : i32
    %dma_wait3A_222 = tpu.memref_slice %arg2[%add3A_214, %dma_wait3A_221] : memref<2048x2048xf32, #tpu.memory_space<hbm>> -> memref<8x2048xf32, #tpu.memory_space<hbm>>
    tpu.wait_dma2 semaphore(%arg10 : memref<!tpu.dma_semaphore, #tpu.memory_space<semaphore_mem>>) src(%dma_wait3A_222 : memref<8x2048xf32, #tpu.memory_space<hbm>>) dst(%arg8 : memref<8x2048xf32, #tpu.memory_space<vmem>>)
    %dma_start3A_223 = arith.constant 6 : i32
    %dma_start3A_224 = arith.constant 0 : i32
    %dma_start3A_225 = tpu.memref_slice %arg6[%dma_start3A_223, %dma_start3A_224] : memref<8x8xi32, #tpu.memory_space<vmem>> -> memref<1x8xi32, #tpu.memory_space<vmem>>
    %dma_start3A_226 = tpu.memref_squeeze %dma_start3A_225 : memref<1x8xi32, #tpu.memory_space<vmem>> -> memref<8xi32, #tpu.memory_space<vmem>>
    %dma_start3A_227 = arith.constant 0 : i32
    %dma_start3A_228 = arith.constant 0 : i32
    %dma_start3A_229 = tpu.memref_slice %arg5[%dma_start3A_227, %dma_start3A_228] : memref<5888x2048xf32, #tpu.memory_space<hbm>> -> memref<5888x2048xf32, #tpu.memory_space<hbm>>
    tpu.enqueue_indirect_dma source(%arg8 : memref<8x2048xf32, #tpu.memory_space<vmem>>) target(%dma_start3A_229 : memref<5888x2048xf32, #tpu.memory_space<hbm>>) offsets(%dma_start3A_226 : memref<8xi32, #tpu.memory_space<vmem>>) semaphore(%arg11 : memref<!tpu.dma_semaphore, #tpu.memory_space<semaphore_mem>>)
    %dma_start3A_230 = arith.constant 6 : i32
    %dma_start3A_231 = arith.constant 0 : i32
    %dma_start3A_232 = tpu.memref_slice %arg7[%dma_start3A_230, %dma_start3A_231] : memref<8x8xi32, #tpu.memory_space<vmem>> -> memref<1x8xi32, #tpu.memory_space<vmem>>
    %dma_start3A_233 = tpu.memref_squeeze %dma_start3A_232 : memref<1x8xi32, #tpu.memory_space<vmem>> -> memref<8xi32, #tpu.memory_space<vmem>>
    %dma_start3A_234 = arith.constant 0 : i32
    %dma_start3A_235 = arith.constant 0 : i32
    %dma_start3A_236 = tpu.memref_slice %arg5[%dma_start3A_234, %dma_start3A_235] : memref<5888x2048xf32, #tpu.memory_space<hbm>> -> memref<5888x2048xf32, #tpu.memory_space<hbm>>
    tpu.enqueue_indirect_dma source(%arg8 : memref<8x2048xf32, #tpu.memory_space<vmem>>) target(%dma_start3A_236 : memref<5888x2048xf32, #tpu.memory_space<hbm>>) offsets(%dma_start3A_233 : memref<8xi32, #tpu.memory_space<vmem>>) semaphore(%arg12 : memref<!tpu.dma_semaphore, #tpu.memory_space<semaphore_mem>>)
    %dma_wait3A_237 = arith.constant 5 : i32
    %dma_wait3A_238 = arith.constant 0 : i32
    %dma_wait3A_239 = tpu.memref_slice %arg6[%dma_wait3A_237, %dma_wait3A_238] : memref<8x8xi32, #tpu.memory_space<vmem>> -> memref<1x8xi32, #tpu.memory_space<vmem>>
    %dma_wait3A_240 = tpu.memref_squeeze %dma_wait3A_239 : memref<1x8xi32, #tpu.memory_space<vmem>> -> memref<8xi32, #tpu.memory_space<vmem>>
    %dma_wait3A_241 = arith.constant 0 : i32
    %dma_wait3A_242 = arith.constant 0 : i32
    %dma_wait3A_243 = tpu.memref_slice %arg5[%dma_wait3A_241, %dma_wait3A_242] : memref<5888x2048xf32, #tpu.memory_space<hbm>> -> memref<5888x2048xf32, #tpu.memory_space<hbm>>
    tpu.wait_indirect_dma semaphore(%arg11 : memref<!tpu.dma_semaphore, #tpu.memory_space<semaphore_mem>>) src(%arg9 : memref<8x2048xf32, #tpu.memory_space<vmem>>) dst(%dma_wait3A_243 : memref<5888x2048xf32, #tpu.memory_space<hbm>>)
    %dma_wait3A_244 = arith.constant 5 : i32
    %dma_wait3A_245 = arith.constant 0 : i32
    %dma_wait3A_246 = tpu.memref_slice %arg7[%dma_wait3A_244, %dma_wait3A_245] : memref<8x8xi32, #tpu.memory_space<vmem>> -> memref<1x8xi32, #tpu.memory_space<vmem>>
    %dma_wait3A_247 = tpu.memref_squeeze %dma_wait3A_246 : memref<1x8xi32, #tpu.memory_space<vmem>> -> memref<8xi32, #tpu.memory_space<vmem>>
    %dma_wait3A_248 = arith.constant 0 : i32
    %dma_wait3A_249 = arith.constant 0 : i32
    %dma_wait3A_250 = tpu.memref_slice %arg5[%dma_wait3A_248, %dma_wait3A_249] : memref<5888x2048xf32, #tpu.memory_space<hbm>> -> memref<5888x2048xf32, #tpu.memory_space<hbm>>
    tpu.wait_indirect_dma semaphore(%arg12 : memref<!tpu.dma_semaphore, #tpu.memory_space<semaphore_mem>>) src(%arg9 : memref<8x2048xf32, #tpu.memory_space<vmem>>) dst(%dma_wait3A_250 : memref<5888x2048xf32, #tpu.memory_space<hbm>>)
    %add3A_251 = arith.constant 56 : i32
    %add3A_252 = arith.addi %mul3A_2, %add3A_251 : i32
    %dma_start3A_253 = arith.constant 0 : i32
    %dma_start3A_254 = tpu.memref_slice %arg2[%add3A_252, %dma_start3A_253] : memref<2048x2048xf32, #tpu.memory_space<hbm>> -> memref<8x2048xf32, #tpu.memory_space<hbm>>
    %dma_start3A_255 = arith.constant 0 : i32
    %dma_start3A_256 = tpu.memref_slice %arg2[%add3A_252, %dma_start3A_255] : memref<2048x2048xf32, #tpu.memory_space<hbm>> -> memref<8x2048xf32, #tpu.memory_space<hbm>>
    tpu.enqueue_dma source(%dma_start3A_256 : memref<8x2048xf32, #tpu.memory_space<hbm>>) target(%arg9 : memref<8x2048xf32, #tpu.memory_space<vmem>>) target_semaphore(%arg10 : memref<!tpu.dma_semaphore, #tpu.memory_space<semaphore_mem>>)
    %dma_wait3A_257 = arith.constant 0 : i32
    %dma_wait3A_258 = tpu.memref_slice %arg2[%add3A_252, %dma_wait3A_257] : memref<2048x2048xf32, #tpu.memory_space<hbm>> -> memref<8x2048xf32, #tpu.memory_space<hbm>>
    %dma_wait3A_259 = arith.constant 0 : i32
    %dma_wait3A_260 = tpu.memref_slice %arg2[%add3A_252, %dma_wait3A_259] : memref<2048x2048xf32, #tpu.memory_space<hbm>> -> memref<8x2048xf32, #tpu.memory_space<hbm>>
    tpu.wait_dma2 semaphore(%arg10 : memref<!tpu.dma_semaphore, #tpu.memory_space<semaphore_mem>>) src(%dma_wait3A_260 : memref<8x2048xf32, #tpu.memory_space<hbm>>) dst(%arg9 : memref<8x2048xf32, #tpu.memory_space<vmem>>)
    %dma_start3A_261 = arith.constant 7 : i32
    %dma_start3A_262 = arith.constant 0 : i32
    %dma_start3A_263 = tpu.memref_slice %arg6[%dma_start3A_261, %dma_start3A_262] : memref<8x8xi32, #tpu.memory_space<vmem>> -> memref<1x8xi32, #tpu.memory_space<vmem>>
    %dma_start3A_264 = tpu.memref_squeeze %dma_start3A_263 : memref<1x8xi32, #tpu.memory_space<vmem>> -> memref<8xi32, #tpu.memory_space<vmem>>
    %dma_start3A_265 = arith.constant 0 : i32
    %dma_start3A_266 = arith.constant 0 : i32
    %dma_start3A_267 = tpu.memref_slice %arg5[%dma_start3A_265, %dma_start3A_266] : memref<5888x2048xf32, #tpu.memory_space<hbm>> -> memref<5888x2048xf32, #tpu.memory_space<hbm>>
    tpu.enqueue_indirect_dma source(%arg9 : memref<8x2048xf32, #tpu.memory_space<vmem>>) target(%dma_start3A_267 : memref<5888x2048xf32, #tpu.memory_space<hbm>>) offsets(%dma_start3A_264 : memref<8xi32, #tpu.memory_space<vmem>>) semaphore(%arg11 : memref<!tpu.dma_semaphore, #tpu.memory_space<semaphore_mem>>)
    %dma_start3A_268 = arith.constant 7 : i32
    %dma_start3A_269 = arith.constant 0 : i32
    %dma_start3A_270 = tpu.memref_slice %arg7[%dma_start3A_268, %dma_start3A_269] : memref<8x8xi32, #tpu.memory_space<vmem>> -> memref<1x8xi32, #tpu.memory_space<vmem>>
    %dma_start3A_271 = tpu.memref_squeeze %dma_start3A_270 : memref<1x8xi32, #tpu.memory_space<vmem>> -> memref<8xi32, #tpu.memory_space<vmem>>
    %dma_start3A_272 = arith.constant 0 : i32
    %dma_start3A_273 = arith.constant 0 : i32
    %dma_start3A_274 = tpu.memref_slice %arg5[%dma_start3A_272, %dma_start3A_273] : memref<5888x2048xf32, #tpu.memory_space<hbm>> -> memref<5888x2048xf32, #tpu.memory_space<hbm>>
    tpu.enqueue_indirect_dma source(%arg9 : memref<8x2048xf32, #tpu.memory_space<vmem>>) target(%dma_start3A_274 : memref<5888x2048xf32, #tpu.memory_space<hbm>>) offsets(%dma_start3A_271 : memref<8xi32, #tpu.memory_space<vmem>>) semaphore(%arg12 : memref<!tpu.dma_semaphore, #tpu.memory_space<semaphore_mem>>)
    %dma_wait3A_275 = arith.constant 6 : i32
    %dma_wait3A_276 = arith.constant 0 : i32
    %dma_wait3A_277 = tpu.memref_slice %arg6[%dma_wait3A_275, %dma_wait3A_276] : memref<8x8xi32, #tpu.memory_space<vmem>> -> memref<1x8xi32, #tpu.memory_space<vmem>>
    %dma_wait3A_278 = tpu.memref_squeeze %dma_wait3A_277 : memref<1x8xi32, #tpu.memory_space<vmem>> -> memref<8xi32, #tpu.memory_space<vmem>>
    %dma_wait3A_279 = arith.constant 0 : i32
    %dma_wait3A_280 = arith.constant 0 : i32
    %dma_wait3A_281 = tpu.memref_slice %arg5[%dma_wait3A_279, %dma_wait3A_280] : memref<5888x2048xf32, #tpu.memory_space<hbm>> -> memref<5888x2048xf32, #tpu.memory_space<hbm>>
    tpu.wait_indirect_dma semaphore(%arg11 : memref<!tpu.dma_semaphore, #tpu.memory_space<semaphore_mem>>) src(%arg8 : memref<8x2048xf32, #tpu.memory_space<vmem>>) dst(%dma_wait3A_281 : memref<5888x2048xf32, #tpu.memory_space<hbm>>)
    %dma_wait3A_282 = arith.constant 6 : i32
    %dma_wait3A_283 = arith.constant 0 : i32
    %dma_wait3A_284 = tpu.memref_slice %arg7[%dma_wait3A_282, %dma_wait3A_283] : memref<8x8xi32, #tpu.memory_space<vmem>> -> memref<1x8xi32, #tpu.memory_space<vmem>>
    %dma_wait3A_285 = tpu.memref_squeeze %dma_wait3A_284 : memref<1x8xi32, #tpu.memory_space<vmem>> -> memref<8xi32, #tpu.memory_space<vmem>>
    %dma_wait3A_286 = arith.constant 0 : i32
    %dma_wait3A_287 = arith.constant 0 : i32
    %dma_wait3A_288 = tpu.memref_slice %arg5[%dma_wait3A_286, %dma_wait3A_287] : memref<5888x2048xf32, #tpu.memory_space<hbm>> -> memref<5888x2048xf32, #tpu.memory_space<hbm>>
    tpu.wait_indirect_dma semaphore(%arg12 : memref<!tpu.dma_semaphore, #tpu.memory_space<semaphore_mem>>) src(%arg8 : memref<8x2048xf32, #tpu.memory_space<vmem>>) dst(%dma_wait3A_288 : memref<5888x2048xf32, #tpu.memory_space<hbm>>)
    %dma_wait3A_289 = arith.constant 7 : i32
    %dma_wait3A_290 = arith.constant 0 : i32
    %dma_wait3A_291 = tpu.memref_slice %arg6[%dma_wait3A_289, %dma_wait3A_290] : memref<8x8xi32, #tpu.memory_space<vmem>> -> memref<1x8xi32, #tpu.memory_space<vmem>>
    %dma_wait3A_292 = tpu.memref_squeeze %dma_wait3A_291 : memref<1x8xi32, #tpu.memory_space<vmem>> -> memref<8xi32, #tpu.memory_space<vmem>>
    %dma_wait3A_293 = arith.constant 0 : i32
    %dma_wait3A_294 = arith.constant 0 : i32
    %dma_wait3A_295 = tpu.memref_slice %arg5[%dma_wait3A_293, %dma_wait3A_294] : memref<5888x2048xf32, #tpu.memory_space<hbm>> -> memref<5888x2048xf32, #tpu.memory_space<hbm>>
    tpu.wait_indirect_dma semaphore(%arg11 : memref<!tpu.dma_semaphore, #tpu.memory_space<semaphore_mem>>) src(%arg9 : memref<8x2048xf32, #tpu.memory_space<vmem>>) dst(%dma_wait3A_295 : memref<5888x2048xf32, #tpu.memory_space<hbm>>)
    %dma_wait3A_296 = arith.constant 7 : i32
    %dma_wait3A_297 = arith.constant 0 : i32
    %dma_wait3A_298 = tpu.memref_slice %arg7[%dma_wait3A_296, %dma_wait3A_297] : memref<8x8xi32, #tpu.memory_space<vmem>> -> memref<1x8xi32, #tpu.memory_space<vmem>>
    %dma_wait3A_299 = tpu.memref_squeeze %dma_wait3A_298 : memref<1x8xi32, #tpu.memory_space<vmem>> -> memref<8xi32, #tpu.memory_space<vmem>>
    %dma_wait3A_300 = arith.constant 0 : i32
    %dma_wait3A_301 = arith.constant 0 : i32
    %dma_wait3A_302 = tpu.memref_slice %arg5[%dma_wait3A_300, %dma_wait3A_301] : memref<5888x2048xf32, #tpu.memory_space<hbm>> -> memref<5888x2048xf32, #tpu.memory_space<hbm>>
    tpu.wait_indirect_dma semaphore(%arg12 : memref<!tpu.dma_semaphore, #tpu.memory_space<semaphore_mem>>) src(%arg9 : memref<8x2048xf32, #tpu.memory_space<vmem>>) dst(%dma_wait3A_302 : memref<5888x2048xf32, #tpu.memory_space<hbm>>)
    return
  }
}

module attributes {stable_mosaic.version = 14 : i64} {
  func.func @_route_body(%arg0: i32, %arg1: memref<2048x2048xf32, #tpu.memory_space<vmem>>, %arg2: memref<2048x8xf32, #tpu.memory_space<vmem>>, %arg3: memref<2048x2xi32, #tpu.memory_space<vmem>>, %arg4: memref<2048x2xf32, #tpu.memory_space<vmem>>, %arg5: memref<2048x2xi32, #tpu.memory_space<vmem>>, %arg6: memref<1x23xi32, #tpu.memory_space<vmem>>, %arg7: memref<1x1xi32, #tpu.memory_space<vmem>>) attributes {dimension_semantics = [#tpu.dimension_semantics<arbitrary>], iteration_bounds = array<i64: 1>, scalar_prefetch = 0 : i64, scratch_operands = 0 : i64, tpu.core_type = #tpu.core_type<tc>, window_params = [{pipeline_mode = #tpu.pipeline_mode<synchronous>, transform_indices = @transform_0, window_bounds = array<i64: 2048, 2048>}, {pipeline_mode = #tpu.pipeline_mode<synchronous>, transform_indices = @transform_1, window_bounds = array<i64: 2048, 8>}, {pipeline_mode = #tpu.pipeline_mode<synchronous>, transform_indices = @transform_2, window_bounds = array<i64: 2048, 2>}, {pipeline_mode = #tpu.pipeline_mode<synchronous>, transform_indices = @transform_3, window_bounds = array<i64: 2048, 2>}, {pipeline_mode = #tpu.pipeline_mode<synchronous>, transform_indices = @transform_4, window_bounds = array<i64: 2048, 2>}, {pipeline_mode = #tpu.pipeline_mode<synchronous>, transform_indices = @transform_5, window_bounds = array<i64: 1, 23>}, {pipeline_mode = #tpu.pipeline_mode<synchronous>, transform_indices = @transform_6, window_bounds = array<i64: 1, 1>}]} {
    %get3A = arith.constant 0 : index
    %get3A_0 = arith.constant 0 : index
    %get3A_1 = vector.load %arg1[%get3A, %get3A_0] : memref<2048x2048xf32, #tpu.memory_space<vmem>>, vector<2048x2048xf32>
    %get3A_2 = arith.constant 0 : index
    %get3A_3 = arith.constant 0 : index
    %get3A_4 = vector.load %arg2[%get3A_2, %get3A_3] : memref<2048x8xf32, #tpu.memory_space<vmem>>, vector<2048x8xf32>
    %dot_general3A = arith.constant dense<0.000000e+00> : vector<2048x8xf32>
    %dot_general3A_5 = tpu.matmul %get3A_1, %get3A_4, %dot_general3A {dimension_numbers = #tpu.dot_dimension_numbers<[1], [0], [0], [1], [0, 0, 1, 1], [], []>, transpose_lhs_hint = false} : vector<2048x2048xf32>, vector<2048x8xf32>, vector<2048x8xf32> -> vector<2048x8xf32>
    %reduce_max3A = arith.constant dense<0xFF800000> : vector<2048xf32>
    %reduce_max3A_6 = vector.multi_reduction <maximumf>, %dot_general3A_5, %reduce_max3A [1] : vector<2048x8xf32> to vector<2048xf32>
    %broadcast_in_dim3A = vector.shape_cast %reduce_max3A_6 : vector<2048xf32> to vector<2048x1xf32>
    %sub3A = vector.broadcast %broadcast_in_dim3A : vector<2048x1xf32> to vector<2048x8xf32>
    %sub3A_7 = arith.subf %dot_general3A_5, %sub3A : vector<2048x8xf32>
    %exp3A = math.exp %sub3A_7 : vector<2048x8xf32>
    %reduce_sum3A = arith.constant dense<0.000000e+00> : vector<2048xf32>
    %reduce_sum3A_8 = vector.multi_reduction <add>, %exp3A, %reduce_sum3A [1] : vector<2048x8xf32> to vector<2048xf32>
    %broadcast_in_dim3A_9 = vector.shape_cast %reduce_sum3A_8 : vector<2048xf32> to vector<2048x1xf32>
    %div3A = vector.broadcast %broadcast_in_dim3A_9 : vector<2048x1xf32> to vector<2048x8xf32>
    %div3A_10 = arith.divf %exp3A, %div3A : vector<2048x8xf32>
    %iota3A = tpu.iota {dimensions = array<i32: 1>} : vector<2048x8xi32>
    %reduce_max3A_11 = arith.constant dense<0xFF800000> : vector<2048xf32>
    %reduce_max3A_12 = vector.multi_reduction <maximumf>, %div3A_10, %reduce_max3A_11 [1] : vector<2048x8xf32> to vector<2048xf32>
    %broadcast_in_dim3A_13 = vector.shape_cast %reduce_max3A_12 : vector<2048xf32> to vector<2048x1xf32>
    %eq3A = vector.broadcast %broadcast_in_dim3A_13 : vector<2048x1xf32> to vector<2048x8xf32>
    %eq3A_14 = arith.cmpf oeq, %div3A_10, %eq3A : vector<2048x8xf32>
    %jit3A = arith.constant 8 : i32
    %broadcast_in_dim3A_15 = vector.broadcast %jit3A : i32 to vector<2048x8xi32>
    %select_n3A = arith.select %eq3A_14, %iota3A, %broadcast_in_dim3A_15 : vector<2048x8xi1>, vector<2048x8xi32>
    %reduce_min3A = arith.constant dense<2147483647> : vector<2048xi32>
    %reduce_min3A_16 = vector.multi_reduction <minsi>, %select_n3A, %reduce_min3A [1] : vector<2048x8xi32> to vector<2048xi32>
    %broadcast_in_dim3A_17 = vector.shape_cast %reduce_min3A_16 : vector<2048xi32> to vector<2048x1xi32>
    %eq3A_18 = vector.broadcast %broadcast_in_dim3A_17 : vector<2048x1xi32> to vector<2048x8xi32>
    %eq3A_19 = arith.cmpi eq, %iota3A, %eq3A_18 : vector<2048x8xi32>
    %jit3A_20 = arith.constant -1.000000e+00 : f32
    %broadcast_in_dim3A_21 = vector.broadcast %jit3A_20 : f32 to vector<2048x8xf32>
    %select_n3A_22 = arith.select %eq3A_19, %broadcast_in_dim3A_21, %div3A_10 : vector<2048x8xi1>, vector<2048x8xf32>
    %reduce_max3A_23 = arith.constant dense<0xFF800000> : vector<2048xf32>
    %reduce_max3A_24 = vector.multi_reduction <maximumf>, %select_n3A_22, %reduce_max3A_23 [1] : vector<2048x8xf32> to vector<2048xf32>
    %broadcast_in_dim3A_25 = vector.shape_cast %reduce_max3A_24 : vector<2048xf32> to vector<2048x1xf32>
    %eq3A_26 = vector.broadcast %broadcast_in_dim3A_25 : vector<2048x1xf32> to vector<2048x8xf32>
    %eq3A_27 = arith.cmpf oeq, %select_n3A_22, %eq3A_26 : vector<2048x8xf32>
    %jit3A_28 = arith.constant 8 : i32
    %broadcast_in_dim3A_29 = vector.broadcast %jit3A_28 : i32 to vector<2048x8xi32>
    %select_n3A_30 = arith.select %eq3A_27, %iota3A, %broadcast_in_dim3A_29 : vector<2048x8xi1>, vector<2048x8xi32>
    %reduce_min3A_31 = arith.constant dense<2147483647> : vector<2048xi32>
    %reduce_min3A_32 = vector.multi_reduction <minsi>, %select_n3A_30, %reduce_min3A_31 [1] : vector<2048x8xi32> to vector<2048xi32>
    %broadcast_in_dim3A_33 = vector.shape_cast %reduce_min3A_32 : vector<2048xi32> to vector<2048x1xi32>
    %add3A = arith.addf %broadcast_in_dim3A_13, %broadcast_in_dim3A_25 : vector<2048x1xf32>
    %concatenate3A = tpu.concatenate %broadcast_in_dim3A_17, %broadcast_in_dim3A_33 in 1 : vector<2048x1xi32>, vector<2048x1xi32> -> vector<2048x2xi32>
    %swap3A = arith.constant 0 : index
    %swap3A_34 = arith.constant 0 : index
    %swap3A_35 = vector.load %arg3[%swap3A, %swap3A_34] : memref<2048x2xi32, #tpu.memory_space<vmem>>, vector<2048x2xi32>
    tpu.vector_store %arg3[%swap3A, %swap3A_34], %concatenate3A {strides = array<i32>} : memref<2048x2xi32, #tpu.memory_space<vmem>>, vector<2048x2xi32>,
    %div3A_36 = arith.divf %broadcast_in_dim3A_13, %add3A : vector<2048x1xf32>
    %div3A_37 = arith.divf %broadcast_in_dim3A_25, %add3A : vector<2048x1xf32>
    %concatenate3A_38 = tpu.concatenate %div3A_36, %div3A_37 in 1 : vector<2048x1xf32>, vector<2048x1xf32> -> vector<2048x2xf32>
    %swap3A_39 = arith.constant 0 : index
    %swap3A_40 = arith.constant 0 : index
    %swap3A_41 = vector.load %arg4[%swap3A_39, %swap3A_40] : memref<2048x2xf32, #tpu.memory_space<vmem>>, vector<2048x2xf32>
    tpu.vector_store %arg4[%swap3A_39, %swap3A_40], %concatenate3A_38 {strides = array<i32>} : memref<2048x2xf32, #tpu.memory_space<vmem>>, vector<2048x2xf32>,
    %eq3A_42 = vector.broadcast %broadcast_in_dim3A_17 : vector<2048x1xi32> to vector<2048x8xi32>
    %eq3A_43 = arith.cmpi eq, %iota3A, %eq3A_42 : vector<2048x8xi32>
    %convert_element_type3A = arith.extui %eq3A_43 : vector<2048x8xi1> to vector<2048x8xi32>
    %convert_element_type3A_44 = arith.sitofp %convert_element_type3A : vector<2048x8xi32> to vector<2048x8xf32>
    %eq3A_45 = vector.broadcast %broadcast_in_dim3A_33 : vector<2048x1xi32> to vector<2048x8xi32>
    %eq3A_46 = arith.cmpi eq, %iota3A, %eq3A_45 : vector<2048x8xi32>
    %convert_element_type3A_47 = arith.extui %eq3A_46 : vector<2048x8xi1> to vector<2048x8xi32>
    %convert_element_type3A_48 = arith.sitofp %convert_element_type3A_47 : vector<2048x8xi32> to vector<2048x8xf32>
    %concatenate3A_49 = tpu.concatenate %convert_element_type3A_44, %convert_element_type3A_48 in 0 : vector<2048x8xf32>, vector<2048x8xf32> -> vector<4096x8xf32>
    %iota3A_50 = tpu.iota {dimensions = array<i32: 0>} : vector<512x512xi32>
    %iota3A_51 = tpu.iota {dimensions = array<i32: 1>} : vector<512x512xi32>
    %le3A = arith.cmpi sle, %iota3A_51, %iota3A_50 : vector<512x512xi32>
    %convert_element_type3A_52 = arith.extui %le3A : vector<512x512xi1> to vector<512x512xi32>
    %convert_element_type3A_53 = arith.sitofp %convert_element_type3A_52 : vector<512x512xi32> to vector<512x512xf32>
    %broadcast_in_dim3A_54 = arith.constant 0.000000e+00 : f32
    %broadcast_in_dim3A_55 = vector.broadcast %broadcast_in_dim3A_54 : f32 to vector<1x8xf32>
    %slice3A = vector.extract_strided_slice %concatenate3A_49 {offsets = [0, 0], sizes = [512, 8], strides = [1, 1]} : vector<4096x8xf32> to vector<512x8xf32>
    %dot_general3A_56 = arith.constant dense<0.000000e+00> : vector<512x8xf32>
    %dot_general3A_57 = tpu.matmul %convert_element_type3A_53, %slice3A, %dot_general3A_56 {dimension_numbers = #tpu.dot_dimension_numbers<[1], [0], [0], [1], [0, 0, 1, 1], [], []>, transpose_lhs_hint = false} : vector<512x512xf32>, vector<512x8xf32>, vector<512x8xf32> -> vector<512x8xf32>
    %add3A_58 = vector.broadcast %broadcast_in_dim3A_55 : vector<1x8xf32> to vector<512x8xf32>
    %add3A_59 = arith.addf %dot_general3A_57, %add3A_58 : vector<512x8xf32>
    %slice3A_60 = vector.extract_strided_slice %add3A_59 {offsets = [511, 0], sizes = [1, 8], strides = [1, 1]} : vector<512x8xf32> to vector<1x8xf32>
    %slice3A_61 = vector.extract_strided_slice %concatenate3A_49 {offsets = [512, 0], sizes = [512, 8], strides = [1, 1]} : vector<4096x8xf32> to vector<512x8xf32>
    %dot_general3A_62 = arith.constant dense<0.000000e+00> : vector<512x8xf32>
    %dot_general3A_63 = tpu.matmul %convert_element_type3A_53, %slice3A_61, %dot_general3A_62 {dimension_numbers = #tpu.dot_dimension_numbers<[1], [0], [0], [1], [0, 0, 1, 1], [], []>, transpose_lhs_hint = false} : vector<512x512xf32>, vector<512x8xf32>, vector<512x8xf32> -> vector<512x8xf32>
    %add3A_64 = vector.broadcast %slice3A_60 : vector<1x8xf32> to vector<512x8xf32>
    %add3A_65 = arith.addf %dot_general3A_63, %add3A_64 : vector<512x8xf32>
    %slice3A_66 = vector.extract_strided_slice %add3A_65 {offsets = [511, 0], sizes = [1, 8], strides = [1, 1]} : vector<512x8xf32> to vector<1x8xf32>
    %slice3A_67 = vector.extract_strided_slice %concatenate3A_49 {offsets = [1024, 0], sizes = [512, 8], strides = [1, 1]} : vector<4096x8xf32> to vector<512x8xf32>
    %dot_general3A_68 = arith.constant dense<0.000000e+00> : vector<512x8xf32>
    %dot_general3A_69 = tpu.matmul %convert_element_type3A_53, %slice3A_67, %dot_general3A_68 {dimension_numbers = #tpu.dot_dimension_numbers<[1], [0], [0], [1], [0, 0, 1, 1], [], []>, transpose_lhs_hint = false} : vector<512x512xf32>, vector<512x8xf32>, vector<512x8xf32> -> vector<512x8xf32>
    %add3A_70 = vector.broadcast %slice3A_66 : vector<1x8xf32> to vector<512x8xf32>
    %add3A_71 = arith.addf %dot_general3A_69, %add3A_70 : vector<512x8xf32>
    %slice3A_72 = vector.extract_strided_slice %add3A_71 {offsets = [511, 0], sizes = [1, 8], strides = [1, 1]} : vector<512x8xf32> to vector<1x8xf32>
    %slice3A_73 = vector.extract_strided_slice %concatenate3A_49 {offsets = [1536, 0], sizes = [512, 8], strides = [1, 1]} : vector<4096x8xf32> to vector<512x8xf32>
    %dot_general3A_74 = arith.constant dense<0.000000e+00> : vector<512x8xf32>
    %dot_general3A_75 = tpu.matmul %convert_element_type3A_53, %slice3A_73, %dot_general3A_74 {dimension_numbers = #tpu.dot_dimension_numbers<[1], [0], [0], [1], [0, 0, 1, 1], [], []>, transpose_lhs_hint = false} : vector<512x512xf32>, vector<512x8xf32>, vector<512x8xf32> -> vector<512x8xf32>
    %add3A_76 = vector.broadcast %slice3A_72 : vector<1x8xf32> to vector<512x8xf32>
    %add3A_77 = arith.addf %dot_general3A_75, %add3A_76 : vector<512x8xf32>
    %slice3A_78 = vector.extract_strided_slice %add3A_77 {offsets = [511, 0], sizes = [1, 8], strides = [1, 1]} : vector<512x8xf32> to vector<1x8xf32>
    %slice3A_79 = vector.extract_strided_slice %concatenate3A_49 {offsets = [2048, 0], sizes = [512, 8], strides = [1, 1]} : vector<4096x8xf32> to vector<512x8xf32>
    %dot_general3A_80 = arith.constant dense<0.000000e+00> : vector<512x8xf32>
    %dot_general3A_81 = tpu.matmul %convert_element_type3A_53, %slice3A_79, %dot_general3A_80 {dimension_numbers = #tpu.dot_dimension_numbers<[1], [0], [0], [1], [0, 0, 1, 1], [], []>, transpose_lhs_hint = false} : vector<512x512xf32>, vector<512x8xf32>, vector<512x8xf32> -> vector<512x8xf32>
    %add3A_82 = vector.broadcast %slice3A_78 : vector<1x8xf32> to vector<512x8xf32>
    %add3A_83 = arith.addf %dot_general3A_81, %add3A_82 : vector<512x8xf32>
    %slice3A_84 = vector.extract_strided_slice %add3A_83 {offsets = [511, 0], sizes = [1, 8], strides = [1, 1]} : vector<512x8xf32> to vector<1x8xf32>
    %slice3A_85 = vector.extract_strided_slice %concatenate3A_49 {offsets = [2560, 0], sizes = [512, 8], strides = [1, 1]} : vector<4096x8xf32> to vector<512x8xf32>
    %dot_general3A_86 = arith.constant dense<0.000000e+00> : vector<512x8xf32>
    %dot_general3A_87 = tpu.matmul %convert_element_type3A_53, %slice3A_85, %dot_general3A_86 {dimension_numbers = #tpu.dot_dimension_numbers<[1], [0], [0], [1], [0, 0, 1, 1], [], []>, transpose_lhs_hint = false} : vector<512x512xf32>, vector<512x8xf32>, vector<512x8xf32> -> vector<512x8xf32>
    %add3A_88 = vector.broadcast %slice3A_84 : vector<1x8xf32> to vector<512x8xf32>
    %add3A_89 = arith.addf %dot_general3A_87, %add3A_88 : vector<512x8xf32>
    %slice3A_90 = vector.extract_strided_slice %add3A_89 {offsets = [511, 0], sizes = [1, 8], strides = [1, 1]} : vector<512x8xf32> to vector<1x8xf32>
    %slice3A_91 = vector.extract_strided_slice %concatenate3A_49 {offsets = [3072, 0], sizes = [512, 8], strides = [1, 1]} : vector<4096x8xf32> to vector<512x8xf32>
    %dot_general3A_92 = arith.constant dense<0.000000e+00> : vector<512x8xf32>
    %dot_general3A_93 = tpu.matmul %convert_element_type3A_53, %slice3A_91, %dot_general3A_92 {dimension_numbers = #tpu.dot_dimension_numbers<[1], [0], [0], [1], [0, 0, 1, 1], [], []>, transpose_lhs_hint = false} : vector<512x512xf32>, vector<512x8xf32>, vector<512x8xf32> -> vector<512x8xf32>
    %add3A_94 = vector.broadcast %slice3A_90 : vector<1x8xf32> to vector<512x8xf32>
    %add3A_95 = arith.addf %dot_general3A_93, %add3A_94 : vector<512x8xf32>
    %slice3A_96 = vector.extract_strided_slice %add3A_95 {offsets = [511, 0], sizes = [1, 8], strides = [1, 1]} : vector<512x8xf32> to vector<1x8xf32>
    %slice3A_97 = vector.extract_strided_slice %concatenate3A_49 {offsets = [3584, 0], sizes = [512, 8], strides = [1, 1]} : vector<4096x8xf32> to vector<512x8xf32>
    %dot_general3A_98 = arith.constant dense<0.000000e+00> : vector<512x8xf32>
    %dot_general3A_99 = tpu.matmul %convert_element_type3A_53, %slice3A_97, %dot_general3A_98 {dimension_numbers = #tpu.dot_dimension_numbers<[1], [0], [0], [1], [0, 0, 1, 1], [], []>, transpose_lhs_hint = false} : vector<512x512xf32>, vector<512x8xf32>, vector<512x8xf32> -> vector<512x8xf32>
    %add3A_100 = vector.broadcast %slice3A_96 : vector<1x8xf32> to vector<512x8xf32>
    %add3A_101 = arith.addf %dot_general3A_99, %add3A_100 : vector<512x8xf32>
    %slice3A_102 = vector.extract_strided_slice %add3A_101 {offsets = [511, 0], sizes = [1, 8], strides = [1, 1]} : vector<512x8xf32> to vector<1x8xf32>
    %concatenate3A_103 = tpu.concatenate %add3A_59, %add3A_65, %add3A_71, %add3A_77, %add3A_83, %add3A_89, %add3A_95, %add3A_101 in 0 : vector<512x8xf32>, vector<512x8xf32>, vector<512x8xf32>, vector<512x8xf32>, vector<512x8xf32>, vector<512x8xf32>, vector<512x8xf32>, vector<512x8xf32> -> vector<4096x8xf32>
    %add3A_104 = arith.constant 2.550000e+02 : f32
    %add3A_105 = vector.broadcast %add3A_104 : f32 to vector<1x8xf32>
    %add3A_106 = arith.addf %slice3A_102, %add3A_105 : vector<1x8xf32>
    %div3A_107 = arith.constant 2.560000e+02 : f32
    %div3A_108 = vector.broadcast %div3A_107 : f32 to vector<1x8xf32>
    %div3A_109 = arith.divf %add3A_106, %div3A_108 : vector<1x8xf32>
    %floor3A = math.floor %div3A_109 : vector<1x8xf32>
    %mul3A = arith.constant 2.560000e+02 : f32
    %mul3A_110 = vector.broadcast %mul3A : f32 to vector<1x8xf32>
    %mul3A_111 = arith.mulf %floor3A, %mul3A_110 : vector<1x8xf32>
    %iota3A_112 = tpu.iota {dimensions = array<i32: 0>} : vector<8x8xi32>
    %iota3A_113 = tpu.iota {dimensions = array<i32: 1>} : vector<8x8xi32>
    %lt3A = arith.cmpi slt, %iota3A_112, %iota3A_113 : vector<8x8xi32>
    %convert_element_type3A_114 = arith.extui %lt3A : vector<8x8xi1> to vector<8x8xi32>
    %convert_element_type3A_115 = arith.sitofp %convert_element_type3A_114 : vector<8x8xi32> to vector<8x8xf32>
    %dot_general3A_116 = arith.constant dense<0.000000e+00> : vector<1x8xf32>
    %dot_general3A_117 = tpu.matmul %mul3A_111, %convert_element_type3A_115, %dot_general3A_116 {dimension_numbers = #tpu.dot_dimension_numbers<[1], [0], [0], [1], [0, 0, 1, 1], [], []>, transpose_lhs_hint = false} : vector<1x8xf32>, vector<8x8xf32>, vector<1x8xf32> -> vector<1x8xf32>
    %add3A_118 = arith.addf %dot_general3A_117, %mul3A_111 : vector<1x8xf32>
    %div3A_119 = arith.constant 2.560000e+02 : f32
    %div3A_120 = vector.broadcast %div3A_119 : f32 to vector<1x8xf32>
    %div3A_121 = arith.divf %add3A_118, %div3A_120 : vector<1x8xf32>
    %broadcast_in_dim3A_122 = vector.shape_cast %div3A_121 : vector<1x8xf32> to vector<1x8xf32>
    %broadcast_in_dim3A_123 = vector.broadcast %broadcast_in_dim3A_122 : vector<1x8xf32> to vector<8x8xf32>
    %eq3A_124 = arith.cmpi eq, %iota3A_113, %iota3A_112 : vector<8x8xi32>
    %jit3A_125 = arith.constant 0.000000e+00 : f32
    %broadcast_in_dim3A_126 = vector.broadcast %jit3A_125 : f32 to vector<8x8xf32>
    %select_n3A_127 = arith.select %eq3A_124, %broadcast_in_dim3A_123, %broadcast_in_dim3A_126 : vector<8x8xi1>, vector<8x8xf32>
    %reduce_sum3A_128 = arith.constant dense<0.000000e+00> : vector<8xf32>
    %reduce_sum3A_129 = vector.multi_reduction <add>, %select_n3A_127, %reduce_sum3A_128 [1] : vector<8x8xf32> to vector<8xf32>
    %broadcast_in_dim3A_130 = vector.shape_cast %reduce_sum3A_129 : vector<8xf32> to vector<8x1xf32>
    %iota3A_131 = tpu.iota {dimensions = array<i32: 1>} : vector<8x23xi32>
    %convert_element_type3A_132 = arith.sitofp %iota3A_131 : vector<8x23xi32> to vector<8x23xf32>
    %ge3A = vector.broadcast %broadcast_in_dim3A_130 : vector<8x1xf32> to vector<8x23xf32>
    %ge3A_133 = arith.cmpf oge, %convert_element_type3A_132, %ge3A : vector<8x23xf32>
    %convert_element_type3A_134 = arith.extui %ge3A_133 : vector<8x23xi1> to vector<8x23xi32>
    %convert_element_type3A_135 = arith.sitofp %convert_element_type3A_134 : vector<8x23xi32> to vector<8x23xf32>
    %reduce_sum3A_136 = arith.constant dense<0.000000e+00> : vector<23xf32>
    %reduce_sum3A_137 = vector.multi_reduction <add>, %convert_element_type3A_135, %reduce_sum3A_136 [0] : vector<8x23xf32> to vector<23xf32>
    %broadcast_in_dim3A_138 = vector.shape_cast %reduce_sum3A_137 : vector<23xf32> to vector<1x23xf32>
    %min3A = arith.constant 7.000000e+00 : f32
    %min3A_139 = vector.broadcast %min3A : f32 to vector<1x23xf32>
    %min3A_140 = arith.minimumf %broadcast_in_dim3A_138, %min3A_139 : vector<1x23xf32>
    %convert_element_type3A_141 = arith.fptosi %min3A_140 : vector<1x23xf32> to vector<1x23xi32>
    %swap3A_142 = arith.constant 0 : index
    %swap3A_143 = arith.constant 0 : index
    %swap3A_144 = vector.load %arg6[%swap3A_142, %swap3A_143] : memref<1x23xi32, #tpu.memory_space<vmem>>, vector<1x23xi32>
    tpu.vector_store %arg6[%swap3A_142, %swap3A_143], %convert_element_type3A_141 {strides = array<i32>} : memref<1x23xi32, #tpu.memory_space<vmem>>, vector<1x23xi32>,
    %slice3A_145 = vector.extract_strided_slice %div3A_121 {offsets = [0, 7], sizes = [1, 1], strides = [1, 1]} : vector<1x8xf32> to vector<1x1xf32>
    %convert_element_type3A_146 = arith.fptosi %slice3A_145 : vector<1x1xf32> to vector<1x1xi32>
    %swap3A_147 = arith.constant 0 : index
    %swap3A_148 = arith.constant 0 : index
    %swap3A_149 = vector.load %arg7[%swap3A_147, %swap3A_148] : memref<1x1xi32, #tpu.memory_space<vmem>>, vector<1x1xi32>
    tpu.vector_store %arg7[%swap3A_147, %swap3A_148], %convert_element_type3A_146 {strides = array<i32>} : memref<1x1xi32, #tpu.memory_space<vmem>>, vector<1x1xi32>,
    %slice3A_150 = vector.extract_strided_slice %concatenate3A_103 {offsets = [0, 0], sizes = [2048, 8], strides = [1, 1]} : vector<4096x8xf32> to vector<2048x8xf32>
    %slice3A_151 = vector.extract_strided_slice %concatenate3A_103 {offsets = [2048, 0], sizes = [2048, 8], strides = [1, 1]} : vector<4096x8xf32> to vector<2048x8xf32>
    %mul3A_152 = arith.mulf %slice3A_150, %convert_element_type3A_44 : vector<2048x8xf32>
    %reduce_sum3A_153 = arith.constant dense<0.000000e+00> : vector<2048xf32>
    %reduce_sum3A_154 = vector.multi_reduction <add>, %mul3A_152, %reduce_sum3A_153 [1] : vector<2048x8xf32> to vector<2048xf32>
    %broadcast_in_dim3A_155 = vector.shape_cast %reduce_sum3A_154 : vector<2048xf32> to vector<2048x1xf32>
    %sub3A_156 = arith.constant 1.000000e+00 : f32
    %sub3A_157 = vector.broadcast %sub3A_156 : f32 to vector<2048x1xf32>
    %sub3A_158 = arith.subf %broadcast_in_dim3A_155, %sub3A_157 : vector<2048x1xf32>
    %mul3A_159 = arith.mulf %slice3A_151, %convert_element_type3A_48 : vector<2048x8xf32>
    %reduce_sum3A_160 = arith.constant dense<0.000000e+00> : vector<2048xf32>
    %reduce_sum3A_161 = vector.multi_reduction <add>, %mul3A_159, %reduce_sum3A_160 [1] : vector<2048x8xf32> to vector<2048xf32>
    %broadcast_in_dim3A_162 = vector.shape_cast %reduce_sum3A_161 : vector<2048xf32> to vector<2048x1xf32>
    %sub3A_163 = arith.constant 1.000000e+00 : f32
    %sub3A_164 = vector.broadcast %sub3A_163 : f32 to vector<2048x1xf32>
    %sub3A_165 = arith.subf %broadcast_in_dim3A_162, %sub3A_164 : vector<2048x1xf32>
    %mul3A_166 = vector.broadcast %dot_general3A_117 : vector<1x8xf32> to vector<2048x8xf32>
    %mul3A_167 = arith.mulf %convert_element_type3A_44, %mul3A_166 : vector<2048x8xf32>
    %reduce_sum3A_168 = arith.constant dense<0.000000e+00> : vector<2048xf32>
    %reduce_sum3A_169 = vector.multi_reduction <add>, %mul3A_167, %reduce_sum3A_168 [1] : vector<2048x8xf32> to vector<2048xf32>
    %broadcast_in_dim3A_170 = vector.shape_cast %reduce_sum3A_169 : vector<2048xf32> to vector<2048x1xf32>
    %mul3A_171 = vector.broadcast %dot_general3A_117 : vector<1x8xf32> to vector<2048x8xf32>
    %mul3A_172 = arith.mulf %convert_element_type3A_48, %mul3A_171 : vector<2048x8xf32>
    %reduce_sum3A_173 = arith.constant dense<0.000000e+00> : vector<2048xf32>
    %reduce_sum3A_174 = vector.multi_reduction <add>, %mul3A_172, %reduce_sum3A_173 [1] : vector<2048x8xf32> to vector<2048xf32>
    %broadcast_in_dim3A_175 = vector.shape_cast %reduce_sum3A_174 : vector<2048xf32> to vector<2048x1xf32>
    %add3A_176 = arith.addf %broadcast_in_dim3A_170, %sub3A_158 : vector<2048x1xf32>
    %convert_element_type3A_177 = arith.fptosi %add3A_176 : vector<2048x1xf32> to vector<2048x1xi32>
    %add3A_178 = arith.addf %broadcast_in_dim3A_175, %sub3A_165 : vector<2048x1xf32>
    %convert_element_type3A_179 = arith.fptosi %add3A_178 : vector<2048x1xf32> to vector<2048x1xi32>
    %concatenate3A_180 = tpu.concatenate %convert_element_type3A_177, %convert_element_type3A_179 in 1 : vector<2048x1xi32>, vector<2048x1xi32> -> vector<2048x2xi32>
    %swap3A_181 = arith.constant 0 : index
    %swap3A_182 = arith.constant 0 : index
    %swap3A_183 = vector.load %arg5[%swap3A_181, %swap3A_182] : memref<2048x2xi32, #tpu.memory_space<vmem>>, vector<2048x2xi32>
    tpu.vector_store %arg5[%swap3A_181, %swap3A_182], %concatenate3A_180 {strides = array<i32>} : memref<2048x2xi32, #tpu.memory_space<vmem>>, vector<2048x2xi32>,
    return
  }
  func.func @transform_0(%arg0: i32) -> (i32, i32) {
    %c0_i32 = arith.constant 0 : i32
    %c0_i32_0 = arith.constant 0 : i32
    %c0_i32_1 = arith.constant 0 : i32
    return %c0_i32, %c0_i32_0 : i32, i32
  }
  func.func @transform_1(%arg0: i32) -> (i32, i32) {
    %c0_i32 = arith.constant 0 : i32
    %c0_i32_0 = arith.constant 0 : i32
    %c0_i32_1 = arith.constant 0 : i32
    return %c0_i32, %c0_i32_0 : i32, i32
  }
  func.func @transform_2(%arg0: i32) -> (i32, i32) {
    %c0_i32 = arith.constant 0 : i32
    %c0_i32_0 = arith.constant 0 : i32
    %c0_i32_1 = arith.constant 0 : i32
    return %c0_i32, %c0_i32_0 : i32, i32
  }
  func.func @transform_3(%arg0: i32) -> (i32, i32) {
    %c0_i32 = arith.constant 0 : i32
    %c0_i32_0 = arith.constant 0 : i32
    %c0_i32_1 = arith.constant 0 : i32
    return %c0_i32, %c0_i32_0 : i32, i32
  }
  func.func @transform_4(%arg0: i32) -> (i32, i32) {
    %c0_i32 = arith.constant 0 : i32
    %c0_i32_0 = arith.constant 0 : i32
    %c0_i32_1 = arith.constant 0 : i32
    return %c0_i32, %c0_i32_0 : i32, i32
  }
  func.func @transform_5(%arg0: i32) -> (i32, i32) {
    %c0_i32 = arith.constant 0 : i32
    %c0_i32_0 = arith.constant 0 : i32
    %c0_i32_1 = arith.constant 0 : i32
    return %c0_i32, %c0_i32_0 : i32, i32
  }
  func.func @transform_6(%arg0: i32) -> (i32, i32) {
    %c0_i32 = arith.constant 0 : i32
    %c0_i32_0 = arith.constant 0 : i32
    %c0_i32_1 = arith.constant 0 : i32
    return %c0_i32, %c0_i32_0 : i32, i32
  }
}

module attributes {stable_mosaic.version = 14 : i64} {
  func.func @_gmlp_body(%arg0: i32, %arg1: memref<23xi32, #tpu.memory_space<smem>>, %arg2: memref<1xi32, #tpu.memory_space<smem>>, %arg3: memref<256x2048xf32, #tpu.memory_space<vmem>>, %arg4: memref<1x2048x1024xf32, #tpu.memory_space<vmem>>, %arg5: memref<1x2048x1024xf32, #tpu.memory_space<vmem>>, %arg6: memref<1x1024x2048xf32, #tpu.memory_space<vmem>>, %arg7: memref<256x2048xf32, #tpu.memory_space<vmem>>) attributes {dimension_semantics = [#tpu.dimension_semantics<arbitrary>], iteration_bounds = array<i64: 23>, scalar_prefetch = 2 : i64, scratch_operands = 0 : i64, tpu.core_type = #tpu.core_type<tc>, window_params = [{transform_indices = @transform_0, window_bounds = array<i64: 256, 2048>}, {transform_indices = @transform_1, window_bounds = array<i64: 1, 2048, 1024>}, {transform_indices = @transform_2, window_bounds = array<i64: 1, 2048, 1024>}, {transform_indices = @transform_3, window_bounds = array<i64: 1, 1024, 2048>}, {transform_indices = @transform_4, window_bounds = array<i64: 256, 2048>}]} {
    %get3A = arith.constant 0 : index
    %get3A_0 = memref.load %arg2[%get3A] : memref<1xi32, #tpu.memory_space<smem>>
    %lt3A = arith.cmpi slt, %arg0, %get3A_0 : i32
    %convert_element_type3A = arith.extui %lt3A : i1 to i32
    %cond3A = arith.constant 0 : i32
    %cond3A_1 = arith.cmpi ne, %convert_element_type3A, %cond3A : i32
    scf.if %cond3A_1 {
      %get3A_2 = arith.constant 0 : index
      %get3A_3 = arith.constant 0 : index
      %get3A_4 = vector.load %arg3[%get3A_2, %get3A_3] : memref<256x2048xf32, #tpu.memory_space<vmem>>, vector<256x2048xf32>
      %get3A_5 = arith.constant 0 : index
      %get3A_6 = arith.constant 0 : index
      %get3A_7 = arith.constant 0 : index
      %get3A_8 = vector.load %arg4[%get3A_5, %get3A_6, %get3A_7] : memref<1x2048x1024xf32, #tpu.memory_space<vmem>>, vector<1x2048x1024xf32>
      %get3A_9 = vector.shape_cast %get3A_8 : vector<1x2048x1024xf32> to vector<2048x1024xf32>
      %dot_general3A = arith.constant dense<0.000000e+00> : vector<256x1024xf32>
      %dot_general3A_10 = tpu.matmul %get3A_4, %get3A_9, %dot_general3A {dimension_numbers = #tpu.dot_dimension_numbers<[1], [0], [0], [1], [0, 0, 1, 1], [], []>, transpose_lhs_hint = false} : vector<256x2048xf32>, vector<2048x1024xf32>, vector<256x1024xf32> -> vector<256x1024xf32>
      %get3A_11 = arith.constant 0 : index
      %get3A_12 = arith.constant 0 : index
      %get3A_13 = arith.constant 0 : index
      %get3A_14 = vector.load %arg5[%get3A_11, %get3A_12, %get3A_13] : memref<1x2048x1024xf32, #tpu.memory_space<vmem>>, vector<1x2048x1024xf32>
      %get3A_15 = vector.shape_cast %get3A_14 : vector<1x2048x1024xf32> to vector<2048x1024xf32>
      %dot_general3A_16 = arith.constant dense<0.000000e+00> : vector<256x1024xf32>
      %dot_general3A_17 = tpu.matmul %get3A_4, %get3A_15, %dot_general3A_16 {dimension_numbers = #tpu.dot_dimension_numbers<[1], [0], [0], [1], [0, 0, 1, 1], [], []>, transpose_lhs_hint = false} : vector<256x2048xf32>, vector<2048x1024xf32>, vector<256x1024xf32> -> vector<256x1024xf32>
      %logistic3A = arith.negf %dot_general3A_10 : vector<256x1024xf32>
      %logistic3A_18 = math.exp %logistic3A : vector<256x1024xf32>
      %logistic3A_19 = arith.constant 1.000000e+00 : f32
      %logistic3A_20 = vector.broadcast %logistic3A_19 : f32 to vector<256x1024xf32>
      %logistic3A_21 = arith.addf %logistic3A_20, %logistic3A_18 : vector<256x1024xf32>
      %logistic3A_22 = arith.divf %logistic3A_20, %logistic3A_21 : vector<256x1024xf32>
      %mul3A = arith.mulf %dot_general3A_10, %logistic3A_22 : vector<256x1024xf32>
      %mul3A_23 = arith.mulf %mul3A, %dot_general3A_17 : vector<256x1024xf32>
      %get3A_24 = arith.constant 0 : index
      %get3A_25 = arith.constant 0 : index
      %get3A_26 = arith.constant 0 : index
      %get3A_27 = vector.load %arg6[%get3A_24, %get3A_25, %get3A_26] : memref<1x1024x2048xf32, #tpu.memory_space<vmem>>, vector<1x1024x2048xf32>
      %get3A_28 = vector.shape_cast %get3A_27 : vector<1x1024x2048xf32> to vector<1024x2048xf32>
      %dot_general3A_29 = arith.constant dense<0.000000e+00> : vector<256x2048xf32>
      %dot_general3A_30 = tpu.matmul %mul3A_23, %get3A_28, %dot_general3A_29 {dimension_numbers = #tpu.dot_dimension_numbers<[1], [0], [0], [1], [0, 0, 1, 1], [], []>, transpose_lhs_hint = false} : vector<256x1024xf32>, vector<1024x2048xf32>, vector<256x2048xf32> -> vector<256x2048xf32>
      %swap3A = arith.constant 0 : index
      %swap3A_31 = arith.constant 0 : index
      %swap3A_32 = vector.load %arg7[%swap3A, %swap3A_31] : memref<256x2048xf32, #tpu.memory_space<vmem>>, vector<256x2048xf32>
      tpu.vector_store %arg7[%swap3A, %swap3A_31], %dot_general3A_30 {strides = array<i32>} : memref<256x2048xf32, #tpu.memory_space<vmem>>, vector<256x2048xf32>,
    } else {
    }
    return
  }
  func.func @transform_0(%arg0: i32, %arg1: memref<23xi32, #tpu.memory_space<smem>>, %arg2: memref<1xi32, #tpu.memory_space<smem>>) -> (i32, i32) {
    %get3A = arith.constant 0 : index
    %get3A_0 = memref.load %arg2[%get3A] : memref<1xi32, #tpu.memory_space<smem>>
    %sub3A = arith.constant 1 : i32
    %sub3A_1 = arith.subi %get3A_0, %sub3A : i32
    %min3A = arith.minsi %arg0, %sub3A_1 : i32
    %c0_i32 = arith.constant 0 : i32
    %c0_i32_2 = arith.constant 0 : i32
    return %min3A, %c0_i32 : i32, i32
  }
  func.func @transform_1(%arg0: i32, %arg1: memref<23xi32, #tpu.memory_space<smem>>, %arg2: memref<1xi32, #tpu.memory_space<smem>>) -> (i32, i32, i32) {
    %get3A = arith.index_cast %arg0 : i32 to index
    %get3A_0 = memref.load %arg1[%get3A] : memref<23xi32, #tpu.memory_space<smem>>
    %c0_i32 = arith.constant 0 : i32
    %c0_i32_1 = arith.constant 0 : i32
    %c0_i32_2 = arith.constant 0 : i32
    return %get3A_0, %c0_i32, %c0_i32_1 : i32, i32, i32
  }
  func.func @transform_2(%arg0: i32, %arg1: memref<23xi32, #tpu.memory_space<smem>>, %arg2: memref<1xi32, #tpu.memory_space<smem>>) -> (i32, i32, i32) {
    %get3A = arith.index_cast %arg0 : i32 to index
    %get3A_0 = memref.load %arg1[%get3A] : memref<23xi32, #tpu.memory_space<smem>>
    %c0_i32 = arith.constant 0 : i32
    %c0_i32_1 = arith.constant 0 : i32
    %c0_i32_2 = arith.constant 0 : i32
    return %get3A_0, %c0_i32, %c0_i32_1 : i32, i32, i32
  }
  func.func @transform_3(%arg0: i32, %arg1: memref<23xi32, #tpu.memory_space<smem>>, %arg2: memref<1xi32, #tpu.memory_space<smem>>) -> (i32, i32, i32) {
    %get3A = arith.index_cast %arg0 : i32 to index
    %get3A_0 = memref.load %arg1[%get3A] : memref<23xi32, #tpu.memory_space<smem>>
    %c0_i32 = arith.constant 0 : i32
    %c0_i32_1 = arith.constant 0 : i32
    %c0_i32_2 = arith.constant 0 : i32
    return %get3A_0, %c0_i32, %c0_i32_1 : i32, i32, i32
  }
  func.func @transform_4(%arg0: i32, %arg1: memref<23xi32, #tpu.memory_space<smem>>, %arg2: memref<1xi32, #tpu.memory_space<smem>>) -> (i32, i32) {
    %get3A = arith.constant 0 : index
    %get3A_0 = memref.load %arg2[%get3A] : memref<1xi32, #tpu.memory_space<smem>>
    %sub3A = arith.constant 1 : i32
    %sub3A_1 = arith.subi %get3A_0, %sub3A : i32
    %min3A = arith.minsi %arg0, %sub3A_1 : i32
    %c0_i32 = arith.constant 0 : i32
    %c0_i32_2 = arith.constant 0 : i32
    return %min3A, %c0_i32 : i32, i32
  }
}

module attributes {stable_mosaic.version = 14 : i64} {
  func.func @_combine_body(%arg0: i32, %arg1: memref<512x2xf32, #tpu.memory_space<vmem>>, %arg2: memref<512x2048xf32, #tpu.memory_space<vmem>>, %arg3: memref<512x2048xf32, #tpu.memory_space<vmem>>, %arg4: memref<512x2048xf32, #tpu.memory_space<vmem>>) attributes {dimension_semantics = [#tpu.dimension_semantics<arbitrary>], iteration_bounds = array<i64: 4>, scalar_prefetch = 0 : i64, scratch_operands = 0 : i64, tpu.core_type = #tpu.core_type<tc>, window_params = [{transform_indices = @transform_0, window_bounds = array<i64: 512, 2>}, {transform_indices = @transform_1, window_bounds = array<i64: 512, 2048>}, {transform_indices = @transform_2, window_bounds = array<i64: 512, 2048>}, {transform_indices = @transform_3, window_bounds = array<i64: 512, 2048>}]} {
    %get3A = arith.constant 0 : index
    %get3A_0 = arith.constant 0 : index
    %get3A_1 = vector.load %arg1[%get3A, %get3A_0] : memref<512x2xf32, #tpu.memory_space<vmem>>, vector<512x1xf32>
    %get3A_2 = arith.constant 0 : index
    %get3A_3 = arith.constant 1 : index
    %get3A_4 = vector.load %arg1[%get3A_2, %get3A_3] : memref<512x2xf32, #tpu.memory_space<vmem>>, vector<512x1xf32>
    %get3A_5 = arith.constant 0 : index
    %get3A_6 = arith.constant 0 : index
    %get3A_7 = vector.load %arg2[%get3A_5, %get3A_6] : memref<512x2048xf32, #tpu.memory_space<vmem>>, vector<512x2048xf32>
    %mul3A = vector.broadcast %get3A_1 : vector<512x1xf32> to vector<512x2048xf32>
    %mul3A_8 = arith.mulf %mul3A, %get3A_7 : vector<512x2048xf32>
    %get3A_9 = arith.constant 0 : index
    %get3A_10 = arith.constant 0 : index
    %get3A_11 = vector.load %arg3[%get3A_9, %get3A_10] : memref<512x2048xf32, #tpu.memory_space<vmem>>, vector<512x2048xf32>
    %mul3A_12 = vector.broadcast %get3A_4 : vector<512x1xf32> to vector<512x2048xf32>
    %mul3A_13 = arith.mulf %mul3A_12, %get3A_11 : vector<512x2048xf32>
    %add3A = arith.addf %mul3A_8, %mul3A_13 : vector<512x2048xf32>
    %swap3A = arith.constant 0 : index
    %swap3A_14 = arith.constant 0 : index
    %swap3A_15 = vector.load %arg4[%swap3A, %swap3A_14] : memref<512x2048xf32, #tpu.memory_space<vmem>>, vector<512x2048xf32>
    tpu.vector_store %arg4[%swap3A, %swap3A_14], %add3A {strides = array<i32>} : memref<512x2048xf32, #tpu.memory_space<vmem>>, vector<512x2048xf32>,
    return
  }
  func.func @transform_0(%arg0: i32) -> (i32, i32) {
    %c0_i32 = arith.constant 0 : i32
    %c0_i32_0 = arith.constant 0 : i32
    return %arg0, %c0_i32 : i32, i32
  }
  func.func @transform_1(%arg0: i32) -> (i32, i32) {
    %c0_i32 = arith.constant 0 : i32
    %c0_i32_0 = arith.constant 0 : i32
    return %arg0, %c0_i32 : i32, i32
  }
  func.func @transform_2(%arg0: i32) -> (i32, i32) {
    %c0_i32 = arith.constant 0 : i32
    %c0_i32_0 = arith.constant 0 : i32
    return %arg0, %c0_i32 : i32, i32
  }
  func.func @transform_3(%arg0: i32) -> (i32, i32) {
    %c0_i32 = arith.constant 0 : i32
    %c0_i32_0 = arith.constant 0 : i32
    return %arg0, %c0_i32 : i32, i32
  }
}

</mosaic_0001>

<sc_bundles>
// kernel: kernel.10.cloned.1.call-start
scs
__scs_entry_jumppad:
0x0: {  	(pc) =	sbr.rel $0x88, $3  }
0x1: {  	(tag) =	ssettag $0x0;
	lr =	simm.s32 $0x1  }
0x2: {  	[smem:$0x3F9C] =	sst lr;
	_ =	strace $0xD0000000  }
0x3: {  	_ = 	snop  }
0x4: {  	_ = 	snop  }
0x5: {  	_ = 	snop  }
0x6: {  	_ = 	snop  }
0x7: {  	_ = 	snop  }
__scs_overlays_trampoline_lowered:
0x8: {  	[smem:$0x3FAB] =	sst s0  }
0x9: {  	[smem:$0x3FAC] =	sst s1  }
0xa: {  	[smem:$0x3FAD] =	sst s2  }
0xb: {  	[smem:$0x3FAE] =	sst s3  }
0xc: {  	[smem:$0x3FAF] =	sst s4  }
0xd: {  	[smem:$0x3FB0] =	sst s5  }
0xe: {  	[smem:$0x3FB1] =	sst s6  }
0xf: {  	[smem:$0x3FB2] =	sst s7  }
0x10: {  	[smem:$0x3FB3] =	sst s8  }
0x11: {  	[smem:$0x3FB4] =	sst s9;
	s0 =	simm.s32 @!p0 $0x0  }
0x12: {  	s1 =	sld [smem:$0x3F9A];
	s0 =	simm.s32 @p0 $0x1  }
0x13: {  	[smem:$0x3FB5] =	sst s0;
	s0 =	simm.s32 @!p1 $0x0  }
0x14: {  	s2 =	sld [smem:$0x3F99];
	s0 =	simm.s32 @p1 $0x1  }
0x15: {  	[smem:$0x3FB6] =	sst s0;
	s0 =	simm.s32 @!p2 $0x0  }
0x16: {  	s3 =	sld [smem:$0x3FDB];
	s0 =	simm.s32 @p2 $0x1  }
0x17: {  	s4 =	simm.s32 $0x1BF5;
	[smem:$0x3FB8] =	sst s0  }
0x18: {  	s0 =	sld [smem:$0x3F9B];
	_ =	swait.ge [sflag:s4], $0x0  }
0x19: {  	s7 =	sld [smem:$0x3F9C]  }
0x1a: {  	s8 =	sadd.s32 $0xFFFFE003, lr  }
0x1b: {  	s9 =	sadd.s32 $0xFFFFFEF7, lr;
	s5 =	simm.s32 $0xFFFFFFFF;
	p2 =	slt.u32 s8, $0xFFFFF086  }
0x1c: {  	p1 =	slt.u32 s9, $0xF7A;
	s5 =	simm.s32 @!p2 $0x0  }
0x1d: {  	s5 =	simm.s32 @p1 $0x1;
	p0 =	seq.s32 s7, s2  }
0x1e: {  	s7 =	smul.u32 @!p0 $0xF7A, s2;
	p2 =	seq.s32 @!p0 s5, $0x0  }
0x1f: {  	s9 =	smul.u32 $0xF7A, s1;
	s8 =	simm.s32 @!p0 $0x1BF5;
	p2 =	por !p2, p0  }
0x20: {  	[sflag:s8] =	ssyncset.s32 @!p0 $0xFFFFF086;
	s6 =	sadd.s32 @!p0 s3, s7;
	s7 =	simm.s32 @!p0 $0x108  }
0x21: {  	s3 =	sadd.s32 s3, s9;
	s6 =	sadd.s32 @!p0 $0x88, s6;
	s7 =	simm.s32 @p2 $0x1082  }
0x22: {  	[simem:s7], [sflag:s8] =	dma.local @!p0 [hbm:s6], $0xF7A  }
0x23: {  	s9 =	sor.u32 $0xD0000000, s2;
	s6 =	simm.s32 $0x108;
	_ =	swait.ge @!p0 [sflag:s8], $0x0  }
0x24: {  	s3 =	sadd.s32 $0x88, s3;
	s6 =	simm.s32 @!p1 $0x1082;
	[sflag:s4] =	ssyncset.s32 $0xFFFFF086  }
0x25: {  	[simem:s6], [sflag:s4] =	dma.local [hbm:s3], $0xF7A  }
0x26: {  	[smem:$0x3F9C] =	sst s1;
	(tag) =	ssettag s2;
	_ =	strace s9  }
0x27: {  	s1 =	sld [smem:$0x3FAC]  }
0x28: {  	s2 =	sld [smem:$0x3FAD]  }
0x29: {  	s4 =	sld [smem:$0x3FAF]  }
0x2a: {  	p0 =	seq.s32 s5, $0x0;
	s5 =	sld [smem:$0x3FB0]  }
0x2b: {  	s6 =	sld [smem:$0x3FB1]  }
0x2c: {  	s7 =	sld [smem:$0x3FB2]  }
0x2d: {  	s3 =	simm.s32 $0x108;
	s8 =	sld [smem:$0x3FB3]  }
0x2e: {  	s3 =	simm.s32 @!p0 $0x1082;
	s9 =	sld [smem:$0x3FB4]  }
0x2f: {  	lr =	sadd.s32 s0, s3;
	s0 =	sld [smem:$0x3FAB]  }
0x30: {  	s3 =	sld [smem:$0x3FAE]  }
0x31: {  	[smem:$0x3FB7] =	sst s10  }
0x32: {  	s10 =	sld [smem:$0x3FB5];
	_ =	sdelay $0x3  }
0x33: {  	p0 =	seq.s32 s10, $0x1;
	s10 =	sld [smem:$0x3FB7];
	_ =	sdelay $0x3  }
0x34: {  	[smem:$0x3FB7] =	sst s10  }
0x35: {  	s10 =	sld [smem:$0x3FB6];
	_ =	sdelay $0x3  }
0x36: {  	p1 =	seq.s32 s10, $0x1;
	s10 =	sld [smem:$0x3FB7];
	_ =	sdelay $0x3  }
0x37: {  	[smem:$0x3FB7] =	sst s10  }
0x38: {  	s10 =	sld [smem:$0x3FB8]  }
0x39: {  	_ = 	snop;
	(pc) =	sbr.ind lr, $3  }
0x3a: {  	_ = 	snop  }
0x3b: {  	_ = 	snop  }
0x3c: {  	p2 =	seq.s32 s10, $0x1;
	s10 =	sld [smem:$0x3FB7]  }
0x3d: {  	_ =	shalt  }
0x3e: {  	_ =	shalt  }
0x3f: {  	_ =	shalt  }
0x40: {  	_ =	shalt  }
0x41: {  	_ =	shalt  }
0x42: {  	_ =	shalt  }
0x43: {  	_ =	shalt  }
0x44: {  	_ =	shalt  }
0x45: {  	_ =	shalt  }
0x46: {  	_ =	shalt  }
0x47: {  	_ =	shalt  }
0x48: {  	_ =	shalt  }
0x49: {  	_ =	shalt  }
0x4a: {  	_ =	shalt  }
0x4b: {  	_ =	shalt  }
0x4c: {  	_ =	shalt  }
0x4d: {  	_ =	shalt  }
0x4e: {  	_ =	shalt  }
0x4f: {  	_ =	shalt  }
0x50: {  	_ =	shalt  }
0x51: {  	_ =	shalt  }
0x52: {  	_ =	shalt  }
0x53: {  	_ =	shalt  }
0x54: {  	_ =	shalt  }
0x55: {  	_ =	shalt  }
0x56: {  	_ =	shalt  }
0x57: {  	_ =	shalt  }
0x58: {  	_ =	shalt  }
0x59: {  	_ =	shalt  }
0x5a: {  	_ =	shalt  }
0x5b: {  	_ =	shalt  }
0x5c: {  	_ =	shalt  }
0x5d: {  	_ =	shalt  }
0x5e: {  	_ =	shalt  }
0x5f: {  	_ =	shalt  }
0x60: {  	_ =	shalt  }
0x61: {  	_ =	shalt  }
0x62: {  	_ =	shalt  }
0x63: {  	_ =	shalt  }
0x64: {  	_ =	shalt  }
0x65: {  	_ =	shalt  }
0x66: {  	_ =	shalt  }
0x67: {  	_ =	shalt  }
0x68: {  	_ =	shalt  }
0x69: {  	_ =	shalt  }
0x6a: {  	_ =	shalt  }
0x6b: {  	_ =	shalt  }
0x6c: {  	_ =	shalt  }
0x6d: {  	_ =	shalt  }
0x6e: {  	_ =	shalt  }
0x6f: {  	_ =	shalt  }
0x70: {  	_ =	shalt  }
0x71: {  	_ =	shalt  }
0x72: {  	_ =	shalt  }
0x73: {  	_ =	shalt  }
0x74: {  	_ =	shalt  }
0x75: {  	_ =	shalt  }
0x76: {  	_ =	shalt  }
0x77: {  	_ =	shalt  }
0x78: {  	_ =	shalt  }
0x79: {  	_ =	shalt  }
0x7a: {  	_ =	shalt  }
0x7b: {  	_ =	shalt  }
0x7c: {  	_ =	shalt  }
0x7d: {  	_ =	shalt  }
0x7e: {  	_ =	shalt  }
0x7f: {  	_ =	shalt  }
0x80: {  	_ =	shalt  }
0x81: {  	_ =	shalt  }
0x82: {  	_ =	shalt  }
0x83: {  	_ =	shalt  }
0x84: {  	_ =	shalt  }
0x85: {  	_ =	shalt  }
0x86: {  	_ =	shalt  }
0x87: {  	_ =	shalt  }
.Lfunc_end0:
.L_simem_size_0:
called_computation.1_lowered:
.L_overlay_start_0:
0x88: {  	s2 =	sld [smem:$0x3FD9]  }
0x89: {  	s3 =	sld [smem:$0x3FFE];
	_ =	sdelay $0x1  }
0x8a: {  	s1 =	srdreg.scid  }
0x8b: {  	s0 =	sand.u32 $0x1, s1  }
0x8c: {  	s14 =	sshll.u32 s0, $0xA;
	s2 =	sadd.s32 s3, s2  }
0x8d: {  	s2 =	sadd.s32 s2, s14  }
0x8e: {  	[smem:$0x3FC3] =	sst s2  }
0x8f: {  	_ = 	snop  }
0x90: {  	s2 =	sld [smem:$0x3FD0];
	_ =	sdelay $0x2  }
0x91: {  	s15 =	simm.s32 $0xA;
	s4 =	simm.s32 $0x10  }
0x92: {  	[smem:s4], [sflag:s15] =	dma.local [hbm:s2], $0x1  }
0x93: {  	_ =	swait.eq [sflag:s15], $0x1  }
0x94: {  	[sflag:s15] =	ssyncset.done $0x0  }
0x95: {  	[sflag:s15] =	ssyncadd.s32 $0xFFFFFFFF  }
0x96: {  	s16 =	sld [smem:$0x10];
	(tm) =	ssettm $0x1  }
0x97: {  	s17 =	sld [smem:$0x3FFB];
	_ =	sdelay $0x3  }
0x98: {  	_ =	strace s17  }
0x99: {  	s3 =	sld [smem:$0x3FFC];
	_ =	sdelay $0x3  }
0x9a: {  	_ =	strace s3  }
0x9b: {  	s3 =	sld [smem:$0x3FFD];
	_ =	sdelay $0x3  }
0x9c: {  	_ =	strace s3  }
0x9d: {  	_ =	strace $0x8FFFFFFF  }
0x9e: {  	s18 =	sld [smem:$0x3FDB];
	_ =	sdelay $0x1  }
0x9f: {  	s19 =	simm.s32 $_scs_section_size  }
0xa0: {  	s5 =	simm.s32 $_size__tile_overlayer_lowered;
	s6 =	simm.s32 $_tile_overlayer_lowered  }
0xa1: {  	s22 =	simm.s32 $0x1BFF;
	s21 =	sshll.u32 s6, $0x1;
	s3 =	sadd.s32 s19, s18  }
0xa2: {  	s7 =	simm.s32 $0x0;
	s20 =	sshll.u32 s5, $0x1;
	s5 =	sadd.s32 s21, s3  }
0xa3: {  	[timem:s7], [sflag:s22] =	dma.local [hbm:s5], s20  }
0xa4: {  	_ =	swait.ge [sflag:s22], s20  }
0xa5: {  	s4 =	ssub.s32 $0x0, s20;
	[sflag:s22] =	ssyncset.done $0x0  }
0xa6: {  	[sflag:s22] =	ssyncadd.s32 s4;
	_ =	sdelay $0x1  }
0xa7: {  	s23 =	simm.s32 $0x1B8B  }
0xa8: {  	_ =	swait.ge [sflag:s23], $0x1  }
0xa9: {  	[sflag:s23] =	ssyncset.done $0x0  }
0xaa: {  	s25 =	simm.s32 $0x1B8E;
	s24 =	sld [smem:$0x3FFE];
	[sflag:s23] =	ssyncadd.s32 $0xFFFFFFFF  }
0xab: {  	s26 =	simm.s32 $execute0_lowered;
	[smem:$0x3FD2] =	sst s25  }
0xac: {  	s5 =	sshll.u32 s26, $0x1;
	_ =	strace $0x80000049;
	[dreg:$0x1] =	wrdreg $0xFFFFFFFF  }
0xad: {  	s28 =	simm.s32 $_size_execute0_lowered;
	s3 =	sadd.s32 s3, s5;
	[dreg:$0x0] =	wrdreg $0x0  }
0xae: {  	s5 =	sshll.u32 s28, $0x1;
	[dreg:$0x2] =	wrdreg s3  }
0xaf: {  	[dreg:$0x3] =	wrdreg s5  }
0xb0: {  	[dreg:$0x4] =	wrdreg $0xC0  }
0xb1: {  	_ =	task [dreg:s7], $0x5FFFF  }
0xb2: {  	[dreg:$0x1] =	wrdreg $0xFFFFFFFF  }
0xb3: {  	[dreg:$0x0] =	wrdreg $0x60  }
0xb4: {  	[dreg:$0x2] =	wrdreg s24  }
0xb5: {  	[dreg:$0x3] =	wrdreg s16  }
0xb6: {  	[dreg:$0x4] =	wrdreg $0x9  }
0xb7: {  	_ =	task.clear_ibuf [dreg:s7], $0x5FFFF;
	_ =	strace $0x90000049  }
0xb8: {  	s29 =	simm.s32 $0x9;
	_ =	strace $0x8000004B  }
0xb9: {  	_ =	swait.ge [sflag:s29], $0x1  }
0xba: {  	[sflag:s29] =	ssyncadd.s32 $0xFFFFFFFF  }
0xbb: {  	_ =	strace $0x9000004B  }
0xbc: {  	_ =	sfence  }
0xbd: {  	s30 =	sld [smem:$0x0];
	_ =	sdelay $0x2  }
0xbe: {  	s31 =	sshll.u32 s1, $0xD;
	s1 =	sshrl.u32 s1, $0x2  }
0xbf: {  	s3 =	sand.u32 $0x4000, s31;
	s1 =	sadd.s32 s1, s30  }
0xc0: {  	s0 =	sor.u32 s3, s0;
	s1 =	sshll.u32 s1, $0x11  }
0xc1: {  	s0 =	sor.u32 s1, s0  }
0xc2: {  	s0 =	sadd.s32 $0x8F2B, s0  }
0xc3: {  	[sflag:s0] =	ssyncadd.remote.s32 $0x1  }
0xc4: {  	_ =	sfence.sel $0xFFFF  }
0xc5: {  	[dreg:$0x0] =	wrdreg $0xFFFFFFFF;
	(pc) =	sbr.abs _section_cstart, $3  }
0xc6: {  	[dreg:$0x1] =	wrdreg $0xFFFFFFFF  }
0xc7: {  	_ =	task.clear_ibuf [dreg:s7], $0x2FFFF;
	_ =	strace $0x9FFFFFFF  }
0xc8: {  	(tm) =	ssettm $0x7FFFFFFF  }
0xc9: {  	_ =	shalt  }
tec
execute0_lowered:
.L_overlay_start_1:
0x0: {  	(tag) =	ssettag $0x1  }
0x1: {  	s0 =	rddreg [dreg:$0x0];
	s1 =	srdreg.scid  }
0x2: {  	s2 =	stileid.u32;
	s10 =	rddreg [dreg:$0x1];
	s29 =	simm.s32 $0x400  }
0x3: {  	s30 =	simm.s32 $0x1;
	s31 =	simm.s32 $0x2;
	s1 =	sand.u32 $0x1, s1  }
0x4: {  	s3 =	sshll.u32 s2, $0x1;
	s2 =	simm.s32 $0x0;
	s11 =	sadd.s32 $0x18E00, s0  }
0x5: {  	s4 =	sor.u32 s1, s3;
	[smem:$0x7FF] =	sst s2;
	s3 =	sadd.s32 $0x188E00, s0  }
0x6: {  	s1 =	ssub.s32 $0x2, s1;
	s5 =	sshll.u32 s4, $0x7;
	_ =	strace $0x8000004A  }
0x7: {  	s9 =	sshll.u32 s4, $0xE;
	s12 =	sshrl.u32 s1, $0x1;
	s4 =	sadd.s32 $0x188F00, s0  }
0x8: {  	[dreg:$0x15] =	wrdreg s29;
	s5 =	sadd.s32 s5, s0;
	s13 =	sadd.s32 s10, s9  }
0x9: {  	s14 =	sadd.s32 s11, s9;
	s15 =	sor.u32 $0x800, s9;
	[dreg:$0x5] =	wrdreg s13  }
0xa: {  	s1 =	ssub.s32 s1, s12;
	s6 =	sadd.s32 $0x1C00, s5;
	[dreg:$0x6] =	wrdreg s14  }
0xb: {  	s18 =	sor.u32 $0x1000, s9;
	s5 =	sadd.s32 $0xC00, s5;
	[dreg:$0x3] =	wrdreg s6  }
0xc: {  	s7 =	sor.u32 $0x1800, s9;
	s16 =	sadd.s32 s10, s15;
	[dreg:$0x4] =	wrdreg s5  }
0xd: {  	s8 =	sor.u32 $0x2000, s9;
	s17 =	sadd.s32 s11, s15;
	[dreg:$0x7] =	wrdreg s16  }
0xe: {  	s12 =	sor.u32 $0x2800, s9;
	s19 =	sadd.s32 s10, s18;
	[dreg:$0x8] =	wrdreg s17  }
0xf: {  	s25 =	sor.u32 $0x3800, s9;
	s20 =	sadd.s32 s10, s7;
	[dreg:$0x9] =	wrdreg s19  }
0x10: {  	s7 =	sadd.s32 s11, s7;
	s21 =	sadd.s32 s10, s8;
	[dreg:$0xb] =	wrdreg s20  }
0x11: {  	s8 =	sadd.s32 s11, s8;
	s22 =	sadd.s32 s10, s12;
	[dreg:$0xc] =	wrdreg s7  }
0x12: {  	s12 =	sadd.s32 s11, s12;
	s13 =	sor.u32 $0x3000, s9;
	[dreg:$0xd] =	wrdreg s21  }
0x13: {  	s9 =	sadd.s32 $0x189400, s0;
	s26 =	sadd.s32 s10, s25;
	[dreg:$0xe] =	wrdreg s8  }
0x14: {  	s28 =	sadd.s32 s11, s25;
	s15 =	simm.s32 $0x8800;
	[dreg:$0xf] =	wrdreg s22  }
0x15: {  	s6 =	sadd.s32 s11, s18;
	s5 =	sadd.s32 $0x189000, s0;
	[dreg:$0x10] =	wrdreg s12  }
0x16: {  	s7 =	sadd.s32 $0x189200, s0;
	s8 =	sadd.s32 $0x189300, s0;
	[dreg:$0x13] =	wrdreg s26  }
0x17: {  	s23 =	sadd.s32 s10, s13;
	s24 =	sadd.s32 s11, s13;
	[dreg:$0x14] =	wrdreg s28  }
0x18: {  	v0 =	vlaneseq.u32;
	s10 =	sadd.s32 $0x189500, s0;
	s11 =	smax.u32 s1, $0x1;
	[dreg:$0xa] =	wrdreg s6  }
0x19: {  	v1 =	vshrl.u32 v0, $0x3;
	s12 =	simm.s32 $0x3;
	s20 =	simm.s32 $0x4800;
	[dreg:$0x11] =	wrdreg s23  }
0x1a: {  	vm0 =	vmmov $0xffff;
	v0 =	vand.u32 $0x7, v0;
	v1 =	vmul.u32 $0x8, v1;
	s13 =	simm.s32 $0xC800;
	s6 =	sadd.s32 $0x189100, s0;
	[dreg:$0x12] =	wrdreg s24  }
.LBB2_1:
0x1b: {  	s0 =	rddreg [dreg:$0x3]  }
0x1c: {  	[tilespmem:s2], [sflag:$0x3] =	stream.linear.gather [hbm4b:s0+s2], $0x400, $0x38;
	[tilespmem:$0x10800] =	vst v63  }
0x1d: {  	_ =	swait.ge [sflag:s12], $0x400  }
0x1e: {  	s16 =	rddreg [dreg:$0x4];
	[sflag:s12] =	ssyncset.done $0x0  }
0x1f: {  	s14 =	rddreg [dreg:$0x15];
	[sflag:s12] =	ssyncadd.s32 $0xFFFFFC00  }
0x20: {  	[tilespmem:s14], [sflag:$0x3] =	stream.linear.gather [hbm4b:s16+s2], $0x400, $0x38;
	[tilespmem:$0x10800] =	vst v63  }
0x21: {  	_ =	swait.ge [sflag:s12], $0x400  }
0x22: {  	[sflag:s12] =	ssyncset.done $0x0  }
0x23: {  	[sflag:s12] =	ssyncadd.s32 $0xFFFFFC00  }
0x24: {  	v2 =	vld.msk [tilespmem:$0x0], $0xff;
	_ =	sdelay $0x4  }
0x25: {  	v3 =	vshll.u32 v2, $0x4  }
0x26: {  	v2 =	vand.u32 $0x7, v2;
	v3 =	vand.u32 $0xFFFFFF80, v3  }
0x27: {  	v2 =	vor.u32 v2, v3  }
0x28: {  	v2 =	vperm.xlane v2, v0;
	_ =	sdelay $0x1  }
0x29: {  	v2 =	vadd.s32 v1, v2;
	_ =	sdelay $0x3  }
0x2a: {  	s17 =	simm.s32 $0x800  }
0x2b: {  	[tilespmem:s17], [sflag:$0x1] =	stream.indirect_vreg.gather [hbm4b:s3+s2], $0x80, v2, vm0, $0xb8;
	[tilespmem:$0x10800] =	vst v63  }
0x2c: {  	s18 =	simm.s32 $0x1000  }
0x2d: {  	[tilespmem:s18], [sflag:$0x1] =	stream.indirect_vreg.gather [hbm4b:s4+s2], $0x80, v2, vm0, $0xb8;
	[tilespmem:$0x10800] =	vst v63  }
0x2e: {  	s19 =	simm.s32 $0x1800  }
0x2f: {  	[tilespmem:s19], [sflag:$0x1] =	stream.indirect_vreg.gather [hbm4b:s5+s2], $0x80, v2, vm0, $0xb8;
	[tilespmem:$0x10800] =	vst v63  }
0x30: {  	s21 =	simm.s32 $0x2000  }
0x31: {  	[tilespmem:s21], [sflag:$0x1] =	stream.indirect_vreg.gather [hbm4b:s6+s2], $0x80, v2, vm0, $0xb8;
	[tilespmem:$0x10800] =	vst v63  }
0x32: {  	s22 =	simm.s32 $0x2800  }
0x33: {  	[tilespmem:s22], [sflag:$0x1] =	stream.indirect_vreg.gather [hbm4b:s7+s2], $0x80, v2, vm0, $0xb8;
	[tilespmem:$0x10800] =	vst v63  }
0x34: {  	s23 =	simm.s32 $0x3000  }
0x35: {  	[tilespmem:s23], [sflag:$0x1] =	stream.indirect_vreg.gather [hbm4b:s8+s2], $0x80, v2, vm0, $0xb8;
	[tilespmem:$0x10800] =	vst v63  }
0x36: {  	s24 =	simm.s32 $0x3800  }
0x37: {  	[tilespmem:s24], [sflag:$0x1] =	stream.indirect_vreg.gather [hbm4b:s9+s2], $0x80, v2, vm0, $0xb8;
	[tilespmem:$0x10800] =	vst v63  }
0x38: {  	s25 =	simm.s32 $0x4000  }
0x39: {  	[tilespmem:s25], [sflag:$0x1] =	stream.indirect_vreg.gather [hbm4b:s10+s2], $0x80, v2, vm0, $0xb8;
	[tilespmem:$0x10800] =	vst v63  }
0x3a: {  	v2 =	vld.msk [tilespmem:$0x400], $0xff;
	_ =	sdelay $0x4  }
0x3b: {  	v3 =	vshll.u32 v2, $0x4  }
0x3c: {  	v2 =	vand.u32 $0x7, v2;
	v3 =	vand.u32 $0xFFFFFF80, v3  }
0x3d: {  	v2 =	vor.u32 v2, v3  }
0x3e: {  	v2 =	vperm.xlane v2, v0;
	_ =	sdelay $0x1  }
0x3f: {  	v2 =	vadd.s32 v1, v2;
	_ =	sdelay $0x4  }
0x40: {  	[tilespmem:s15], [sflag:$0x2] =	stream.indirect_vreg.gather [hbm4b:s3+s2], $0x80, v2, vm0, $0xb8;
	[tilespmem:$0x10800] =	vst v63  }
0x41: {  	s26 =	simm.s32 $0x9000  }
0x42: {  	[tilespmem:s26], [sflag:$0x2] =	stream.indirect_vreg.gather [hbm4b:s4+s2], $0x80, v2, vm0, $0xb8;
	[tilespmem:$0x10800] =	vst v63  }
0x43: {  	s29 =	simm.s32 $0x9800  }
0x44: {  	[tilespmem:s29], [sflag:$0x2] =	stream.indirect_vreg.gather [hbm4b:s5+s2], $0x80, v2, vm0, $0xb8;
	[tilespmem:$0x10800] =	vst v63  }
0x45: {  	s14 =	simm.s32 $0xA000  }
0x46: {  	[tilespmem:s14], [sflag:$0x2] =	stream.indirect_vreg.gather [hbm4b:s6+s2], $0x80, v2, vm0, $0xb8;
	[tilespmem:$0x10800] =	vst v63  }
0x47: {  	s19 =	simm.s32 $0xA800  }
0x48: {  	[tilespmem:s19], [sflag:$0x2] =	stream.indirect_vreg.gather [hbm4b:s7+s2], $0x80, v2, vm0, $0xb8;
	[tilespmem:$0x10800] =	vst v63  }
0x49: {  	s21 =	simm.s32 $0xB000  }
0x4a: {  	[tilespmem:s21], [sflag:$0x2] =	stream.indirect_vreg.gather [hbm4b:s8+s2], $0x80, v2, vm0, $0xb8;
	[tilespmem:$0x10800] =	vst v63  }
0x4b: {  	s29 =	simm.s32 $0xB800  }
0x4c: {  	[tilespmem:s29], [sflag:$0x2] =	stream.indirect_vreg.gather [hbm4b:s9+s2], $0x80, v2, vm0, $0xb8;
	[tilespmem:$0x10800] =	vst v63  }
0x4d: {  	s14 =	simm.s32 $0xC000  }
0x4e: {  	[tilespmem:s14], [sflag:$0x2] =	stream.indirect_vreg.gather [hbm4b:s10+s2], $0x80, v2, vm0, $0xb8;
	[tilespmem:$0x10800] =	vst v63  }
0x4f: {  	_ =	swait.ge [sflag:s30], $0x4000  }
0x50: {  	[sflag:s30] =	ssyncset.done $0x0  }
0x51: {  	[sflag:s30] =	ssyncadd.s32 $0xFFFFC000  }
0x52: {  	_ =	swait.ge [sflag:s31], $0x4000  }
0x53: {  	[sflag:s31] =	ssyncset.done $0x0  }
0x54: {  	[sflag:s31] =	ssyncadd.s32 $0xFFFFC000  }
0x55: {  	v2 =	vld.msk [tilespmem:$0x80], $0xff;
	_ =	sdelay $0x4  }
0x56: {  	v3 =	vshll.u32 v2, $0x4  }
0x57: {  	v2 =	vand.u32 $0x7, v2;
	v3 =	vand.u32 $0xFFFFFF80, v3  }
0x58: {  	v2 =	vor.u32 v2, v3  }
0x59: {  	v2 =	vperm.xlane v2, v0;
	_ =	sdelay $0x1  }
0x5a: {  	v2 =	vadd.s32 v1, v2;
	_ =	sdelay $0x4  }
0x5b: {  	[tilespmem:s20], [sflag:$0x1] =	stream.indirect_vreg.gather [hbm4b:s3+s2], $0x80, v2, vm0, $0xb8;
	[tilespmem:$0x10800] =	vst v63  }
0x5c: {  	s19 =	simm.s32 $0x5000  }
0x5d: {  	[tilespmem:s19], [sflag:$0x1] =	stream.indirect_vreg.gather [hbm4b:s4+s2], $0x80, v2, vm0, $0xb8;
	[tilespmem:$0x10800] =	vst v63  }
0x5e: {  	s29 =	simm.s32 $0x5800  }
0x5f: {  	[tilespmem:s29], [sflag:$0x1] =	stream.indirect_vreg.gather [hbm4b:s5+s2], $0x80, v2, vm0, $0xb8;
	[tilespmem:$0x10800] =	vst v63  }
0x60: {  	s14 =	simm.s32 $0x6000  }
0x61: {  	[tilespmem:s14], [sflag:$0x1] =	stream.indirect_vreg.gather [hbm4b:s6+s2], $0x80, v2, vm0, $0xb8;
	[tilespmem:$0x10800] =	vst v63  }
0x62: {  	s19 =	simm.s32 $0x6800  }
0x63: {  	[tilespmem:s19], [sflag:$0x1] =	stream.indirect_vreg.gather [hbm4b:s7+s2], $0x80, v2, vm0, $0xb8;
	[tilespmem:$0x10800] =	vst v63  }
0x64: {  	s29 =	simm.s32 $0x7000  }
0x65: {  	[tilespmem:s29], [sflag:$0x1] =	stream.indirect_vreg.gather [hbm4b:s8+s2], $0x80, v2, vm0, $0xb8;
	[tilespmem:$0x10800] =	vst v63  }
0x66: {  	s14 =	simm.s32 $0x7800  }
0x67: {  	[tilespmem:s14], [sflag:$0x1] =	stream.indirect_vreg.gather [hbm4b:s9+s2], $0x80, v2, vm0, $0xb8;
	[tilespmem:$0x10800] =	vst v63  }
0x68: {  	s19 =	simm.s32 $0x8000  }
0x69: {  	[tilespmem:s19], [sflag:$0x1] =	stream.indirect_vreg.gather [hbm4b:s10+s2], $0x80, v2, vm0, $0xb8;
	[tilespmem:$0x10800] =	vst v63  }
0x6a: {  	v2 =	vld.msk [tilespmem:$0x480], $0xff;
	_ =	sdelay $0x4  }
0x6b: {  	v3 =	vshll.u32 v2, $0x4  }
0x6c: {  	v2 =	vand.u32 $0x7, v2;
	v3 =	vand.u32 $0xFFFFFF80, v3  }
0x6d: {  	v2 =	vor.u32 v2, v3  }
0x6e: {  	v2 =	vperm.xlane v2, v0;
	_ =	sdelay $0x1  }
0x6f: {  	v2 =	vadd.s32 v1, v2;
	_ =	sdelay $0x4  }
0x70: {  	[tilespmem:s13], [sflag:$0x2] =	stream.indirect_vreg.gather [hbm4b:s3+s2], $0x80, v2, vm0, $0xb8;
	[tilespmem:$0x10800] =	vst v63  }
0x71: {  	s29 =	simm.s32 $0xD000  }
0x72: {  	[tilespmem:s29], [sflag:$0x2] =	stream.indirect_vreg.gather [hbm4b:s4+s2], $0x80, v2, vm0, $0xb8;
	[tilespmem:$0x10800] =	vst v63  }
0x73: {  	s14 =	simm.s32 $0xD800  }
0x74: {  	[tilespmem:s14], [sflag:$0x2] =	stream.indirect_vreg.gather [hbm4b:s5+s2], $0x80, v2, vm0, $0xb8;
	[tilespmem:$0x10800] =	vst v63  }
0x75: {  	s29 =	simm.s32 $0xE000  }
0x76: {  	[tilespmem:s29], [sflag:$0x2] =	stream.indirect_vreg.gather [hbm4b:s6+s2], $0x80, v2, vm0, $0xb8;
	[tilespmem:$0x10800] =	vst v63  }
0x77: {  	s14 =	simm.s32 $0xE800  }
0x78: {  	[tilespmem:s14], [sflag:$0x2] =	stream.indirect_vreg.gather [hbm4b:s7+s2], $0x80, v2, vm0, $0xb8;
	[tilespmem:$0x10800] =	vst v63  }
0x79: {  	s29 =	simm.s32 $0xF000  }
0x7a: {  	[tilespmem:s29], [sflag:$0x2] =	stream.indirect_vreg.gather [hbm4b:s8+s2], $0x80, v2, vm0, $0xb8;
	[tilespmem:$0x10800] =	vst v63  }
0x7b: {  	s14 =	simm.s32 $0xF800  }
0x7c: {  	[tilespmem:s14], [sflag:$0x2] =	stream.indirect_vreg.gather [hbm4b:s9+s2], $0x80, v2, vm0, $0xb8;
	[tilespmem:$0x10800] =	vst v63  }
0x7d: {  	s29 =	simm.s32 $0x10000  }
0x7e: {  	[tilespmem:s29], [sflag:$0x2] =	stream.indirect_vreg.gather [hbm4b:s10+s2], $0x80, v2, vm0, $0xb8;
	[tilespmem:$0x10800] =	vst v63  }
0x7f: {  	s0 =	rddreg [dreg:$0x5];
	s14 =	simm.s32 $0x800  }
0x80: {  	[hbm4b:s0+s2] =	stream.linear.scatter [tilespmem:s14], [sflag:$0x3], $0x4000, $0x38;
	[tilespmem:$0x10800] =	vst v63  }
0x81: {  	_ =	swait.ge [sflag:s12], $0x4000  }
0x82: {  	[sflag:s12] =	ssyncset.done $0x0  }
0x83: {  	s29 =	rddreg [dreg:$0x6];
	[sflag:s12] =	ssyncadd.s32 $0xFFFFC000  }
0x84: {  	[hbm4b:s29+s2] =	stream.linear.scatter [tilespmem:s15], [sflag:$0x3], $0x4000, $0x38;
	[tilespmem:$0x10800] =	vst v63  }
0x85: {  	_ =	swait.ge [sflag:s12], $0x4000  }
0x86: {  	[sflag:s12] =	ssyncset.done $0x0  }
0x87: {  	[sflag:s12] =	ssyncadd.s32 $0xFFFFC000  }
0x88: {  	_ =	swait.ge [sflag:s30], $0x4000  }
0x89: {  	[sflag:s30] =	ssyncset.done $0x0  }
0x8a: {  	[sflag:s30] =	ssyncadd.s32 $0xFFFFC000  }
0x8b: {  	_ =	swait.ge [sflag:s31], $0x4000  }
0x8c: {  	[sflag:s31] =	ssyncset.done $0x0  }
0x8d: {  	[sflag:s31] =	ssyncadd.s32 $0xFFFFC000  }
0x8e: {  	v2 =	vld.msk [tilespmem:$0x100], $0xff;
	_ =	sdelay $0x4  }
0x8f: {  	v3 =	vshll.u32 v2, $0x4  }
0x90: {  	v2 =	vand.u32 $0x7, v2;
	v3 =	vand.u32 $0xFFFFFF80, v3  }
0x91: {  	v2 =	vor.u32 v2, v3  }
0x92: {  	v2 =	vperm.xlane v2, v0;
	_ =	sdelay $0x1  }
0x93: {  	v2 =	vadd.s32 v1, v2;
	_ =	sdelay $0x4  }
0x94: {  	[tilespmem:s14], [sflag:$0x1] =	stream.indirect_vreg.gather [hbm4b:s3+s2], $0x80, v2, vm0, $0xb8;
	[tilespmem:$0x10800] =	vst v63  }
0x95: {  	s1 =	simm.s32 $0x1000  }
0x96: {  	[tilespmem:s1], [sflag:$0x1] =	stream.indirect_vreg.gather [hbm4b:s4+s2], $0x80, v2, vm0, $0xb8;
	[tilespmem:$0x10800] =	vst v63  }
0x97: {  	s16 =	simm.s32 $0x1800  }
0x98: {  	[tilespmem:s16], [sflag:$0x1] =	stream.indirect_vreg.gather [hbm4b:s5+s2], $0x80, v2, vm0, $0xb8;
	[tilespmem:$0x10800] =	vst v63  }
0x99: {  	s17 =	simm.s32 $0x2000  }
0x9a: {  	[tilespmem:s17], [sflag:$0x1] =	stream.indirect_vreg.gather [hbm4b:s6+s2], $0x80, v2, vm0, $0xb8;
	[tilespmem:$0x10800] =	vst v63  }
0x9b: {  	s18 =	simm.s32 $0x2800  }
0x9c: {  	[tilespmem:s18], [sflag:$0x1] =	stream.indirect_vreg.gather [hbm4b:s7+s2], $0x80, v2, vm0, $0xb8;
	[tilespmem:$0x10800] =	vst v63  }
0x9d: {  	s22 =	simm.s32 $0x3000  }
0x9e: {  	[tilespmem:s22], [sflag:$0x1] =	stream.indirect_vreg.gather [hbm4b:s8+s2], $0x80, v2, vm0, $0xb8;
	[tilespmem:$0x10800] =	vst v63  }
0x9f: {  	s23 =	simm.s32 $0x3800  }
0xa0: {  	[tilespmem:s23], [sflag:$0x1] =	stream.indirect_vreg.gather [hbm4b:s9+s2], $0x80, v2, vm0, $0xb8;
	[tilespmem:$0x10800] =	vst v63  }
0xa1: {  	s28 =	simm.s32 $0x4000  }
0xa2: {  	[tilespmem:s28], [sflag:$0x1] =	stream.indirect_vreg.gather [hbm4b:s10+s2], $0x80, v2, vm0, $0xb8;
	[tilespmem:$0x10800] =	vst v63  }
0xa3: {  	v2 =	vld.msk [tilespmem:$0x500], $0xff;
	_ =	sdelay $0x4  }
0xa4: {  	v3 =	vshll.u32 v2, $0x4  }
0xa5: {  	v2 =	vand.u32 $0x7, v2;
	v3 =	vand.u32 $0xFFFFFF80, v3  }
0xa6: {  	v2 =	vor.u32 v2, v3  }
0xa7: {  	v2 =	vperm.xlane v2, v0;
	_ =	sdelay $0x1  }
0xa8: {  	v2 =	vadd.s32 v1, v2;
	_ =	sdelay $0x4  }
0xa9: {  	[tilespmem:s15], [sflag:$0x2] =	stream.indirect_vreg.gather [hbm4b:s3+s2], $0x80, v2, vm0, $0xb8;
	[tilespmem:$0x10800] =	vst v63  }
0xaa: {  	s24 =	simm.s32 $0x9000  }
0xab: {  	[tilespmem:s24], [sflag:$0x2] =	stream.indirect_vreg.gather [hbm4b:s4+s2], $0x80, v2, vm0, $0xb8;
	[tilespmem:$0x10800] =	vst v63  }
0xac: {  	s25 =	simm.s32 $0x9800  }
0xad: {  	[tilespmem:s25], [sflag:$0x2] =	stream.indirect_vreg.gather [hbm4b:s5+s2], $0x80, v2, vm0, $0xb8;
	[tilespmem:$0x10800] =	vst v63  }
0xae: {  	s26 =	simm.s32 $0xA000  }
0xaf: {  	[tilespmem:s26], [sflag:$0x2] =	stream.indirect_vreg.gather [hbm4b:s6+s2], $0x80, v2, vm0, $0xb8;
	[tilespmem:$0x10800] =	vst v63  }
0xb0: {  	s28 =	simm.s32 $0xA800  }
0xb1: {  	[tilespmem:s28], [sflag:$0x2] =	stream.indirect_vreg.gather [hbm4b:s7+s2], $0x80, v2, vm0, $0xb8;
	[tilespmem:$0x10800] =	vst v63  }
0xb2: {  	s29 =	simm.s32 $0xB000  }
0xb3: {  	[tilespmem:s29], [sflag:$0x2] =	stream.indirect_vreg.gather [hbm4b:s8+s2], $0x80, v2, vm0, $0xb8;
	[tilespmem:$0x10800] =	vst v63  }
0xb4: {  	s23 =	simm.s32 $0xB800  }
0xb5: {  	[tilespmem:s23], [sflag:$0x2] =	stream.indirect_vreg.gather [hbm4b:s9+s2], $0x80, v2, vm0, $0xb8;
	[tilespmem:$0x10800] =	vst v63  }
0xb6: {  	s21 =	simm.s32 $0xC000  }
0xb7: {  	[tilespmem:s21], [sflag:$0x2] =	stream.indirect_vreg.gather [hbm4b:s10+s2], $0x80, v2, vm0, $0xb8;
	[tilespmem:$0x10800] =	vst v63  }
0xb8: {  	s24 =	rddreg [dreg:$0x7]  }
0xb9: {  	[hbm4b:s24+s2] =	stream.linear.scatter [tilespmem:s20], [sflag:$0x3], $0x4000, $0x38;
	[tilespmem:$0x10800] =	vst v63  }
0xba: {  	_ =	swait.ge [sflag:s12], $0x4000  }
0xbb: {  	[sflag:s12] =	ssyncset.done $0x0  }
0xbc: {  	s25 =	rddreg [dreg:$0x8];
	[sflag:s12] =	ssyncadd.s32 $0xFFFFC000  }
0xbd: {  	[hbm4b:s25+s2] =	stream.linear.scatter [tilespmem:s13], [sflag:$0x3], $0x4000, $0x38;
	[tilespmem:$0x10800] =	vst v63  }
0xbe: {  	_ =	swait.ge [sflag:s12], $0x4000  }
0xbf: {  	[sflag:s12] =	ssyncset.done $0x0  }
0xc0: {  	[sflag:s12] =	ssyncadd.s32 $0xFFFFC000  }
0xc1: {  	_ =	swait.ge [sflag:s30], $0x4000  }
0xc2: {  	[sflag:s30] =	ssyncset.done $0x0  }
0xc3: {  	[sflag:s30] =	ssyncadd.s32 $0xFFFFC000  }
0xc4: {  	_ =	swait.ge [sflag:s31], $0x4000  }
0xc5: {  	[sflag:s31] =	ssyncset.done $0x0  }
0xc6: {  	[sflag:s31] =	ssyncadd.s32 $0xFFFFC000  }
0xc7: {  	v2 =	vld.msk [tilespmem:$0x180], $0xff;
	_ =	sdelay $0x4  }
0xc8: {  	v3 =	vshll.u32 v2, $0x4  }
0xc9: {  	v2 =	vand.u32 $0x7, v2;
	v3 =	vand.u32 $0xFFFFFF80, v3  }
0xca: {  	v2 =	vor.u32 v2, v3  }
0xcb: {  	v2 =	vperm.xlane v2, v0;
	_ =	sdelay $0x1  }
0xcc: {  	v2 =	vadd.s32 v1, v2;
	_ =	sdelay $0x4  }
0xcd: {  	[tilespmem:s20], [sflag:$0x1] =	stream.indirect_vreg.gather [hbm4b:s3+s2], $0x80, v2, vm0, $0xb8;
	[tilespmem:$0x10800] =	vst v63  }
0xce: {  	s14 =	simm.s32 $0x5000  }
0xcf: {  	[tilespmem:s14], [sflag:$0x1] =	stream.indirect_vreg.gather [hbm4b:s4+s2], $0x80, v2, vm0, $0xb8;
	[tilespmem:$0x10800] =	vst v63  }
0xd0: {  	s21 =	simm.s32 $0x5800  }
0xd1: {  	[tilespmem:s21], [sflag:$0x1] =	stream.indirect_vreg.gather [hbm4b:s5+s2], $0x80, v2, vm0, $0xb8;
	[tilespmem:$0x10800] =	vst v63  }
0xd2: {  	s26 =	simm.s32 $0x6000  }
0xd3: {  	[tilespmem:s26], [sflag:$0x1] =	stream.indirect_vreg.gather [hbm4b:s6+s2], $0x80, v2, vm0, $0xb8;
	[tilespmem:$0x10800] =	vst v63  }
0xd4: {  	s16 =	simm.s32 $0x6800  }
0xd5: {  	[tilespmem:s16], [sflag:$0x1] =	stream.indirect_vreg.gather [hbm4b:s7+s2], $0x80, v2, vm0, $0xb8;
	[tilespmem:$0x10800] =	vst v63  }
0xd6: {  	s17 =	simm.s32 $0x7000  }
0xd7: {  	[tilespmem:s17], [sflag:$0x1] =	stream.indirect_vreg.gather [hbm4b:s8+s2], $0x80, v2, vm0, $0xb8;
	[tilespmem:$0x10800] =	vst v63  }
0xd8: {  	s18 =	simm.s32 $0x7800  }
0xd9: {  	[tilespmem:s18], [sflag:$0x1] =	stream.indirect_vreg.gather [hbm4b:s9+s2], $0x80, v2, vm0, $0xb8;
	[tilespmem:$0x10800] =	vst v63  }
0xda: {  	s19 =	simm.s32 $0x8000  }
0xdb: {  	[tilespmem:s19], [sflag:$0x1] =	stream.indirect_vreg.gather [hbm4b:s10+s2], $0x80, v2, vm0, $0xb8;
	[tilespmem:$0x10800] =	vst v63  }
0xdc: {  	v2 =	vld.msk [tilespmem:$0x580], $0xff;
	_ =	sdelay $0x4  }
0xdd: {  	v3 =	vshll.u32 v2, $0x4  }
0xde: {  	v2 =	vand.u32 $0x7, v2;
	v3 =	vand.u32 $0xFFFFFF80, v3  }
0xdf: {  	v2 =	vor.u32 v2, v3  }
0xe0: {  	v2 =	vperm.xlane v2, v0;
	_ =	sdelay $0x1  }
0xe1: {  	v2 =	vadd.s32 v1, v2;
	_ =	sdelay $0x4  }
0xe2: {  	[tilespmem:s13], [sflag:$0x2] =	stream.indirect_vreg.gather [hbm4b:s3+s2], $0x80, v2, vm0, $0xb8;
	[tilespmem:$0x10800] =	vst v63  }
0xe3: {  	s19 =	simm.s32 $0xD000  }
0xe4: {  	[tilespmem:s19], [sflag:$0x2] =	stream.indirect_vreg.gather [hbm4b:s4+s2], $0x80, v2, vm0, $0xb8;
	[tilespmem:$0x10800] =	vst v63  }
0xe5: {  	s22 =	simm.s32 $0xD800  }
0xe6: {  	[tilespmem:s22], [sflag:$0x2] =	stream.indirect_vreg.gather [hbm4b:s5+s2], $0x80, v2, vm0, $0xb8;
	[tilespmem:$0x10800] =	vst v63  }
0xe7: {  	s23 =	simm.s32 $0xE000  }
0xe8: {  	[tilespmem:s23], [sflag:$0x2] =	stream.indirect_vreg.gather [hbm4b:s6+s2], $0x80, v2, vm0, $0xb8;
	[tilespmem:$0x10800] =	vst v63  }
0xe9: {  	s24 =	simm.s32 $0xE800  }
0xea: {  	[tilespmem:s24], [sflag:$0x2] =	stream.indirect_vreg.gather [hbm4b:s7+s2], $0x80, v2, vm0, $0xb8;
	[tilespmem:$0x10800] =	vst v63  }
0xeb: {  	s25 =	simm.s32 $0xF000  }
0xec: {  	[tilespmem:s25], [sflag:$0x2] =	stream.indirect_vreg.gather [hbm4b:s8+s2], $0x80, v2, vm0, $0xb8;
	[tilespmem:$0x10800] =	vst v63  }
0xed: {  	s26 =	simm.s32 $0xF800  }
0xee: {  	[tilespmem:s26], [sflag:$0x2] =	stream.indirect_vreg.gather [hbm4b:s9+s2], $0x80, v2, vm0, $0xb8;
	[tilespmem:$0x10800] =	vst v63  }
0xef: {  	s1 =	simm.s32 $0x10000  }
0xf0: {  	[tilespmem:s1], [sflag:$0x2] =	stream.indirect_vreg.gather [hbm4b:s10+s2], $0x80, v2, vm0, $0xb8;
	[tilespmem:$0x10800] =	vst v63  }
0xf1: {  	s0 =	rddreg [dreg:$0x9];
	s1 =	simm.s32 $0x800  }
0xf2: {  	[hbm4b:s0+s2] =	stream.linear.scatter [tilespmem:s1], [sflag:$0x3], $0x4000, $0x38;
	[tilespmem:$0x10800] =	vst v63  }
0xf3: {  	_ =	swait.ge [sflag:s12], $0x4000  }
0xf4: {  	[sflag:s12] =	ssyncset.done $0x0  }
0xf5: {  	s0 =	rddreg [dreg:$0xa];
	[sflag:s12] =	ssyncadd.s32 $0xFFFFC000  }
0xf6: {  	[hbm4b:s0+s2] =	stream.linear.scatter [tilespmem:s15], [sflag:$0x3], $0x4000, $0x38;
	[tilespmem:$0x10800] =	vst v63  }
0xf7: {  	_ =	swait.ge [sflag:s12], $0x4000  }
0xf8: {  	[sflag:s12] =	ssyncset.done $0x0  }
0xf9: {  	[sflag:s12] =	ssyncadd.s32 $0xFFFFC000  }
0xfa: {  	_ =	swait.ge [sflag:s30], $0x4000  }
0xfb: {  	[sflag:s30] =	ssyncset.done $0x0  }
0xfc: {  	[sflag:s30] =	ssyncadd.s32 $0xFFFFC000  }
0xfd: {  	_ =	swait.ge [sflag:s31], $0x4000  }
0xfe: {  	[sflag:s31] =	ssyncset.done $0x0  }
0xff: {  	[sflag:s31] =	ssyncadd.s32 $0xFFFFC000  }
0x100: {  	v2 =	vld.msk [tilespmem:$0x200], $0xff;
	_ =	sdelay $0x4  }
0x101: {  	v3 =	vshll.u32 v2, $0x4  }
0x102: {  	v2 =	vand.u32 $0x7, v2;
	v3 =	vand.u32 $0xFFFFFF80, v3  }
0x103: {  	v2 =	vor.u32 v2, v3  }
0x104: {  	v2 =	vperm.xlane v2, v0;
	_ =	sdelay $0x1  }
0x105: {  	v2 =	vadd.s32 v1, v2;
	_ =	sdelay $0x4  }
0x106: {  	[tilespmem:s1], [sflag:$0x1] =	stream.indirect_vreg.gather [hbm4b:s3+s2], $0x80, v2, vm0, $0xb8;
	[tilespmem:$0x10800] =	vst v63  }
0x107: {  	s1 =	simm.s32 $0x1000  }
0x108: {  	[tilespmem:s1], [sflag:$0x1] =	stream.indirect_vreg.gather [hbm4b:s4+s2], $0x80, v2, vm0, $0xb8;
	[tilespmem:$0x10800] =	vst v63  }
0x109: {  	s1 =	simm.s32 $0x1800  }
0x10a: {  	[tilespmem:s1], [sflag:$0x1] =	stream.indirect_vreg.gather [hbm4b:s5+s2], $0x80, v2, vm0, $0xb8;
	[tilespmem:$0x10800] =	vst v63  }
0x10b: {  	s1 =	simm.s32 $0x2000  }
0x10c: {  	[tilespmem:s1], [sflag:$0x1] =	stream.indirect_vreg.gather [hbm4b:s6+s2], $0x80, v2, vm0, $0xb8;
	[tilespmem:$0x10800] =	vst v63  }
0x10d: {  	s1 =	simm.s32 $0x2800  }
0x10e: {  	[tilespmem:s1], [sflag:$0x1] =	stream.indirect_vreg.gather [hbm4b:s7+s2], $0x80, v2, vm0, $0xb8;
	[tilespmem:$0x10800] =	vst v63  }
0x10f: {  	s1 =	simm.s32 $0x3000  }
0x110: {  	[tilespmem:s1], [sflag:$0x1] =	stream.indirect_vreg.gather [hbm4b:s8+s2], $0x80, v2, vm0, $0xb8;
	[tilespmem:$0x10800] =	vst v63  }
0x111: {  	s1 =	simm.s32 $0x3800  }
0x112: {  	[tilespmem:s1], [sflag:$0x1] =	stream.indirect_vreg.gather [hbm4b:s9+s2], $0x80, v2, vm0, $0xb8;
	[tilespmem:$0x10800] =	vst v63  }
0x113: {  	s1 =	simm.s32 $0x4000  }
0x114: {  	[tilespmem:s1], [sflag:$0x1] =	stream.indirect_vreg.gather [hbm4b:s10+s2], $0x80, v2, vm0, $0xb8;
	[tilespmem:$0x10800] =	vst v63  }
0x115: {  	v2 =	vld.msk [tilespmem:$0x600], $0xff;
	_ =	sdelay $0x4  }
0x116: {  	v3 =	vshll.u32 v2, $0x4  }
0x117: {  	v2 =	vand.u32 $0x7, v2;
	v3 =	vand.u32 $0xFFFFFF80, v3  }
0x118: {  	v2 =	vor.u32 v2, v3  }
0x119: {  	v2 =	vperm.xlane v2, v0;
	_ =	sdelay $0x1  }
0x11a: {  	v2 =	vadd.s32 v1, v2;
	_ =	sdelay $0x4  }
0x11b: {  	[tilespmem:s15], [sflag:$0x2] =	stream.indirect_vreg.gather [hbm4b:s3+s2], $0x80, v2, vm0, $0xb8;
	[tilespmem:$0x10800] =	vst v63  }
0x11c: {  	s1 =	simm.s32 $0x9000  }
0x11d: {  	[tilespmem:s1], [sflag:$0x2] =	stream.indirect_vreg.gather [hbm4b:s4+s2], $0x80, v2, vm0, $0xb8;
	[tilespmem:$0x10800] =	vst v63  }
0x11e: {  	s1 =	simm.s32 $0x9800  }
0x11f: {  	[tilespmem:s1], [sflag:$0x2] =	stream.indirect_vreg.gather [hbm4b:s5+s2], $0x80, v2, vm0, $0xb8;
	[tilespmem:$0x10800] =	vst v63  }
0x120: {  	s1 =	simm.s32 $0xA000  }
0x121: {  	[tilespmem:s1], [sflag:$0x2] =	stream.indirect_vreg.gather [hbm4b:s6+s2], $0x80, v2, vm0, $0xb8;
	[tilespmem:$0x10800] =	vst v63  }
0x122: {  	_ = 	snop  }
0x123: {  	[tilespmem:s28], [sflag:$0x2] =	stream.indirect_vreg.gather [hbm4b:s7+s2], $0x80, v2, vm0, $0xb8;
	[tilespmem:$0x10800] =	vst v63  }
0x124: {  	_ = 	snop  }
0x125: {  	[tilespmem:s29], [sflag:$0x2] =	stream.indirect_vreg.gather [hbm4b:s8+s2], $0x80, v2, vm0, $0xb8;
	[tilespmem:$0x10800] =	vst v63  }
0x126: {  	s1 =	simm.s32 $0xB800  }
0x127: {  	[tilespmem:s1], [sflag:$0x2] =	stream.indirect_vreg.gather [hbm4b:s9+s2], $0x80, v2, vm0, $0xb8;
	[tilespmem:$0x10800] =	vst v63  }
0x128: {  	s1 =	simm.s32 $0xC000  }
0x129: {  	[tilespmem:s1], [sflag:$0x2] =	stream.indirect_vreg.gather [hbm4b:s10+s2], $0x80, v2, vm0, $0xb8;
	[tilespmem:$0x10800] =	vst v63  }
0x12a: {  	s0 =	rddreg [dreg:$0xb]  }
0x12b: {  	[hbm4b:s0+s2] =	stream.linear.scatter [tilespmem:s20], [sflag:$0x3], $0x4000, $0x38;
	[tilespmem:$0x10800] =	vst v63  }
0x12c: {  	_ =	swait.ge [sflag:s12], $0x4000  }
0x12d: {  	[sflag:s12] =	ssyncset.done $0x0  }
0x12e: {  	s1 =	rddreg [dreg:$0xc];
	[sflag:s12] =	ssyncadd.s32 $0xFFFFC000  }
0x12f: {  	[hbm4b:s1+s2] =	stream.linear.scatter [tilespmem:s13], [sflag:$0x3], $0x4000, $0x38;
	[tilespmem:$0x10800] =	vst v63  }
0x130: {  	_ =	swait.ge [sflag:s12], $0x4000  }
0x131: {  	[sflag:s12] =	ssyncset.done $0x0  }
0x132: {  	[sflag:s12] =	ssyncadd.s32 $0xFFFFC000  }
0x133: {  	_ =	swait.ge [sflag:s30], $0x4000  }
0x134: {  	[sflag:s30] =	ssyncset.done $0x0  }
0x135: {  	[sflag:s30] =	ssyncadd.s32 $0xFFFFC000  }
0x136: {  	_ =	swait.ge [sflag:s31], $0x4000  }
0x137: {  	[sflag:s31] =	ssyncset.done $0x0  }
0x138: {  	[sflag:s31] =	ssyncadd.s32 $0xFFFFC000  }
0x139: {  	v2 =	vld.msk [tilespmem:$0x280], $0xff;
	_ =	sdelay $0x4  }
0x13a: {  	v3 =	vshll.u32 v2, $0x4  }
0x13b: {  	v2 =	vand.u32 $0x7, v2;
	v3 =	vand.u32 $0xFFFFFF80, v3  }
0x13c: {  	v2 =	vor.u32 v2, v3  }
0x13d: {  	v2 =	vperm.xlane v2, v0;
	_ =	sdelay $0x1  }
0x13e: {  	v2 =	vadd.s32 v1, v2;
	_ =	sdelay $0x4  }
0x13f: {  	[tilespmem:s20], [sflag:$0x1] =	stream.indirect_vreg.gather [hbm4b:s3+s2], $0x80, v2, vm0, $0xb8;
	[tilespmem:$0x10800] =	vst v63  }
0x140: {  	_ = 	snop  }
0x141: {  	[tilespmem:s14], [sflag:$0x1] =	stream.indirect_vreg.gather [hbm4b:s4+s2], $0x80, v2, vm0, $0xb8;
	[tilespmem:$0x10800] =	vst v63  }
0x142: {  	_ = 	snop  }
0x143: {  	[tilespmem:s21], [sflag:$0x1] =	stream.indirect_vreg.gather [hbm4b:s5+s2], $0x80, v2, vm0, $0xb8;
	[tilespmem:$0x10800] =	vst v63  }
0x144: {  	s14 =	simm.s32 $0x6000  }
0x145: {  	[tilespmem:s14], [sflag:$0x1] =	stream.indirect_vreg.gather [hbm4b:s6+s2], $0x80, v2, vm0, $0xb8;
	[tilespmem:$0x10800] =	vst v63  }
0x146: {  	_ = 	snop  }
0x147: {  	[tilespmem:s16], [sflag:$0x1] =	stream.indirect_vreg.gather [hbm4b:s7+s2], $0x80, v2, vm0, $0xb8;
	[tilespmem:$0x10800] =	vst v63  }
0x148: {  	_ = 	snop  }
0x149: {  	[tilespmem:s17], [sflag:$0x1] =	stream.indirect_vreg.gather [hbm4b:s8+s2], $0x80, v2, vm0, $0xb8;
	[tilespmem:$0x10800] =	vst v63  }
0x14a: {  	_ = 	snop  }
0x14b: {  	[tilespmem:s18], [sflag:$0x1] =	stream.indirect_vreg.gather [hbm4b:s9+s2], $0x80, v2, vm0, $0xb8;
	[tilespmem:$0x10800] =	vst v63  }
0x14c: {  	s1 =	simm.s32 $0x8000  }
0x14d: {  	[tilespmem:s1], [sflag:$0x1] =	stream.indirect_vreg.gather [hbm4b:s10+s2], $0x80, v2, vm0, $0xb8;
	[tilespmem:$0x10800] =	vst v63  }
0x14e: {  	v2 =	vld.msk [tilespmem:$0x680], $0xff;
	_ =	sdelay $0x4  }
0x14f: {  	v3 =	vshll.u32 v2, $0x4  }
0x150: {  	v2 =	vand.u32 $0x7, v2;
	v3 =	vand.u32 $0xFFFFFF80, v3  }
0x151: {  	v2 =	vor.u32 v2, v3  }
0x152: {  	v2 =	vperm.xlane v2, v0;
	_ =	sdelay $0x1  }
0x153: {  	v2 =	vadd.s32 v1, v2;
	_ =	sdelay $0x4  }
0x154: {  	[tilespmem:s13], [sflag:$0x2] =	stream.indirect_vreg.gather [hbm4b:s3+s2], $0x80, v2, vm0, $0xb8;
	[tilespmem:$0x10800] =	vst v63  }
0x155: {  	_ = 	snop  }
0x156: {  	[tilespmem:s19], [sflag:$0x2] =	stream.indirect_vreg.gather [hbm4b:s4+s2], $0x80, v2, vm0, $0xb8;
	[tilespmem:$0x10800] =	vst v63  }
0x157: {  	_ = 	snop  }
0x158: {  	[tilespmem:s22], [sflag:$0x2] =	stream.indirect_vreg.gather [hbm4b:s5+s2], $0x80, v2, vm0, $0xb8;
	[tilespmem:$0x10800] =	vst v63  }
0x159: {  	_ = 	snop  }
0x15a: {  	[tilespmem:s23], [sflag:$0x2] =	stream.indirect_vreg.gather [hbm4b:s6+s2], $0x80, v2, vm0, $0xb8;
	[tilespmem:$0x10800] =	vst v63  }
0x15b: {  	_ = 	snop  }
0x15c: {  	[tilespmem:s24], [sflag:$0x2] =	stream.indirect_vreg.gather [hbm4b:s7+s2], $0x80, v2, vm0, $0xb8;
	[tilespmem:$0x10800] =	vst v63  }
0x15d: {  	_ = 	snop  }
0x15e: {  	[tilespmem:s25], [sflag:$0x2] =	stream.indirect_vreg.gather [hbm4b:s8+s2], $0x80, v2, vm0, $0xb8;
	[tilespmem:$0x10800] =	vst v63  }
0x15f: {  	_ = 	snop  }
0x160: {  	[tilespmem:s26], [sflag:$0x2] =	stream.indirect_vreg.gather [hbm4b:s9+s2], $0x80, v2, vm0, $0xb8;
	[tilespmem:$0x10800] =	vst v63  }
0x161: {  	s14 =	simm.s32 $0x10000  }
0x162: {  	[tilespmem:s14], [sflag:$0x2] =	stream.indirect_vreg.gather [hbm4b:s10+s2], $0x80, v2, vm0, $0xb8;
	[tilespmem:$0x10800] =	vst v63  }
0x163: {  	s0 =	rddreg [dreg:$0xd];
	s14 =	simm.s32 $0x800  }
0x164: {  	[hbm4b:s0+s2] =	stream.linear.scatter [tilespmem:s14], [sflag:$0x3], $0x4000, $0x38;
	[tilespmem:$0x10800] =	vst v63  }
0x165: {  	_ =	swait.ge [sflag:s12], $0x4000  }
0x166: {  	[sflag:s12] =	ssyncset.done $0x0  }
0x167: {  	s0 =	rddreg [dreg:$0xe];
	[sflag:s12] =	ssyncadd.s32 $0xFFFFC000  }
0x168: {  	[hbm4b:s0+s2] =	stream.linear.scatter [tilespmem:s15], [sflag:$0x3], $0x4000, $0x38;
	[tilespmem:$0x10800] =	vst v63  }
0x169: {  	_ =	swait.ge [sflag:s12], $0x4000  }
0x16a: {  	[sflag:s12] =	ssyncset.done $0x0  }
0x16b: {  	[sflag:s12] =	ssyncadd.s32 $0xFFFFC000  }
0x16c: {  	_ =	swait.ge [sflag:s30], $0x4000  }
0x16d: {  	[sflag:s30] =	ssyncset.done $0x0  }
0x16e: {  	[sflag:s30] =	ssyncadd.s32 $0xFFFFC000  }
0x16f: {  	_ =	swait.ge [sflag:s31], $0x4000  }
0x170: {  	[sflag:s31] =	ssyncset.done $0x0  }
0x171: {  	[sflag:s31] =	ssyncadd.s32 $0xFFFFC000  }
0x172: {  	v2 =	vld.msk [tilespmem:$0x300], $0xff;
	_ =	sdelay $0x4  }
0x173: {  	v3 =	vshll.u32 v2, $0x4  }
0x174: {  	v2 =	vand.u32 $0x7, v2;
	v3 =	vand.u32 $0xFFFFFF80, v3  }
0x175: {  	v2 =	vor.u32 v2, v3  }
0x176: {  	v2 =	vperm.xlane v2, v0;
	_ =	sdelay $0x1  }
0x177: {  	v2 =	vadd.s32 v1, v2;
	_ =	sdelay $0x4  }
0x178: {  	[tilespmem:s14], [sflag:$0x1] =	stream.indirect_vreg.gather [hbm4b:s3+s2], $0x80, v2, vm0, $0xb8;
	[tilespmem:$0x10800] =	vst v63  }
0x179: {  	s0 =	simm.s32 $0x1000  }
0x17a: {  	[tilespmem:s0], [sflag:$0x1] =	stream.indirect_vreg.gather [hbm4b:s4+s2], $0x80, v2, vm0, $0xb8;
	[tilespmem:$0x10800] =	vst v63  }
0x17b: {  	s0 =	simm.s32 $0x1800  }
0x17c: {  	[tilespmem:s0], [sflag:$0x1] =	stream.indirect_vreg.gather [hbm4b:s5+s2], $0x80, v2, vm0, $0xb8;
	[tilespmem:$0x10800] =	vst v63  }
0x17d: {  	s0 =	simm.s32 $0x2000  }
0x17e: {  	[tilespmem:s0], [sflag:$0x1] =	stream.indirect_vreg.gather [hbm4b:s6+s2], $0x80, v2, vm0, $0xb8;
	[tilespmem:$0x10800] =	vst v63  }
0x17f: {  	s0 =	simm.s32 $0x2800  }
0x180: {  	[tilespmem:s0], [sflag:$0x1] =	stream.indirect_vreg.gather [hbm4b:s7+s2], $0x80, v2, vm0, $0xb8;
	[tilespmem:$0x10800] =	vst v63  }
0x181: {  	s0 =	simm.s32 $0x3000  }
0x182: {  	[tilespmem:s0], [sflag:$0x1] =	stream.indirect_vreg.gather [hbm4b:s8+s2], $0x80, v2, vm0, $0xb8;
	[tilespmem:$0x10800] =	vst v63  }
0x183: {  	s0 =	simm.s32 $0x3800  }
0x184: {  	[tilespmem:s0], [sflag:$0x1] =	stream.indirect_vreg.gather [hbm4b:s9+s2], $0x80, v2, vm0, $0xb8;
	[tilespmem:$0x10800] =	vst v63  }
0x185: {  	s0 =	simm.s32 $0x4000  }
0x186: {  	[tilespmem:s0], [sflag:$0x1] =	stream.indirect_vreg.gather [hbm4b:s10+s2], $0x80, v2, vm0, $0xb8;
	[tilespmem:$0x10800] =	vst v63  }
0x187: {  	v2 =	vld.msk [tilespmem:$0x700], $0xff;
	_ =	sdelay $0x4  }
0x188: {  	v3 =	vshll.u32 v2, $0x4  }
0x189: {  	v2 =	vand.u32 $0x7, v2;
	v3 =	vand.u32 $0xFFFFFF80, v3  }
0x18a: {  	v2 =	vor.u32 v2, v3  }
0x18b: {  	v2 =	vperm.xlane v2, v0;
	_ =	sdelay $0x1  }
0x18c: {  	v2 =	vadd.s32 v1, v2;
	_ =	sdelay $0x4  }
0x18d: {  	[tilespmem:s15], [sflag:$0x2] =	stream.indirect_vreg.gather [hbm4b:s3+s2], $0x80, v2, vm0, $0xb8;
	[tilespmem:$0x10800] =	vst v63  }
0x18e: {  	s0 =	simm.s32 $0x9000  }
0x18f: {  	[tilespmem:s0], [sflag:$0x2] =	stream.indirect_vreg.gather [hbm4b:s4+s2], $0x80, v2, vm0, $0xb8;
	[tilespmem:$0x10800] =	vst v63  }
0x190: {  	s0 =	simm.s32 $0x9800  }
0x191: {  	[tilespmem:s0], [sflag:$0x2] =	stream.indirect_vreg.gather [hbm4b:s5+s2], $0x80, v2, vm0, $0xb8;
	[tilespmem:$0x10800] =	vst v63  }
0x192: {  	s0 =	simm.s32 $0xA000  }
0x193: {  	[tilespmem:s0], [sflag:$0x2] =	stream.indirect_vreg.gather [hbm4b:s6+s2], $0x80, v2, vm0, $0xb8;
	[tilespmem:$0x10800] =	vst v63  }
0x194: {  	s28 =	simm.s32 $0xA800  }
0x195: {  	[tilespmem:s28], [sflag:$0x2] =	stream.indirect_vreg.gather [hbm4b:s7+s2], $0x80, v2, vm0, $0xb8;
	[tilespmem:$0x10800] =	vst v63  }
0x196: {  	s29 =	simm.s32 $0xB000  }
0x197: {  	[tilespmem:s29], [sflag:$0x2] =	stream.indirect_vreg.gather [hbm4b:s8+s2], $0x80, v2, vm0, $0xb8;
	[tilespmem:$0x10800] =	vst v63  }
0x198: {  	s28 =	simm.s32 $0xB800  }
0x199: {  	[tilespmem:s28], [sflag:$0x2] =	stream.indirect_vreg.gather [hbm4b:s9+s2], $0x80, v2, vm0, $0xb8;
	[tilespmem:$0x10800] =	vst v63  }
0x19a: {  	s29 =	simm.s32 $0xC000  }
0x19b: {  	[tilespmem:s29], [sflag:$0x2] =	stream.indirect_vreg.gather [hbm4b:s10+s2], $0x80, v2, vm0, $0xb8;
	[tilespmem:$0x10800] =	vst v63  }
0x19c: {  	s0 =	rddreg [dreg:$0xf]  }
0x19d: {  	[hbm4b:s0+s2] =	stream.linear.scatter [tilespmem:s20], [sflag:$0x3], $0x4000, $0x38;
	[tilespmem:$0x10800] =	vst v63  }
0x19e: {  	_ =	swait.ge [sflag:s12], $0x4000  }
0x19f: {  	[sflag:s12] =	ssyncset.done $0x0  }
0x1a0: {  	s28 =	rddreg [dreg:$0x10];
	[sflag:s12] =	ssyncadd.s32 $0xFFFFC000  }
0x1a1: {  	[hbm4b:s28+s2] =	stream.linear.scatter [tilespmem:s13], [sflag:$0x3], $0x4000, $0x38;
	[tilespmem:$0x10800] =	vst v63  }
0x1a2: {  	_ =	swait.ge [sflag:s12], $0x4000  }
0x1a3: {  	[sflag:s12] =	ssyncset.done $0x0  }
0x1a4: {  	[sflag:s12] =	ssyncadd.s32 $0xFFFFC000  }
0x1a5: {  	_ =	swait.ge [sflag:s30], $0x4000  }
0x1a6: {  	[sflag:s30] =	ssyncset.done $0x0  }
0x1a7: {  	[sflag:s30] =	ssyncadd.s32 $0xFFFFC000  }
0x1a8: {  	_ =	swait.ge [sflag:s31], $0x4000  }
0x1a9: {  	[sflag:s31] =	ssyncset.done $0x0  }
0x1aa: {  	[sflag:s31] =	ssyncadd.s32 $0xFFFFC000  }
0x1ab: {  	v2 =	vld.msk [tilespmem:$0x380], $0xff;
	_ =	sdelay $0x4  }
0x1ac: {  	v3 =	vshll.u32 v2, $0x4  }
0x1ad: {  	v2 =	vand.u32 $0x7, v2;
	v3 =	vand.u32 $0xFFFFFF80, v3  }
0x1ae: {  	v2 =	vor.u32 v2, v3  }
0x1af: {  	v2 =	vperm.xlane v2, v0;
	_ =	sdelay $0x1  }
0x1b0: {  	v2 =	vadd.s32 v1, v2;
	_ =	sdelay $0x4  }
0x1b1: {  	[tilespmem:s20], [sflag:$0x1] =	stream.indirect_vreg.gather [hbm4b:s3+s2], $0x80, v2, vm0, $0xb8;
	[tilespmem:$0x10800] =	vst v63  }
0x1b2: {  	s29 =	simm.s32 $0x5000  }
0x1b3: {  	[tilespmem:s29], [sflag:$0x1] =	stream.indirect_vreg.gather [hbm4b:s4+s2], $0x80, v2, vm0, $0xb8;
	[tilespmem:$0x10800] =	vst v63  }
0x1b4: {  	s21 =	simm.s32 $0x5800  }
0x1b5: {  	[tilespmem:s21], [sflag:$0x1] =	stream.indirect_vreg.gather [hbm4b:s5+s2], $0x80, v2, vm0, $0xb8;
	[tilespmem:$0x10800] =	vst v63  }
0x1b6: {  	s21 =	simm.s32 $0x6000  }
0x1b7: {  	[tilespmem:s21], [sflag:$0x1] =	stream.indirect_vreg.gather [hbm4b:s6+s2], $0x80, v2, vm0, $0xb8;
	[tilespmem:$0x10800] =	vst v63  }
0x1b8: {  	s16 =	simm.s32 $0x6800  }
0x1b9: {  	[tilespmem:s16], [sflag:$0x1] =	stream.indirect_vreg.gather [hbm4b:s7+s2], $0x80, v2, vm0, $0xb8;
	[tilespmem:$0x10800] =	vst v63  }
0x1ba: {  	s17 =	simm.s32 $0x7000  }
0x1bb: {  	[tilespmem:s17], [sflag:$0x1] =	stream.indirect_vreg.gather [hbm4b:s8+s2], $0x80, v2, vm0, $0xb8;
	[tilespmem:$0x10800] =	vst v63  }
0x1bc: {  	s18 =	simm.s32 $0x7800  }
0x1bd: {  	[tilespmem:s18], [sflag:$0x1] =	stream.indirect_vreg.gather [hbm4b:s9+s2], $0x80, v2, vm0, $0xb8;
	[tilespmem:$0x10800] =	vst v63  }
0x1be: {  	_ = 	snop  }
0x1bf: {  	[tilespmem:s1], [sflag:$0x1] =	stream.indirect_vreg.gather [hbm4b:s10+s2], $0x80, v2, vm0, $0xb8;
	[tilespmem:$0x10800] =	vst v63  }
0x1c0: {  	v2 =	vld.msk [tilespmem:$0x780], $0xff;
	_ =	sdelay $0x4  }
0x1c1: {  	v3 =	vshll.u32 v2, $0x4  }
0x1c2: {  	v2 =	vand.u32 $0x7, v2;
	v3 =	vand.u32 $0xFFFFFF80, v3  }
0x1c3: {  	v2 =	vor.u32 v2, v3  }
0x1c4: {  	v2 =	vperm.xlane v2, v0;
	_ =	sdelay $0x1  }
0x1c5: {  	v2 =	vadd.s32 v1, v2;
	_ =	sdelay $0x4  }
0x1c6: {  	[tilespmem:s13], [sflag:$0x2] =	stream.indirect_vreg.gather [hbm4b:s3+s2], $0x80, v2, vm0, $0xb8;
	[tilespmem:$0x10800] =	vst v63  }
0x1c7: {  	s19 =	simm.s32 $0xD000  }
0x1c8: {  	[tilespmem:s19], [sflag:$0x2] =	stream.indirect_vreg.gather [hbm4b:s4+s2], $0x80, v2, vm0, $0xb8;
	[tilespmem:$0x10800] =	vst v63  }
0x1c9: {  	s22 =	simm.s32 $0xD800  }
0x1ca: {  	[tilespmem:s22], [sflag:$0x2] =	stream.indirect_vreg.gather [hbm4b:s5+s2], $0x80, v2, vm0, $0xb8;
	[tilespmem:$0x10800] =	vst v63  }
0x1cb: {  	s23 =	simm.s32 $0xE000  }
0x1cc: {  	[tilespmem:s23], [sflag:$0x2] =	stream.indirect_vreg.gather [hbm4b:s6+s2], $0x80, v2, vm0, $0xb8;
	[tilespmem:$0x10800] =	vst v63  }
0x1cd: {  	s24 =	simm.s32 $0xE800  }
0x1ce: {  	[tilespmem:s24], [sflag:$0x2] =	stream.indirect_vreg.gather [hbm4b:s7+s2], $0x80, v2, vm0, $0xb8;
	[tilespmem:$0x10800] =	vst v63  }
0x1cf: {  	s25 =	simm.s32 $0xF000  }
0x1d0: {  	[tilespmem:s25], [sflag:$0x2] =	stream.indirect_vreg.gather [hbm4b:s8+s2], $0x80, v2, vm0, $0xb8;
	[tilespmem:$0x10800] =	vst v63  }
0x1d1: {  	s26 =	simm.s32 $0xF800  }
0x1d2: {  	[tilespmem:s26], [sflag:$0x2] =	stream.indirect_vreg.gather [hbm4b:s9+s2], $0x80, v2, vm0, $0xb8;
	[tilespmem:$0x10800] =	vst v63  }
0x1d3: {  	s25 =	simm.s32 $0x10000  }
0x1d4: {  	[tilespmem:s25], [sflag:$0x2] =	stream.indirect_vreg.gather [hbm4b:s10+s2], $0x80, v2, vm0, $0xb8;
	[tilespmem:$0x10800] =	vst v63  }
0x1d5: {  	s14 =	simm.s32 $0x800;
	s24 =	rddreg [dreg:$0x11]  }
0x1d6: {  	[hbm4b:s24+s2] =	stream.linear.scatter [tilespmem:s14], [sflag:$0x3], $0x4000, $0x38;
	[tilespmem:$0x10800] =	vst v63  }
0x1d7: {  	_ =	swait.ge [sflag:s12], $0x4000  }
0x1d8: {  	[sflag:s12] =	ssyncset.done $0x0  }
0x1d9: {  	s26 =	rddreg [dreg:$0x12];
	[sflag:s12] =	ssyncadd.s32 $0xFFFFC000  }
0x1da: {  	[hbm4b:s26+s2] =	stream.linear.scatter [tilespmem:s15], [sflag:$0x3], $0x4000, $0x38;
	[tilespmem:$0x10800] =	vst v63  }
0x1db: {  	_ =	swait.ge [sflag:s12], $0x4000  }
0x1dc: {  	[sflag:s12] =	ssyncset.done $0x0  }
0x1dd: {  	[sflag:s12] =	ssyncadd.s32 $0xFFFFC000  }
0x1de: {  	_ =	swait.ge [sflag:s30], $0x4000  }
0x1df: {  	[sflag:s30] =	ssyncset.done $0x0  }
0x1e0: {  	[sflag:s30] =	ssyncadd.s32 $0xFFFFC000  }
0x1e1: {  	_ =	swait.ge [sflag:s31], $0x4000  }
0x1e2: {  	[sflag:s31] =	ssyncset.done $0x0  }
0x1e3: {  	s28 =	rddreg [dreg:$0x13];
	[sflag:s31] =	ssyncadd.s32 $0xFFFFC000  }
0x1e4: {  	[hbm4b:s28+s2] =	stream.linear.scatter [tilespmem:s20], [sflag:$0x3], $0x4000, $0x38;
	[tilespmem:$0x10800] =	vst v63  }
0x1e5: {  	_ =	swait.ge [sflag:s12], $0x4000  }
0x1e6: {  	p0 =	sne.s32 s11, $0x1;
	[sflag:s12] =	ssyncset.done $0x0  }
.Ltmp0:
0x1e7: {  	s29 =	rddreg [dreg:$0x14];
	[sflag:s12] =	ssyncadd.s32 $0xFFFFC000;
	(pc) =	sbr.rel @p0 .LBB2_1-.Ltmp0, $4  }
0x1e8: {  	[hbm4b:s29+s2] =	stream.linear.scatter [tilespmem:s13], [sflag:$0x3], $0x4000, $0x38;
	[tilespmem:$0x10800] =	vst v63  }
0x1e9: {  	_ =	swait.ge [sflag:s12], $0x4000  }
0x1ea: {  	[sflag:s12] =	ssyncset.done $0x0  }
0x1eb: {  	s11 =	sadd.s32 $0xFFFFFFFF, s11;
	[sflag:s12] =	ssyncadd.s32 $0xFFFFC000  }
0x1ec: {  	_ =	sfence.sel $0x180000  }
0x1ed: {  	[bflag:$0x0] =	sbarrier.arrive $0xFFFF  }
0x1ee: {  	_ =	strace $0x9000004A  }
0x1ef: {  	s0 =	stileid.u32;
	[bflag:$0x2] =	sbarrier.arrive $0xFFFF  }
0x1f0: {  	p0 =	sne.s32 s0, $0x0;
	s0 =	rddreg [dreg:$0x2]  }
0x1f1: {  	s0 =	sadd.s32 @!p0 $0x100000, s0  }
0x1f2: {  	[sflag:s0] =	ssyncadd.tile.s32 @!p0 $0x1;
	_ =	shalt  }
.Lfunc_end2:
_tile_overlayer_lowered:
.L_overlay_start_2:
0x1f3: {  	(tag) =	ssettag $0x2  }
0x1f4: {  	s0 =	rddreg [dreg:$0x0];
	s2 =	stileid.u32  }
0x1f5: {  	s1 =	rddreg [dreg:$0x1];
	p0 =	sne.s32 s2, $0x0  }
0x1f6: {  	s3 =	rddreg [dreg:$0x2];
	[bflag:$0x3] =	sbarrier.arrive $0xFFFF;
	s2 =	simm.s32 @!p0 $0x1C03  }
0x1f7: {  	[timem:s3], [sflag:s2] =	dma.local @!p0 [hbm:s0], s1  }
0x1f8: {  	s0 =	simm.s32 @!p0 $0x3  }
0x1f9: {  	_ =	swait.ge @!p0 [sflag:s0], s1  }
0x1fa: {  	s1 =	ssub.s32 @!p0 $0x0, s1;
	[sflag:s0] =	ssyncset.done @!p0 $0x0  }
0x1fb: {  	[sflag:s0] =	ssyncadd.s32 @!p0 s1  }
0x1fc: {  	[bflag:$0x3] =	sbarrier.arrive $0xFFFF  }
0x1fd: {  	_ =	shalt  }

// kernel: kernel.7.cloned.1.call-start
scs
__scs_entry_jumppad:
0x0: {  	(pc) =	sbr.rel $0x88, $3  }
0x1: {  	(tag) =	ssettag $0x0;
	lr =	simm.s32 $0x1  }
0x2: {  	[smem:$0x3F9C] =	sst lr;
	_ =	strace $0xD0000000  }
0x3: {  	_ = 	snop  }
0x4: {  	_ = 	snop  }
0x5: {  	_ = 	snop  }
0x6: {  	_ = 	snop  }
0x7: {  	_ = 	snop  }
__scs_overlays_trampoline_lowered:
0x8: {  	[smem:$0x3FAB] =	sst s0  }
0x9: {  	[smem:$0x3FAC] =	sst s1  }
0xa: {  	[smem:$0x3FAD] =	sst s2  }
0xb: {  	[smem:$0x3FAE] =	sst s3  }
0xc: {  	[smem:$0x3FAF] =	sst s4  }
0xd: {  	[smem:$0x3FB0] =	sst s5  }
0xe: {  	[smem:$0x3FB1] =	sst s6  }
0xf: {  	[smem:$0x3FB2] =	sst s7  }
0x10: {  	[smem:$0x3FB3] =	sst s8  }
0x11: {  	[smem:$0x3FB4] =	sst s9;
	s0 =	simm.s32 @!p0 $0x0  }
0x12: {  	s1 =	sld [smem:$0x3F9A];
	s0 =	simm.s32 @p0 $0x1  }
0x13: {  	[smem:$0x3FB5] =	sst s0;
	s0 =	simm.s32 @!p1 $0x0  }
0x14: {  	s2 =	sld [smem:$0x3F99];
	s0 =	simm.s32 @p1 $0x1  }
0x15: {  	[smem:$0x3FB6] =	sst s0;
	s0 =	simm.s32 @!p2 $0x0  }
0x16: {  	s3 =	sld [smem:$0x3FDB];
	s0 =	simm.s32 @p2 $0x1  }
0x17: {  	s4 =	simm.s32 $0x1BF5;
	[smem:$0x3FB8] =	sst s0  }
0x18: {  	s0 =	sld [smem:$0x3F9B];
	_ =	swait.ge [sflag:s4], $0x0  }
0x19: {  	s7 =	sld [smem:$0x3F9C]  }
0x1a: {  	s8 =	sadd.s32 $0xFFFFE003, lr  }
0x1b: {  	s9 =	sadd.s32 $0xFFFFFEF7, lr;
	s5 =	simm.s32 $0xFFFFFFFF;
	p2 =	slt.u32 s8, $0xFFFFF086  }
0x1c: {  	p1 =	slt.u32 s9, $0xF7A;
	s5 =	simm.s32 @!p2 $0x0  }
0x1d: {  	s5 =	simm.s32 @p1 $0x1;
	p0 =	seq.s32 s7, s2  }
0x1e: {  	s7 =	smul.u32 @!p0 $0xF7A, s2;
	p2 =	seq.s32 @!p0 s5, $0x0  }
0x1f: {  	s9 =	smul.u32 $0xF7A, s1;
	s8 =	simm.s32 @!p0 $0x1BF5;
	p2 =	por !p2, p0  }
0x20: {  	[sflag:s8] =	ssyncset.s32 @!p0 $0xFFFFF086;
	s6 =	sadd.s32 @!p0 s3, s7;
	s7 =	simm.s32 @!p0 $0x108  }
0x21: {  	s3 =	sadd.s32 s3, s9;
	s6 =	sadd.s32 @!p0 $0x88, s6;
	s7 =	simm.s32 @p2 $0x1082  }
0x22: {  	[simem:s7], [sflag:s8] =	dma.local @!p0 [hbm:s6], $0xF7A  }
0x23: {  	s9 =	sor.u32 $0xD0000000, s2;
	s6 =	simm.s32 $0x108;
	_ =	swait.ge @!p0 [sflag:s8], $0x0  }
0x24: {  	s3 =	sadd.s32 $0x88, s3;
	s6 =	simm.s32 @!p1 $0x1082;
	[sflag:s4] =	ssyncset.s32 $0xFFFFF086  }
0x25: {  	[simem:s6], [sflag:s4] =	dma.local [hbm:s3], $0xF7A  }
0x26: {  	[smem:$0x3F9C] =	sst s1;
	(tag) =	ssettag s2;
	_ =	strace s9  }
0x27: {  	s1 =	sld [smem:$0x3FAC]  }
0x28: {  	s2 =	sld [smem:$0x3FAD]  }
0x29: {  	s4 =	sld [smem:$0x3FAF]  }
0x2a: {  	p0 =	seq.s32 s5, $0x0;
	s5 =	sld [smem:$0x3FB0]  }
0x2b: {  	s6 =	sld [smem:$0x3FB1]  }
0x2c: {  	s7 =	sld [smem:$0x3FB2]  }
0x2d: {  	s3 =	simm.s32 $0x108;
	s8 =	sld [smem:$0x3FB3]  }
0x2e: {  	s3 =	simm.s32 @!p0 $0x1082;
	s9 =	sld [smem:$0x3FB4]  }
0x2f: {  	lr =	sadd.s32 s0, s3;
	s0 =	sld [smem:$0x3FAB]  }
0x30: {  	s3 =	sld [smem:$0x3FAE]  }
0x31: {  	[smem:$0x3FB7] =	sst s10  }
0x32: {  	s10 =	sld [smem:$0x3FB5];
	_ =	sdelay $0x3  }
0x33: {  	p0 =	seq.s32 s10, $0x1;
	s10 =	sld [smem:$0x3FB7];
	_ =	sdelay $0x3  }
0x34: {  	[smem:$0x3FB7] =	sst s10  }
0x35: {  	s10 =	sld [smem:$0x3FB6];
	_ =	sdelay $0x3  }
0x36: {  	p1 =	seq.s32 s10, $0x1;
	s10 =	sld [smem:$0x3FB7];
	_ =	sdelay $0x3  }
0x37: {  	[smem:$0x3FB7] =	sst s10  }
0x38: {  	s10 =	sld [smem:$0x3FB8]  }
0x39: {  	_ = 	snop;
	(pc) =	sbr.ind lr, $3  }
0x3a: {  	_ = 	snop  }
0x3b: {  	_ = 	snop  }
0x3c: {  	p2 =	seq.s32 s10, $0x1;
	s10 =	sld [smem:$0x3FB7]  }
0x3d: {  	_ =	shalt  }
0x3e: {  	_ =	shalt  }
0x3f: {  	_ =	shalt  }
0x40: {  	_ =	shalt  }
0x41: {  	_ =	shalt  }
0x42: {  	_ =	shalt  }
0x43: {  	_ =	shalt  }
0x44: {  	_ =	shalt  }
0x45: {  	_ =	shalt  }
0x46: {  	_ =	shalt  }
0x47: {  	_ =	shalt  }
0x48: {  	_ =	shalt  }
0x49: {  	_ =	shalt  }
0x4a: {  	_ =	shalt  }
0x4b: {  	_ =	shalt  }
0x4c: {  	_ =	shalt  }
0x4d: {  	_ =	shalt  }
0x4e: {  	_ =	shalt  }
0x4f: {  	_ =	shalt  }
0x50: {  	_ =	shalt  }
0x51: {  	_ =	shalt  }
0x52: {  	_ =	shalt  }
0x53: {  	_ =	shalt  }
0x54: {  	_ =	shalt  }
0x55: {  	_ =	shalt  }
0x56: {  	_ =	shalt  }
0x57: {  	_ =	shalt  }
0x58: {  	_ =	shalt  }
0x59: {  	_ =	shalt  }
0x5a: {  	_ =	shalt  }
0x5b: {  	_ =	shalt  }
0x5c: {  	_ =	shalt  }
0x5d: {  	_ =	shalt  }
0x5e: {  	_ =	shalt  }
0x5f: {  	_ =	shalt  }
0x60: {  	_ =	shalt  }
0x61: {  	_ =	shalt  }
0x62: {  	_ =	shalt  }
0x63: {  	_ =	shalt  }
0x64: {  	_ =	shalt  }
0x65: {  	_ =	shalt  }
0x66: {  	_ =	shalt  }
0x67: {  	_ =	shalt  }
0x68: {  	_ =	shalt  }
0x69: {  	_ =	shalt  }
0x6a: {  	_ =	shalt  }
0x6b: {  	_ =	shalt  }
0x6c: {  	_ =	shalt  }
0x6d: {  	_ =	shalt  }
0x6e: {  	_ =	shalt  }
0x6f: {  	_ =	shalt  }
0x70: {  	_ =	shalt  }
0x71: {  	_ =	shalt  }
0x72: {  	_ =	shalt  }
0x73: {  	_ =	shalt  }
0x74: {  	_ =	shalt  }
0x75: {  	_ =	shalt  }
0x76: {  	_ =	shalt  }
0x77: {  	_ =	shalt  }
0x78: {  	_ =	shalt  }
0x79: {  	_ =	shalt  }
0x7a: {  	_ =	shalt  }
0x7b: {  	_ =	shalt  }
0x7c: {  	_ =	shalt  }
0x7d: {  	_ =	shalt  }
0x7e: {  	_ =	shalt  }
0x7f: {  	_ =	shalt  }
0x80: {  	_ =	shalt  }
0x81: {  	_ =	shalt  }
0x82: {  	_ =	shalt  }
0x83: {  	_ =	shalt  }
0x84: {  	_ =	shalt  }
0x85: {  	_ =	shalt  }
0x86: {  	_ =	shalt  }
0x87: {  	_ =	shalt  }
.Lfunc_end0:
.L_simem_size_0:
called_computation_lowered:
.L_overlay_start_0:
0x88: {  	s2 =	sld [smem:$0x3FD9]  }
0x89: {  	s3 =	sld [smem:$0x3FFE];
	_ =	sdelay $0x1  }
0x8a: {  	s1 =	srdreg.scid  }
0x8b: {  	s0 =	sand.u32 $0x1, s1  }
0x8c: {  	s17 =	sshll.u32 s0, $0xA;
	s2 =	sadd.s32 s3, s2  }
0x8d: {  	s2 =	sadd.s32 s2, s17  }
0x8e: {  	[smem:$0x3FC3] =	sst s2  }
0x8f: {  	_ = 	snop  }
0x90: {  	s2 =	sld [smem:$0x3FC9];
	(tm) =	ssettm $0x1  }
0x91: {  	s18 =	sld [smem:$0x3FFB];
	_ =	sdelay $0x3  }
0x92: {  	_ =	strace s18  }
0x93: {  	s3 =	sld [smem:$0x3FFC];
	_ =	sdelay $0x3  }
0x94: {  	_ =	strace s3  }
0x95: {  	s3 =	sld [smem:$0x3FFD];
	_ =	sdelay $0x3  }
0x96: {  	_ =	strace s3  }
0x97: {  	_ =	strace $0x8FFFFFFF  }
0x98: {  	s19 =	sld [smem:$0x3FDB];
	_ =	sdelay $0x1  }
0x99: {  	s4 =	simm.s32 $_scs_section_size  }
0x9a: {  	s5 =	simm.s32 $_size__tile_overlayer_lowered;
	s6 =	simm.s32 $_tile_overlayer_lowered  }
0x9b: {  	s22 =	simm.s32 $0x1BFF;
	s21 =	sshll.u32 s6, $0x1;
	s3 =	sadd.s32 s4, s19  }
0x9c: {  	s7 =	simm.s32 $0x0;
	s20 =	sshll.u32 s5, $0x1;
	s5 =	sadd.s32 s21, s3  }
0x9d: {  	[timem:s7], [sflag:s22] =	dma.local [hbm:s5], s20  }
0x9e: {  	_ =	swait.ge [sflag:s22], s20  }
0x9f: {  	s4 =	ssub.s32 $0x0, s20;
	[sflag:s22] =	ssyncset.done $0x0  }
0xa0: {  	[sflag:s22] =	ssyncadd.s32 s4;
	_ =	sdelay $0x1  }
0xa1: {  	s23 =	simm.s32 $0x1B8B  }
0xa2: {  	_ =	swait.ge [sflag:s23], $0x1  }
0xa3: {  	[sflag:s23] =	ssyncset.done $0x0  }
0xa4: {  	s25 =	simm.s32 $0x1B8E;
	s24 =	sld [smem:$0x3FFE];
	[sflag:s23] =	ssyncadd.s32 $0xFFFFFFFF  }
0xa5: {  	s26 =	simm.s32 $execute0_lowered;
	[smem:$0x3FD2] =	sst s25  }
0xa6: {  	s5 =	sshll.u32 s26, $0x1;
	_ =	strace $0x80000046;
	[dreg:$0x1] =	wrdreg $0xFFFFFFFF  }
0xa7: {  	s28 =	simm.s32 $_size_execute0_lowered;
	s3 =	sadd.s32 s3, s5;
	[dreg:$0x0] =	wrdreg $0x0  }
0xa8: {  	s5 =	sshll.u32 s28, $0x1;
	[dreg:$0x2] =	wrdreg s3  }
0xa9: {  	[dreg:$0x3] =	wrdreg s5  }
0xaa: {  	[dreg:$0x4] =	wrdreg $0xC0  }
0xab: {  	_ =	task [dreg:s7], $0x5FFFF  }
0xac: {  	[dreg:$0x1] =	wrdreg $0xFFFFFFFF  }
0xad: {  	[dreg:$0x0] =	wrdreg $0x60  }
0xae: {  	[dreg:$0x2] =	wrdreg s2  }
0xaf: {  	[dreg:$0x3] =	wrdreg s24  }
0xb0: {  	[dreg:$0x4] =	wrdreg $0x9  }
0xb1: {  	_ =	task.clear_ibuf [dreg:s7], $0x5FFFF;
	_ =	strace $0x90000046  }
0xb2: {  	s29 =	simm.s32 $0x9;
	_ =	strace $0x80000048  }
0xb3: {  	_ =	swait.ge [sflag:s29], $0x1  }
0xb4: {  	[sflag:s29] =	ssyncadd.s32 $0xFFFFFFFF  }
0xb5: {  	_ =	strace $0x90000048  }
0xb6: {  	_ =	sfence  }
0xb7: {  	s30 =	sld [smem:$0x0];
	_ =	sdelay $0x2  }
0xb8: {  	s31 =	sshll.u32 s1, $0xD;
	s1 =	sshrl.u32 s1, $0x2  }
0xb9: {  	s3 =	sand.u32 $0x4000, s31;
	s1 =	sadd.s32 s1, s30  }
0xba: {  	s0 =	sor.u32 s3, s0;
	s1 =	sshll.u32 s1, $0x11  }
0xbb: {  	s0 =	sor.u32 s1, s0  }
0xbc: {  	s0 =	sadd.s32 $0x8F2B, s0  }
0xbd: {  	[sflag:s0] =	ssyncadd.remote.s32 $0x1  }
0xbe: {  	_ =	sfence.sel $0xFFFF  }
0xbf: {  	[dreg:$0x0] =	wrdreg $0xFFFFFFFF;
	(pc) =	sbr.abs _section_cstart, $3  }
0xc0: {  	[dreg:$0x1] =	wrdreg $0xFFFFFFFF  }
0xc1: {  	_ =	task.clear_ibuf [dreg:s7], $0x2FFFF;
	_ =	strace $0x9FFFFFFF  }
0xc2: {  	(tm) =	ssettm $0x7FFFFFFF  }
0xc3: {  	_ =	shalt  }
tec
execute0_lowered:
.L_overlay_start_1:
0x0: {  	(tag) =	ssettag $0x1  }
0x1: {  	s0 =	rddreg [dreg:$0x0]  }
0x2: {  	s1 =	rddreg [dreg:$0x1];
	s3 =	srdreg.scid  }
0x3: {  	s4 =	stileid.u32;
	s2 =	simm.s32 $0x0;
	s26 =	simm.s32 $0x400  }
0x4: {  	s14 =	simm.s32 $0x800;
	s15 =	simm.s32 $0x1;
	s17 =	simm.s32 $0x1800  }
0x5: {  	s18 =	simm.s32 $0x2000;
	s28 =	simm.s32 $0x6800;
	s29 =	simm.s32 $0x7000  }
0x6: {  	s30 =	simm.s32 $0x7800;
	s31 =	simm.s32 $0x8000;
	s16 =	simm.s32 $0x4  }
0x7: {  	s3 =	sand.u32 $0x1, s3;
	s4 =	sshll.u32 s4, $0x1;
	[smem:$0x7FF] =	sst s2  }
0x8: {  	s8 =	sadd.s32 $0x19200, s1;
	s9 =	sadd.s32 $0x19300, s1;
	s4 =	sor.u32 s3, s4  }
0x9: {  	_ =	strace $0x80000047;
	s5 =	sshll.u32 s4, $0x7;
	s4 =	sshll.u32 s4, $0xE  }
0xa: {  	[dreg:$0xc] =	wrdreg s26;
	s5 =	sadd.s32 s5, s1;
	s4 =	sadd.s32 s0, s4  }
0xb: {  	s10 =	sadd.s32 $0x19400, s1;
	s19 =	sadd.s32 $0x1C00, s5;
	[dreg:$0xd] =	wrdreg s4  }
0xc: {  	s11 =	sadd.s32 $0x19500, s1;
	s5 =	sadd.s32 $0xC00, s5;
	[dreg:$0x3] =	wrdreg s19  }
0xd: {  	s6 =	ssub.s32 $0x2, s3;
	s0 =	sadd.s32 $0x800, s4;
	[dreg:$0x4] =	wrdreg s5  }
0xe: {  	s3 =	sadd.s32 $0x18E00, s1;
	s20 =	sadd.s32 $0x1000, s4;
	[dreg:$0x5] =	wrdreg s0  }
0xf: {  	s26 =	simm.s32 $0x6000;
	s21 =	sadd.s32 $0x1800, s4;
	[dreg:$0x6] =	wrdreg s20  }
0x10: {  	s7 =	sshrl.u32 s6, $0x1;
	s22 =	sadd.s32 $0x2000, s4;
	[dreg:$0x7] =	wrdreg s21  }
0x11: {  	s12 =	ssub.s32 s6, s7;
	s23 =	sadd.s32 $0x2800, s4;
	[dreg:$0x8] =	wrdreg s22  }
0x12: {  	s6 =	sadd.s32 $0x19000, s1;
	s24 =	sadd.s32 $0x3000, s4;
	[dreg:$0x9] =	wrdreg s23  }
0x13: {  	s7 =	sadd.s32 $0x19100, s1;
	s25 =	sadd.s32 $0x3800, s4;
	[dreg:$0xa] =	wrdreg s24  }
0x14: {  	s12 =	smax.u32 s12, $0x1;
	s5 =	sadd.s32 $0x18F00, s1;
	[dreg:$0xb] =	wrdreg s25  }
0x15: {  	v0 =	vlaneseq.u32;
	s19 =	simm.s32 $0x2800;
	s20 =	simm.s32 $0x3000;
	s21 =	simm.s32 $0x3800  }
0x16: {  	v1 =	vshrl.u32 v0, $0x3;
	s22 =	simm.s32 $0x4000;
	s23 =	simm.s32 $0x4800;
	s24 =	simm.s32 $0x5000  }
0x17: {  	vm0 =	vmmov $0xffff;
	v0 =	vand.u32 $0x7, v0;
	v1 =	vmul.u32 $0x8, v1;
	s25 =	simm.s32 $0x5800;
	s0 =	simm.s32 $0x2;
	s1 =	simm.s32 $0x3  }
.LBB2_1:
0x18: {  	s4 =	rddreg [dreg:$0x3]  }
0x19: {  	[tilespmem:s2], [sflag:$0x4] =	stream.linear.gather [hbm4b:s4+s2], $0x400, $0x38;
	[tilespmem:$0x8800] =	vst v63  }
0x1a: {  	_ =	swait.ge [sflag:s16], $0x400  }
0x1b: {  	s4 =	rddreg [dreg:$0x4];
	[sflag:s16] =	ssyncset.done $0x0  }
0x1c: {  	s13 =	rddreg [dreg:$0xc];
	[sflag:s16] =	ssyncadd.s32 $0xFFFFFC00  }
0x1d: {  	[tilespmem:s13], [sflag:$0x4] =	stream.linear.gather [hbm4b:s4+s2], $0x400, $0x38;
	[tilespmem:$0x8800] =	vst v63  }
0x1e: {  	_ =	swait.ge [sflag:s16], $0x400  }
0x1f: {  	[sflag:s16] =	ssyncset.done $0x0  }
0x20: {  	s13 =	rddreg [dreg:$0xd];
	[sflag:s16] =	ssyncadd.s32 $0xFFFFFC00  }
0x21: {  	[tilespmem:s14], [sflag:$0x1] =	stream.linear.gather [hbm4b:s13+s2], $0x4000, $0x38;
	[tilespmem:$0x8800] =	vst v63  }
0x22: {  	_ =	swait.ge [sflag:s15], $0x4000  }
0x23: {  	[sflag:s15] =	ssyncset.done $0x0  }
0x24: {  	[sflag:s15] =	ssyncadd.s32 $0xFFFFC000  }
0x25: {  	v2 =	vld.msk [tilespmem:$0x0], $0xff;
	_ =	sdelay $0x4  }
0x26: {  	v3 =	vshll.u32 v2, $0x4  }
0x27: {  	v2 =	vand.u32 $0x7, v2;
	v3 =	vand.u32 $0xFFFFFF80, v3  }
0x28: {  	v2 =	vor.u32 v2, v3  }
0x29: {  	v2 =	vperm.xlane v2, v0;
	_ =	sdelay $0x1  }
0x2a: {  	v2 =	vadd.s32 v1, v2;
	_ =	sdelay $0x4  }
0x2b: {  	[hbm4b:s3+s2] =	stream.indirect_vreg.scatter [tilespmem:s14], [sflag:$0x2], $0x80, v2, vm0, $0xb8;
	[tilespmem:$0x8800] =	vst v63  }
0x2c: {  	s13 =	simm.s32 $0x1000  }
0x2d: {  	[hbm4b:s5+s2] =	stream.indirect_vreg.scatter [tilespmem:s13], [sflag:$0x2], $0x80, v2, vm0, $0xb8;
	[tilespmem:$0x8800] =	vst v63  }
0x2e: {  	_ = 	snop  }
0x2f: {  	[hbm4b:s6+s2] =	stream.indirect_vreg.scatter [tilespmem:s17], [sflag:$0x2], $0x80, v2, vm0, $0xb8;
	[tilespmem:$0x8800] =	vst v63  }
0x30: {  	_ = 	snop  }
0x31: {  	[hbm4b:s7+s2] =	stream.indirect_vreg.scatter [tilespmem:s18], [sflag:$0x2], $0x80, v2, vm0, $0xb8;
	[tilespmem:$0x8800] =	vst v63  }
0x32: {  	_ = 	snop  }
0x33: {  	[hbm4b:s8+s2] =	stream.indirect_vreg.scatter [tilespmem:s19], [sflag:$0x2], $0x80, v2, vm0, $0xb8;
	[tilespmem:$0x8800] =	vst v63  }
0x34: {  	_ = 	snop  }
0x35: {  	[hbm4b:s9+s2] =	stream.indirect_vreg.scatter [tilespmem:s20], [sflag:$0x2], $0x80, v2, vm0, $0xb8;
	[tilespmem:$0x8800] =	vst v63  }
0x36: {  	_ = 	snop  }
0x37: {  	[hbm4b:s10+s2] =	stream.indirect_vreg.scatter [tilespmem:s21], [sflag:$0x2], $0x80, v2, vm0, $0xb8;
	[tilespmem:$0x8800] =	vst v63  }
0x38: {  	_ = 	snop  }
0x39: {  	[hbm4b:s11+s2] =	stream.indirect_vreg.scatter [tilespmem:s22], [sflag:$0x2], $0x80, v2, vm0, $0xb8;
	[tilespmem:$0x8800] =	vst v63  }
0x3a: {  	v2 =	vld.msk [tilespmem:$0x400], $0xff;
	_ =	sdelay $0x4  }
0x3b: {  	v3 =	vshll.u32 v2, $0x4  }
0x3c: {  	v2 =	vand.u32 $0x7, v2;
	v3 =	vand.u32 $0xFFFFFF80, v3  }
0x3d: {  	v2 =	vor.u32 v2, v3  }
0x3e: {  	v2 =	vperm.xlane v2, v0;
	_ =	sdelay $0x1  }
0x3f: {  	v2 =	vadd.s32 v1, v2;
	_ =	sdelay $0x4  }
0x40: {  	[hbm4b:s3+s2] =	stream.indirect_vreg.scatter [tilespmem:s14], [sflag:$0x3], $0x80, v2, vm0, $0xb8;
	[tilespmem:$0x8800] =	vst v63  }
0x41: {  	_ = 	snop  }
0x42: {  	[hbm4b:s5+s2] =	stream.indirect_vreg.scatter [tilespmem:s13], [sflag:$0x3], $0x80, v2, vm0, $0xb8;
	[tilespmem:$0x8800] =	vst v63  }
0x43: {  	_ = 	snop  }
0x44: {  	[hbm4b:s6+s2] =	stream.indirect_vreg.scatter [tilespmem:s17], [sflag:$0x3], $0x80, v2, vm0, $0xb8;
	[tilespmem:$0x8800] =	vst v63  }
0x45: {  	_ = 	snop  }
0x46: {  	[hbm4b:s7+s2] =	stream.indirect_vreg.scatter [tilespmem:s18], [sflag:$0x3], $0x80, v2, vm0, $0xb8;
	[tilespmem:$0x8800] =	vst v63  }
0x47: {  	_ = 	snop  }
0x48: {  	[hbm4b:s8+s2] =	stream.indirect_vreg.scatter [tilespmem:s19], [sflag:$0x3], $0x80, v2, vm0, $0xb8;
	[tilespmem:$0x8800] =	vst v63  }
0x49: {  	_ = 	snop  }
0x4a: {  	[hbm4b:s9+s2] =	stream.indirect_vreg.scatter [tilespmem:s20], [sflag:$0x3], $0x80, v2, vm0, $0xb8;
	[tilespmem:$0x8800] =	vst v63  }
0x4b: {  	_ = 	snop  }
0x4c: {  	[hbm4b:s10+s2] =	stream.indirect_vreg.scatter [tilespmem:s21], [sflag:$0x3], $0x80, v2, vm0, $0xb8;
	[tilespmem:$0x8800] =	vst v63  }
0x4d: {  	_ = 	snop  }
0x4e: {  	[hbm4b:s11+s2] =	stream.indirect_vreg.scatter [tilespmem:s22], [sflag:$0x3], $0x80, v2, vm0, $0xb8;
	[tilespmem:$0x8800] =	vst v63  }
0x4f: {  	s4 =	rddreg [dreg:$0x5]  }
0x50: {  	[tilespmem:s23], [sflag:$0x1] =	stream.linear.gather [hbm4b:s4+s2], $0x4000, $0x38;
	[tilespmem:$0x8800] =	vst v63  }
0x51: {  	_ =	swait.ge [sflag:s15], $0x4000  }
0x52: {  	[sflag:s15] =	ssyncset.done $0x0  }
0x53: {  	[sflag:s15] =	ssyncadd.s32 $0xFFFFC000  }
0x54: {  	v2 =	vld.msk [tilespmem:$0x80], $0xff;
	_ =	sdelay $0x4  }
0x55: {  	v3 =	vshll.u32 v2, $0x4  }
0x56: {  	v2 =	vand.u32 $0x7, v2;
	v3 =	vand.u32 $0xFFFFFF80, v3  }
0x57: {  	v2 =	vor.u32 v2, v3  }
0x58: {  	v2 =	vperm.xlane v2, v0;
	_ =	sdelay $0x1  }
0x59: {  	v2 =	vadd.s32 v1, v2;
	_ =	sdelay $0x4  }
0x5a: {  	[hbm4b:s3+s2] =	stream.indirect_vreg.scatter [tilespmem:s23], [sflag:$0x2], $0x80, v2, vm0, $0xb8;
	[tilespmem:$0x8800] =	vst v63  }
0x5b: {  	_ = 	snop  }
0x5c: {  	[hbm4b:s5+s2] =	stream.indirect_vreg.scatter [tilespmem:s24], [sflag:$0x2], $0x80, v2, vm0, $0xb8;
	[tilespmem:$0x8800] =	vst v63  }
0x5d: {  	_ = 	snop  }
0x5e: {  	[hbm4b:s6+s2] =	stream.indirect_vreg.scatter [tilespmem:s25], [sflag:$0x2], $0x80, v2, vm0, $0xb8;
	[tilespmem:$0x8800] =	vst v63  }
0x5f: {  	_ = 	snop  }
0x60: {  	[hbm4b:s7+s2] =	stream.indirect_vreg.scatter [tilespmem:s26], [sflag:$0x2], $0x80, v2, vm0, $0xb8;
	[tilespmem:$0x8800] =	vst v63  }
0x61: {  	_ = 	snop  }
0x62: {  	[hbm4b:s8+s2] =	stream.indirect_vreg.scatter [tilespmem:s28], [sflag:$0x2], $0x80, v2, vm0, $0xb8;
	[tilespmem:$0x8800] =	vst v63  }
0x63: {  	_ = 	snop  }
0x64: {  	[hbm4b:s9+s2] =	stream.indirect_vreg.scatter [tilespmem:s29], [sflag:$0x2], $0x80, v2, vm0, $0xb8;
	[tilespmem:$0x8800] =	vst v63  }
0x65: {  	_ = 	snop  }
0x66: {  	[hbm4b:s10+s2] =	stream.indirect_vreg.scatter [tilespmem:s30], [sflag:$0x2], $0x80, v2, vm0, $0xb8;
	[tilespmem:$0x8800] =	vst v63  }
0x67: {  	_ = 	snop  }
0x68: {  	[hbm4b:s11+s2] =	stream.indirect_vreg.scatter [tilespmem:s31], [sflag:$0x2], $0x80, v2, vm0, $0xb8;
	[tilespmem:$0x8800] =	vst v63  }
0x69: {  	v2 =	vld.msk [tilespmem:$0x480], $0xff;
	_ =	sdelay $0x4  }
0x6a: {  	v3 =	vshll.u32 v2, $0x4  }
0x6b: {  	v2 =	vand.u32 $0x7, v2;
	v3 =	vand.u32 $0xFFFFFF80, v3  }
0x6c: {  	v2 =	vor.u32 v2, v3  }
0x6d: {  	v2 =	vperm.xlane v2, v0;
	_ =	sdelay $0x1  }
0x6e: {  	v2 =	vadd.s32 v1, v2;
	_ =	sdelay $0x4  }
0x6f: {  	[hbm4b:s3+s2] =	stream.indirect_vreg.scatter [tilespmem:s23], [sflag:$0x3], $0x80, v2, vm0, $0xb8;
	[tilespmem:$0x8800] =	vst v63  }
0x70: {  	_ = 	snop  }
0x71: {  	[hbm4b:s5+s2] =	stream.indirect_vreg.scatter [tilespmem:s24], [sflag:$0x3], $0x80, v2, vm0, $0xb8;
	[tilespmem:$0x8800] =	vst v63  }
0x72: {  	_ = 	snop  }
0x73: {  	[hbm4b:s6+s2] =	stream.indirect_vreg.scatter [tilespmem:s25], [sflag:$0x3], $0x80, v2, vm0, $0xb8;
	[tilespmem:$0x8800] =	vst v63  }
0x74: {  	_ = 	snop  }
0x75: {  	[hbm4b:s7+s2] =	stream.indirect_vreg.scatter [tilespmem:s26], [sflag:$0x3], $0x80, v2, vm0, $0xb8;
	[tilespmem:$0x8800] =	vst v63  }
0x76: {  	_ = 	snop  }
0x77: {  	[hbm4b:s8+s2] =	stream.indirect_vreg.scatter [tilespmem:s28], [sflag:$0x3], $0x80, v2, vm0, $0xb8;
	[tilespmem:$0x8800] =	vst v63  }
0x78: {  	_ = 	snop  }
0x79: {  	[hbm4b:s9+s2] =	stream.indirect_vreg.scatter [tilespmem:s29], [sflag:$0x3], $0x80, v2, vm0, $0xb8;
	[tilespmem:$0x8800] =	vst v63  }
0x7a: {  	_ = 	snop  }
0x7b: {  	[hbm4b:s10+s2] =	stream.indirect_vreg.scatter [tilespmem:s30], [sflag:$0x3], $0x80, v2, vm0, $0xb8;
	[tilespmem:$0x8800] =	vst v63  }
0x7c: {  	_ = 	snop  }
0x7d: {  	[hbm4b:s11+s2] =	stream.indirect_vreg.scatter [tilespmem:s31], [sflag:$0x3], $0x80, v2, vm0, $0xb8;
	[tilespmem:$0x8800] =	vst v63  }
0x7e: {  	_ =	swait.ge [sflag:s0], $0x4000  }
0x7f: {  	[sflag:s0] =	ssyncset.done $0x0  }
0x80: {  	[sflag:s0] =	ssyncadd.s32 $0xFFFFC000  }
0x81: {  	_ =	swait.ge [sflag:s1], $0x4000  }
0x82: {  	[sflag:s1] =	ssyncset.done $0x0  }
0x83: {  	s4 =	rddreg [dreg:$0x6];
	[sflag:s1] =	ssyncadd.s32 $0xFFFFC000  }
0x84: {  	[tilespmem:s14], [sflag:$0x1] =	stream.linear.gather [hbm4b:s4+s2], $0x4000, $0x38;
	[tilespmem:$0x8800] =	vst v63  }
0x85: {  	_ =	swait.ge [sflag:s15], $0x4000  }
0x86: {  	[sflag:s15] =	ssyncset.done $0x0  }
0x87: {  	[sflag:s15] =	ssyncadd.s32 $0xFFFFC000  }
0x88: {  	v2 =	vld.msk [tilespmem:$0x100], $0xff;
	_ =	sdelay $0x4  }
0x89: {  	v3 =	vshll.u32 v2, $0x4  }
0x8a: {  	v2 =	vand.u32 $0x7, v2;
	v3 =	vand.u32 $0xFFFFFF80, v3  }
0x8b: {  	v2 =	vor.u32 v2, v3  }
0x8c: {  	v2 =	vperm.xlane v2, v0;
	_ =	sdelay $0x1  }
0x8d: {  	v2 =	vadd.s32 v1, v2;
	_ =	sdelay $0x4  }
0x8e: {  	[hbm4b:s3+s2] =	stream.indirect_vreg.scatter [tilespmem:s14], [sflag:$0x2], $0x80, v2, vm0, $0xb8;
	[tilespmem:$0x8800] =	vst v63  }
0x8f: {  	_ = 	snop  }
0x90: {  	[hbm4b:s5+s2] =	stream.indirect_vreg.scatter [tilespmem:s13], [sflag:$0x2], $0x80, v2, vm0, $0xb8;
	[tilespmem:$0x8800] =	vst v63  }
0x91: {  	_ = 	snop  }
0x92: {  	[hbm4b:s6+s2] =	stream.indirect_vreg.scatter [tilespmem:s17], [sflag:$0x2], $0x80, v2, vm0, $0xb8;
	[tilespmem:$0x8800] =	vst v63  }
0x93: {  	_ = 	snop  }
0x94: {  	[hbm4b:s7+s2] =	stream.indirect_vreg.scatter [tilespmem:s18], [sflag:$0x2], $0x80, v2, vm0, $0xb8;
	[tilespmem:$0x8800] =	vst v63  }
0x95: {  	_ = 	snop  }
0x96: {  	[hbm4b:s8+s2] =	stream.indirect_vreg.scatter [tilespmem:s19], [sflag:$0x2], $0x80, v2, vm0, $0xb8;
	[tilespmem:$0x8800] =	vst v63  }
0x97: {  	_ = 	snop  }
0x98: {  	[hbm4b:s9+s2] =	stream.indirect_vreg.scatter [tilespmem:s20], [sflag:$0x2], $0x80, v2, vm0, $0xb8;
	[tilespmem:$0x8800] =	vst v63  }
0x99: {  	_ = 	snop  }
0x9a: {  	[hbm4b:s10+s2] =	stream.indirect_vreg.scatter [tilespmem:s21], [sflag:$0x2], $0x80, v2, vm0, $0xb8;
	[tilespmem:$0x8800] =	vst v63  }
0x9b: {  	_ = 	snop  }
0x9c: {  	[hbm4b:s11+s2] =	stream.indirect_vreg.scatter [tilespmem:s22], [sflag:$0x2], $0x80, v2, vm0, $0xb8;
	[tilespmem:$0x8800] =	vst v63  }
0x9d: {  	v2 =	vld.msk [tilespmem:$0x500], $0xff;
	_ =	sdelay $0x4  }
0x9e: {  	v3 =	vshll.u32 v2, $0x4  }
0x9f: {  	v2 =	vand.u32 $0x7, v2;
	v3 =	vand.u32 $0xFFFFFF80, v3  }
0xa0: {  	v2 =	vor.u32 v2, v3  }
0xa1: {  	v2 =	vperm.xlane v2, v0;
	_ =	sdelay $0x1  }
0xa2: {  	v2 =	vadd.s32 v1, v2;
	_ =	sdelay $0x4  }
0xa3: {  	[hbm4b:s3+s2] =	stream.indirect_vreg.scatter [tilespmem:s14], [sflag:$0x3], $0x80, v2, vm0, $0xb8;
	[tilespmem:$0x8800] =	vst v63  }
0xa4: {  	_ = 	snop  }
0xa5: {  	[hbm4b:s5+s2] =	stream.indirect_vreg.scatter [tilespmem:s13], [sflag:$0x3], $0x80, v2, vm0, $0xb8;
	[tilespmem:$0x8800] =	vst v63  }
0xa6: {  	_ = 	snop  }
0xa7: {  	[hbm4b:s6+s2] =	stream.indirect_vreg.scatter [tilespmem:s17], [sflag:$0x3], $0x80, v2, vm0, $0xb8;
	[tilespmem:$0x8800] =	vst v63  }
0xa8: {  	_ = 	snop  }
0xa9: {  	[hbm4b:s7+s2] =	stream.indirect_vreg.scatter [tilespmem:s18], [sflag:$0x3], $0x80, v2, vm0, $0xb8;
	[tilespmem:$0x8800] =	vst v63  }
0xaa: {  	_ = 	snop  }
0xab: {  	[hbm4b:s8+s2] =	stream.indirect_vreg.scatter [tilespmem:s19], [sflag:$0x3], $0x80, v2, vm0, $0xb8;
	[tilespmem:$0x8800] =	vst v63  }
0xac: {  	_ = 	snop  }
0xad: {  	[hbm4b:s9+s2] =	stream.indirect_vreg.scatter [tilespmem:s20], [sflag:$0x3], $0x80, v2, vm0, $0xb8;
	[tilespmem:$0x8800] =	vst v63  }
0xae: {  	_ = 	snop  }
0xaf: {  	[hbm4b:s10+s2] =	stream.indirect_vreg.scatter [tilespmem:s21], [sflag:$0x3], $0x80, v2, vm0, $0xb8;
	[tilespmem:$0x8800] =	vst v63  }
0xb0: {  	_ = 	snop  }
0xb1: {  	[hbm4b:s11+s2] =	stream.indirect_vreg.scatter [tilespmem:s22], [sflag:$0x3], $0x80, v2, vm0, $0xb8;
	[tilespmem:$0x8800] =	vst v63  }
0xb2: {  	_ =	swait.ge [sflag:s0], $0x4000  }
0xb3: {  	[sflag:s0] =	ssyncset.done $0x0  }
0xb4: {  	[sflag:s0] =	ssyncadd.s32 $0xFFFFC000  }
0xb5: {  	_ =	swait.ge [sflag:s1], $0x4000  }
0xb6: {  	[sflag:s1] =	ssyncset.done $0x0  }
0xb7: {  	s4 =	rddreg [dreg:$0x7];
	[sflag:s1] =	ssyncadd.s32 $0xFFFFC000  }
0xb8: {  	[tilespmem:s23], [sflag:$0x1] =	stream.linear.gather [hbm4b:s4+s2], $0x4000, $0x38;
	[tilespmem:$0x8800] =	vst v63  }
0xb9: {  	_ =	swait.ge [sflag:s15], $0x4000  }
0xba: {  	[sflag:s15] =	ssyncset.done $0x0  }
0xbb: {  	[sflag:s15] =	ssyncadd.s32 $0xFFFFC000  }
0xbc: {  	v2 =	vld.msk [tilespmem:$0x180], $0xff;
	_ =	sdelay $0x4  }
0xbd: {  	v3 =	vshll.u32 v2, $0x4  }
0xbe: {  	v2 =	vand.u32 $0x7, v2;
	v3 =	vand.u32 $0xFFFFFF80, v3  }
0xbf: {  	v2 =	vor.u32 v2, v3  }
0xc0: {  	v2 =	vperm.xlane v2, v0;
	_ =	sdelay $0x1  }
0xc1: {  	v2 =	vadd.s32 v1, v2;
	_ =	sdelay $0x4  }
0xc2: {  	[hbm4b:s3+s2] =	stream.indirect_vreg.scatter [tilespmem:s23], [sflag:$0x2], $0x80, v2, vm0, $0xb8;
	[tilespmem:$0x8800] =	vst v63  }
0xc3: {  	_ = 	snop  }
0xc4: {  	[hbm4b:s5+s2] =	stream.indirect_vreg.scatter [tilespmem:s24], [sflag:$0x2], $0x80, v2, vm0, $0xb8;
	[tilespmem:$0x8800] =	vst v63  }
0xc5: {  	_ = 	snop  }
0xc6: {  	[hbm4b:s6+s2] =	stream.indirect_vreg.scatter [tilespmem:s25], [sflag:$0x2], $0x80, v2, vm0, $0xb8;
	[tilespmem:$0x8800] =	vst v63  }
0xc7: {  	_ = 	snop  }
0xc8: {  	[hbm4b:s7+s2] =	stream.indirect_vreg.scatter [tilespmem:s26], [sflag:$0x2], $0x80, v2, vm0, $0xb8;
	[tilespmem:$0x8800] =	vst v63  }
0xc9: {  	_ = 	snop  }
0xca: {  	[hbm4b:s8+s2] =	stream.indirect_vreg.scatter [tilespmem:s28], [sflag:$0x2], $0x80, v2, vm0, $0xb8;
	[tilespmem:$0x8800] =	vst v63  }
0xcb: {  	_ = 	snop  }
0xcc: {  	[hbm4b:s9+s2] =	stream.indirect_vreg.scatter [tilespmem:s29], [sflag:$0x2], $0x80, v2, vm0, $0xb8;
	[tilespmem:$0x8800] =	vst v63  }
0xcd: {  	_ = 	snop  }
0xce: {  	[hbm4b:s10+s2] =	stream.indirect_vreg.scatter [tilespmem:s30], [sflag:$0x2], $0x80, v2, vm0, $0xb8;
	[tilespmem:$0x8800] =	vst v63  }
0xcf: {  	_ = 	snop  }
0xd0: {  	[hbm4b:s11+s2] =	stream.indirect_vreg.scatter [tilespmem:s31], [sflag:$0x2], $0x80, v2, vm0, $0xb8;
	[tilespmem:$0x8800] =	vst v63  }
0xd1: {  	v2 =	vld.msk [tilespmem:$0x580], $0xff;
	_ =	sdelay $0x4  }
0xd2: {  	v3 =	vshll.u32 v2, $0x4  }
0xd3: {  	v2 =	vand.u32 $0x7, v2;
	v3 =	vand.u32 $0xFFFFFF80, v3  }
0xd4: {  	v2 =	vor.u32 v2, v3  }
0xd5: {  	v2 =	vperm.xlane v2, v0;
	_ =	sdelay $0x1  }
0xd6: {  	v2 =	vadd.s32 v1, v2;
	_ =	sdelay $0x4  }
0xd7: {  	[hbm4b:s3+s2] =	stream.indirect_vreg.scatter [tilespmem:s23], [sflag:$0x3], $0x80, v2, vm0, $0xb8;
	[tilespmem:$0x8800] =	vst v63  }
0xd8: {  	_ = 	snop  }
0xd9: {  	[hbm4b:s5+s2] =	stream.indirect_vreg.scatter [tilespmem:s24], [sflag:$0x3], $0x80, v2, vm0, $0xb8;
	[tilespmem:$0x8800] =	vst v63  }
0xda: {  	_ = 	snop  }
0xdb: {  	[hbm4b:s6+s2] =	stream.indirect_vreg.scatter [tilespmem:s25], [sflag:$0x3], $0x80, v2, vm0, $0xb8;
	[tilespmem:$0x8800] =	vst v63  }
0xdc: {  	_ = 	snop  }
0xdd: {  	[hbm4b:s7+s2] =	stream.indirect_vreg.scatter [tilespmem:s26], [sflag:$0x3], $0x80, v2, vm0, $0xb8;
	[tilespmem:$0x8800] =	vst v63  }
0xde: {  	_ = 	snop  }
0xdf: {  	[hbm4b:s8+s2] =	stream.indirect_vreg.scatter [tilespmem:s28], [sflag:$0x3], $0x80, v2, vm0, $0xb8;
	[tilespmem:$0x8800] =	vst v63  }
0xe0: {  	_ = 	snop  }
0xe1: {  	[hbm4b:s9+s2] =	stream.indirect_vreg.scatter [tilespmem:s29], [sflag:$0x3], $0x80, v2, vm0, $0xb8;
	[tilespmem:$0x8800] =	vst v63  }
0xe2: {  	_ = 	snop  }
0xe3: {  	[hbm4b:s10+s2] =	stream.indirect_vreg.scatter [tilespmem:s30], [sflag:$0x3], $0x80, v2, vm0, $0xb8;
	[tilespmem:$0x8800] =	vst v63  }
0xe4: {  	_ = 	snop  }
0xe5: {  	[hbm4b:s11+s2] =	stream.indirect_vreg.scatter [tilespmem:s31], [sflag:$0x3], $0x80, v2, vm0, $0xb8;
	[tilespmem:$0x8800] =	vst v63  }
0xe6: {  	_ =	swait.ge [sflag:s0], $0x4000  }
0xe7: {  	[sflag:s0] =	ssyncset.done $0x0  }
0xe8: {  	[sflag:s0] =	ssyncadd.s32 $0xFFFFC000  }
0xe9: {  	_ =	swait.ge [sflag:s1], $0x4000  }
0xea: {  	[sflag:s1] =	ssyncset.done $0x0  }
0xeb: {  	s4 =	rddreg [dreg:$0x8];
	[sflag:s1] =	ssyncadd.s32 $0xFFFFC000  }
0xec: {  	[tilespmem:s14], [sflag:$0x1] =	stream.linear.gather [hbm4b:s4+s2], $0x4000, $0x38;
	[tilespmem:$0x8800] =	vst v63  }
0xed: {  	_ =	swait.ge [sflag:s15], $0x4000  }
0xee: {  	[sflag:s15] =	ssyncset.done $0x0  }
0xef: {  	[sflag:s15] =	ssyncadd.s32 $0xFFFFC000  }
0xf0: {  	v2 =	vld.msk [tilespmem:$0x200], $0xff;
	_ =	sdelay $0x4  }
0xf1: {  	v3 =	vshll.u32 v2, $0x4  }
0xf2: {  	v2 =	vand.u32 $0x7, v2;
	v3 =	vand.u32 $0xFFFFFF80, v3  }
0xf3: {  	v2 =	vor.u32 v2, v3  }
0xf4: {  	v2 =	vperm.xlane v2, v0;
	_ =	sdelay $0x1  }
0xf5: {  	v2 =	vadd.s32 v1, v2;
	_ =	sdelay $0x4  }
0xf6: {  	[hbm4b:s3+s2] =	stream.indirect_vreg.scatter [tilespmem:s14], [sflag:$0x2], $0x80, v2, vm0, $0xb8;
	[tilespmem:$0x8800] =	vst v63  }
0xf7: {  	_ = 	snop  }
0xf8: {  	[hbm4b:s5+s2] =	stream.indirect_vreg.scatter [tilespmem:s13], [sflag:$0x2], $0x80, v2, vm0, $0xb8;
	[tilespmem:$0x8800] =	vst v63  }
0xf9: {  	_ = 	snop  }
0xfa: {  	[hbm4b:s6+s2] =	stream.indirect_vreg.scatter [tilespmem:s17], [sflag:$0x2], $0x80, v2, vm0, $0xb8;
	[tilespmem:$0x8800] =	vst v63  }
0xfb: {  	_ = 	snop  }
0xfc: {  	[hbm4b:s7+s2] =	stream.indirect_vreg.scatter [tilespmem:s18], [sflag:$0x2], $0x80, v2, vm0, $0xb8;
	[tilespmem:$0x8800] =	vst v63  }
0xfd: {  	_ = 	snop  }
0xfe: {  	[hbm4b:s8+s2] =	stream.indirect_vreg.scatter [tilespmem:s19], [sflag:$0x2], $0x80, v2, vm0, $0xb8;
	[tilespmem:$0x8800] =	vst v63  }
0xff: {  	_ = 	snop  }
0x100: {  	[hbm4b:s9+s2] =	stream.indirect_vreg.scatter [tilespmem:s20], [sflag:$0x2], $0x80, v2, vm0, $0xb8;
	[tilespmem:$0x8800] =	vst v63  }
0x101: {  	_ = 	snop  }
0x102: {  	[hbm4b:s10+s2] =	stream.indirect_vreg.scatter [tilespmem:s21], [sflag:$0x2], $0x80, v2, vm0, $0xb8;
	[tilespmem:$0x8800] =	vst v63  }
0x103: {  	_ = 	snop  }
0x104: {  	[hbm4b:s11+s2] =	stream.indirect_vreg.scatter [tilespmem:s22], [sflag:$0x2], $0x80, v2, vm0, $0xb8;
	[tilespmem:$0x8800] =	vst v63  }
0x105: {  	v2 =	vld.msk [tilespmem:$0x600], $0xff;
	_ =	sdelay $0x4  }
0x106: {  	v3 =	vshll.u32 v2, $0x4  }
0x107: {  	v2 =	vand.u32 $0x7, v2;
	v3 =	vand.u32 $0xFFFFFF80, v3  }
0x108: {  	v2 =	vor.u32 v2, v3  }
0x109: {  	v2 =	vperm.xlane v2, v0;
	_ =	sdelay $0x1  }
0x10a: {  	v2 =	vadd.s32 v1, v2;
	_ =	sdelay $0x4  }
0x10b: {  	[hbm4b:s3+s2] =	stream.indirect_vreg.scatter [tilespmem:s14], [sflag:$0x3], $0x80, v2, vm0, $0xb8;
	[tilespmem:$0x8800] =	vst v63  }
0x10c: {  	_ = 	snop  }
0x10d: {  	[hbm4b:s5+s2] =	stream.indirect_vreg.scatter [tilespmem:s13], [sflag:$0x3], $0x80, v2, vm0, $0xb8;
	[tilespmem:$0x8800] =	vst v63  }
0x10e: {  	_ = 	snop  }
0x10f: {  	[hbm4b:s6+s2] =	stream.indirect_vreg.scatter [tilespmem:s17], [sflag:$0x3], $0x80, v2, vm0, $0xb8;
	[tilespmem:$0x8800] =	vst v63  }
0x110: {  	_ = 	snop  }
0x111: {  	[hbm4b:s7+s2] =	stream.indirect_vreg.scatter [tilespmem:s18], [sflag:$0x3], $0x80, v2, vm0, $0xb8;
	[tilespmem:$0x8800] =	vst v63  }
0x112: {  	_ = 	snop  }
0x113: {  	[hbm4b:s8+s2] =	stream.indirect_vreg.scatter [tilespmem:s19], [sflag:$0x3], $0x80, v2, vm0, $0xb8;
	[tilespmem:$0x8800] =	vst v63  }
0x114: {  	_ = 	snop  }
0x115: {  	[hbm4b:s9+s2] =	stream.indirect_vreg.scatter [tilespmem:s20], [sflag:$0x3], $0x80, v2, vm0, $0xb8;
	[tilespmem:$0x8800] =	vst v63  }
0x116: {  	_ = 	snop  }
0x117: {  	[hbm4b:s10+s2] =	stream.indirect_vreg.scatter [tilespmem:s21], [sflag:$0x3], $0x80, v2, vm0, $0xb8;
	[tilespmem:$0x8800] =	vst v63  }
0x118: {  	_ = 	snop  }
0x119: {  	[hbm4b:s11+s2] =	stream.indirect_vreg.scatter [tilespmem:s22], [sflag:$0x3], $0x80, v2, vm0, $0xb8;
	[tilespmem:$0x8800] =	vst v63  }
0x11a: {  	_ =	swait.ge [sflag:s0], $0x4000  }
0x11b: {  	[sflag:s0] =	ssyncset.done $0x0  }
0x11c: {  	[sflag:s0] =	ssyncadd.s32 $0xFFFFC000  }
0x11d: {  	_ =	swait.ge [sflag:s1], $0x4000  }
0x11e: {  	[sflag:s1] =	ssyncset.done $0x0  }
0x11f: {  	s4 =	rddreg [dreg:$0x9];
	[sflag:s1] =	ssyncadd.s32 $0xFFFFC000  }
0x120: {  	[tilespmem:s23], [sflag:$0x1] =	stream.linear.gather [hbm4b:s4+s2], $0x4000, $0x38;
	[tilespmem:$0x8800] =	vst v63  }
0x121: {  	_ =	swait.ge [sflag:s15], $0x4000  }
0x122: {  	[sflag:s15] =	ssyncset.done $0x0  }
0x123: {  	[sflag:s15] =	ssyncadd.s32 $0xFFFFC000  }
0x124: {  	v2 =	vld.msk [tilespmem:$0x280], $0xff;
	_ =	sdelay $0x4  }
0x125: {  	v3 =	vshll.u32 v2, $0x4  }
0x126: {  	v2 =	vand.u32 $0x7, v2;
	v3 =	vand.u32 $0xFFFFFF80, v3  }
0x127: {  	v2 =	vor.u32 v2, v3  }
0x128: {  	v2 =	vperm.xlane v2, v0;
	_ =	sdelay $0x1  }
0x129: {  	v2 =	vadd.s32 v1, v2;
	_ =	sdelay $0x4  }
0x12a: {  	[hbm4b:s3+s2] =	stream.indirect_vreg.scatter [tilespmem:s23], [sflag:$0x2], $0x80, v2, vm0, $0xb8;
	[tilespmem:$0x8800] =	vst v63  }
0x12b: {  	_ = 	snop  }
0x12c: {  	[hbm4b:s5+s2] =	stream.indirect_vreg.scatter [tilespmem:s24], [sflag:$0x2], $0x80, v2, vm0, $0xb8;
	[tilespmem:$0x8800] =	vst v63  }
0x12d: {  	_ = 	snop  }
0x12e: {  	[hbm4b:s6+s2] =	stream.indirect_vreg.scatter [tilespmem:s25], [sflag:$0x2], $0x80, v2, vm0, $0xb8;
	[tilespmem:$0x8800] =	vst v63  }
0x12f: {  	_ = 	snop  }
0x130: {  	[hbm4b:s7+s2] =	stream.indirect_vreg.scatter [tilespmem:s26], [sflag:$0x2], $0x80, v2, vm0, $0xb8;
	[tilespmem:$0x8800] =	vst v63  }
0x131: {  	_ = 	snop  }
0x132: {  	[hbm4b:s8+s2] =	stream.indirect_vreg.scatter [tilespmem:s28], [sflag:$0x2], $0x80, v2, vm0, $0xb8;
	[tilespmem:$0x8800] =	vst v63  }
0x133: {  	_ = 	snop  }
0x134: {  	[hbm4b:s9+s2] =	stream.indirect_vreg.scatter [tilespmem:s29], [sflag:$0x2], $0x80, v2, vm0, $0xb8;
	[tilespmem:$0x8800] =	vst v63  }
0x135: {  	_ = 	snop  }
0x136: {  	[hbm4b:s10+s2] =	stream.indirect_vreg.scatter [tilespmem:s30], [sflag:$0x2], $0x80, v2, vm0, $0xb8;
	[tilespmem:$0x8800] =	vst v63  }
0x137: {  	_ = 	snop  }
0x138: {  	[hbm4b:s11+s2] =	stream.indirect_vreg.scatter [tilespmem:s31], [sflag:$0x2], $0x80, v2, vm0, $0xb8;
	[tilespmem:$0x8800] =	vst v63  }
0x139: {  	v2 =	vld.msk [tilespmem:$0x680], $0xff;
	_ =	sdelay $0x4  }
0x13a: {  	v3 =	vshll.u32 v2, $0x4  }
0x13b: {  	v2 =	vand.u32 $0x7, v2;
	v3 =	vand.u32 $0xFFFFFF80, v3  }
0x13c: {  	v2 =	vor.u32 v2, v3  }
0x13d: {  	v2 =	vperm.xlane v2, v0;
	_ =	sdelay $0x1  }
0x13e: {  	v2 =	vadd.s32 v1, v2;
	_ =	sdelay $0x4  }
0x13f: {  	[hbm4b:s3+s2] =	stream.indirect_vreg.scatter [tilespmem:s23], [sflag:$0x3], $0x80, v2, vm0, $0xb8;
	[tilespmem:$0x8800] =	vst v63  }
0x140: {  	_ = 	snop  }
0x141: {  	[hbm4b:s5+s2] =	stream.indirect_vreg.scatter [tilespmem:s24], [sflag:$0x3], $0x80, v2, vm0, $0xb8;
	[tilespmem:$0x8800] =	vst v63  }
0x142: {  	_ = 	snop  }
0x143: {  	[hbm4b:s6+s2] =	stream.indirect_vreg.scatter [tilespmem:s25], [sflag:$0x3], $0x80, v2, vm0, $0xb8;
	[tilespmem:$0x8800] =	vst v63  }
0x144: {  	_ = 	snop  }
0x145: {  	[hbm4b:s7+s2] =	stream.indirect_vreg.scatter [tilespmem:s26], [sflag:$0x3], $0x80, v2, vm0, $0xb8;
	[tilespmem:$0x8800] =	vst v63  }
0x146: {  	_ = 	snop  }
0x147: {  	[hbm4b:s8+s2] =	stream.indirect_vreg.scatter [tilespmem:s28], [sflag:$0x3], $0x80, v2, vm0, $0xb8;
	[tilespmem:$0x8800] =	vst v63  }
0x148: {  	_ = 	snop  }
0x149: {  	[hbm4b:s9+s2] =	stream.indirect_vreg.scatter [tilespmem:s29], [sflag:$0x3], $0x80, v2, vm0, $0xb8;
	[tilespmem:$0x8800] =	vst v63  }
0x14a: {  	_ = 	snop  }
0x14b: {  	[hbm4b:s10+s2] =	stream.indirect_vreg.scatter [tilespmem:s30], [sflag:$0x3], $0x80, v2, vm0, $0xb8;
	[tilespmem:$0x8800] =	vst v63  }
0x14c: {  	_ = 	snop  }
0x14d: {  	[hbm4b:s11+s2] =	stream.indirect_vreg.scatter [tilespmem:s31], [sflag:$0x3], $0x80, v2, vm0, $0xb8;
	[tilespmem:$0x8800] =	vst v63  }
0x14e: {  	_ =	swait.ge [sflag:s0], $0x4000  }
0x14f: {  	[sflag:s0] =	ssyncset.done $0x0  }
0x150: {  	[sflag:s0] =	ssyncadd.s32 $0xFFFFC000  }
0x151: {  	_ =	swait.ge [sflag:s1], $0x4000  }
0x152: {  	[sflag:s1] =	ssyncset.done $0x0  }
0x153: {  	s4 =	rddreg [dreg:$0xa];
	[sflag:s1] =	ssyncadd.s32 $0xFFFFC000  }
0x154: {  	[tilespmem:s14], [sflag:$0x1] =	stream.linear.gather [hbm4b:s4+s2], $0x4000, $0x38;
	[tilespmem:$0x8800] =	vst v63  }
0x155: {  	_ =	swait.ge [sflag:s15], $0x4000  }
0x156: {  	[sflag:s15] =	ssyncset.done $0x0  }
0x157: {  	[sflag:s15] =	ssyncadd.s32 $0xFFFFC000  }
0x158: {  	v2 =	vld.msk [tilespmem:$0x300], $0xff;
	_ =	sdelay $0x4  }
0x159: {  	v3 =	vshll.u32 v2, $0x4  }
0x15a: {  	v2 =	vand.u32 $0x7, v2;
	v3 =	vand.u32 $0xFFFFFF80, v3  }
0x15b: {  	v2 =	vor.u32 v2, v3  }
0x15c: {  	v2 =	vperm.xlane v2, v0;
	_ =	sdelay $0x1  }
0x15d: {  	v2 =	vadd.s32 v1, v2;
	_ =	sdelay $0x4  }
0x15e: {  	[hbm4b:s3+s2] =	stream.indirect_vreg.scatter [tilespmem:s14], [sflag:$0x2], $0x80, v2, vm0, $0xb8;
	[tilespmem:$0x8800] =	vst v63  }
0x15f: {  	_ = 	snop  }
0x160: {  	[hbm4b:s5+s2] =	stream.indirect_vreg.scatter [tilespmem:s13], [sflag:$0x2], $0x80, v2, vm0, $0xb8;
	[tilespmem:$0x8800] =	vst v63  }
0x161: {  	_ = 	snop  }
0x162: {  	[hbm4b:s6+s2] =	stream.indirect_vreg.scatter [tilespmem:s17], [sflag:$0x2], $0x80, v2, vm0, $0xb8;
	[tilespmem:$0x8800] =	vst v63  }
0x163: {  	_ = 	snop  }
0x164: {  	[hbm4b:s7+s2] =	stream.indirect_vreg.scatter [tilespmem:s18], [sflag:$0x2], $0x80, v2, vm0, $0xb8;
	[tilespmem:$0x8800] =	vst v63  }
0x165: {  	_ = 	snop  }
0x166: {  	[hbm4b:s8+s2] =	stream.indirect_vreg.scatter [tilespmem:s19], [sflag:$0x2], $0x80, v2, vm0, $0xb8;
	[tilespmem:$0x8800] =	vst v63  }
0x167: {  	_ = 	snop  }
0x168: {  	[hbm4b:s9+s2] =	stream.indirect_vreg.scatter [tilespmem:s20], [sflag:$0x2], $0x80, v2, vm0, $0xb8;
	[tilespmem:$0x8800] =	vst v63  }
0x169: {  	_ = 	snop  }
0x16a: {  	[hbm4b:s10+s2] =	stream.indirect_vreg.scatter [tilespmem:s21], [sflag:$0x2], $0x80, v2, vm0, $0xb8;
	[tilespmem:$0x8800] =	vst v63  }
0x16b: {  	_ = 	snop  }
0x16c: {  	[hbm4b:s11+s2] =	stream.indirect_vreg.scatter [tilespmem:s22], [sflag:$0x2], $0x80, v2, vm0, $0xb8;
	[tilespmem:$0x8800] =	vst v63  }
0x16d: {  	v2 =	vld.msk [tilespmem:$0x700], $0xff;
	_ =	sdelay $0x4  }
0x16e: {  	v3 =	vshll.u32 v2, $0x4  }
0x16f: {  	v2 =	vand.u32 $0x7, v2;
	v3 =	vand.u32 $0xFFFFFF80, v3  }
0x170: {  	v2 =	vor.u32 v2, v3  }
0x171: {  	v2 =	vperm.xlane v2, v0;
	_ =	sdelay $0x1  }
0x172: {  	v2 =	vadd.s32 v1, v2;
	_ =	sdelay $0x4  }
0x173: {  	[hbm4b:s3+s2] =	stream.indirect_vreg.scatter [tilespmem:s14], [sflag:$0x3], $0x80, v2, vm0, $0xb8;
	[tilespmem:$0x8800] =	vst v63  }
0x174: {  	_ = 	snop  }
0x175: {  	[hbm4b:s5+s2] =	stream.indirect_vreg.scatter [tilespmem:s13], [sflag:$0x3], $0x80, v2, vm0, $0xb8;
	[tilespmem:$0x8800] =	vst v63  }
0x176: {  	_ = 	snop  }
0x177: {  	[hbm4b:s6+s2] =	stream.indirect_vreg.scatter [tilespmem:s17], [sflag:$0x3], $0x80, v2, vm0, $0xb8;
	[tilespmem:$0x8800] =	vst v63  }
0x178: {  	_ = 	snop  }
0x179: {  	[hbm4b:s7+s2] =	stream.indirect_vreg.scatter [tilespmem:s18], [sflag:$0x3], $0x80, v2, vm0, $0xb8;
	[tilespmem:$0x8800] =	vst v63  }
0x17a: {  	_ = 	snop  }
0x17b: {  	[hbm4b:s8+s2] =	stream.indirect_vreg.scatter [tilespmem:s19], [sflag:$0x3], $0x80, v2, vm0, $0xb8;
	[tilespmem:$0x8800] =	vst v63  }
0x17c: {  	_ = 	snop  }
0x17d: {  	[hbm4b:s9+s2] =	stream.indirect_vreg.scatter [tilespmem:s20], [sflag:$0x3], $0x80, v2, vm0, $0xb8;
	[tilespmem:$0x8800] =	vst v63  }
0x17e: {  	_ = 	snop  }
0x17f: {  	[hbm4b:s10+s2] =	stream.indirect_vreg.scatter [tilespmem:s21], [sflag:$0x3], $0x80, v2, vm0, $0xb8;
	[tilespmem:$0x8800] =	vst v63  }
0x180: {  	_ = 	snop  }
0x181: {  	[hbm4b:s11+s2] =	stream.indirect_vreg.scatter [tilespmem:s22], [sflag:$0x3], $0x80, v2, vm0, $0xb8;
	[tilespmem:$0x8800] =	vst v63  }
0x182: {  	_ =	swait.ge [sflag:s0], $0x4000  }
0x183: {  	[sflag:s0] =	ssyncset.done $0x0  }
0x184: {  	[sflag:s0] =	ssyncadd.s32 $0xFFFFC000  }
0x185: {  	_ =	swait.ge [sflag:s1], $0x4000  }
0x186: {  	[sflag:s1] =	ssyncset.done $0x0  }
0x187: {  	s13 =	rddreg [dreg:$0xb];
	[sflag:s1] =	ssyncadd.s32 $0xFFFFC000  }
0x188: {  	[tilespmem:s23], [sflag:$0x1] =	stream.linear.gather [hbm4b:s13+s2], $0x4000, $0x38;
	[tilespmem:$0x8800] =	vst v63  }
0x189: {  	_ =	swait.ge [sflag:s15], $0x4000  }
0x18a: {  	[sflag:s15] =	ssyncset.done $0x0  }
0x18b: {  	[sflag:s15] =	ssyncadd.s32 $0xFFFFC000  }
0x18c: {  	v2 =	vld.msk [tilespmem:$0x380], $0xff;
	_ =	sdelay $0x4  }
0x18d: {  	v3 =	vshll.u32 v2, $0x4  }
0x18e: {  	v2 =	vand.u32 $0x7, v2;
	v3 =	vand.u32 $0xFFFFFF80, v3  }
0x18f: {  	v2 =	vor.u32 v2, v3  }
0x190: {  	v2 =	vperm.xlane v2, v0;
	_ =	sdelay $0x1  }
0x191: {  	v2 =	vadd.s32 v1, v2;
	_ =	sdelay $0x4  }
0x192: {  	[hbm4b:s3+s2] =	stream.indirect_vreg.scatter [tilespmem:s23], [sflag:$0x2], $0x80, v2, vm0, $0xb8;
	[tilespmem:$0x8800] =	vst v63  }
0x193: {  	_ = 	snop  }
0x194: {  	[hbm4b:s5+s2] =	stream.indirect_vreg.scatter [tilespmem:s24], [sflag:$0x2], $0x80, v2, vm0, $0xb8;
	[tilespmem:$0x8800] =	vst v63  }
0x195: {  	_ = 	snop  }
0x196: {  	[hbm4b:s6+s2] =	stream.indirect_vreg.scatter [tilespmem:s25], [sflag:$0x2], $0x80, v2, vm0, $0xb8;
	[tilespmem:$0x8800] =	vst v63  }
0x197: {  	_ = 	snop  }
0x198: {  	[hbm4b:s7+s2] =	stream.indirect_vreg.scatter [tilespmem:s26], [sflag:$0x2], $0x80, v2, vm0, $0xb8;
	[tilespmem:$0x8800] =	vst v63  }
0x199: {  	_ = 	snop  }
0x19a: {  	[hbm4b:s8+s2] =	stream.indirect_vreg.scatter [tilespmem:s28], [sflag:$0x2], $0x80, v2, vm0, $0xb8;
	[tilespmem:$0x8800] =	vst v63  }
0x19b: {  	_ = 	snop  }
0x19c: {  	[hbm4b:s9+s2] =	stream.indirect_vreg.scatter [tilespmem:s29], [sflag:$0x2], $0x80, v2, vm0, $0xb8;
	[tilespmem:$0x8800] =	vst v63  }
0x19d: {  	_ = 	snop  }
0x19e: {  	[hbm4b:s10+s2] =	stream.indirect_vreg.scatter [tilespmem:s30], [sflag:$0x2], $0x80, v2, vm0, $0xb8;
	[tilespmem:$0x8800] =	vst v63  }
0x19f: {  	_ = 	snop  }
0x1a0: {  	[hbm4b:s11+s2] =	stream.indirect_vreg.scatter [tilespmem:s31], [sflag:$0x2], $0x80, v2, vm0, $0xb8;
	[tilespmem:$0x8800] =	vst v63  }
0x1a1: {  	v2 =	vld.msk [tilespmem:$0x780], $0xff;
	_ =	sdelay $0x4  }
0x1a2: {  	v3 =	vshll.u32 v2, $0x4  }
0x1a3: {  	v2 =	vand.u32 $0x7, v2;
	v3 =	vand.u32 $0xFFFFFF80, v3  }
0x1a4: {  	v2 =	vor.u32 v2, v3  }
0x1a5: {  	v2 =	vperm.xlane v2, v0;
	_ =	sdelay $0x1  }
0x1a6: {  	v2 =	vadd.s32 v1, v2;
	_ =	sdelay $0x4  }
0x1a7: {  	[hbm4b:s3+s2] =	stream.indirect_vreg.scatter [tilespmem:s23], [sflag:$0x3], $0x80, v2, vm0, $0xb8;
	[tilespmem:$0x8800] =	vst v63  }
0x1a8: {  	_ = 	snop  }
0x1a9: {  	[hbm4b:s5+s2] =	stream.indirect_vreg.scatter [tilespmem:s24], [sflag:$0x3], $0x80, v2, vm0, $0xb8;
	[tilespmem:$0x8800] =	vst v63  }
0x1aa: {  	_ = 	snop  }
0x1ab: {  	[hbm4b:s6+s2] =	stream.indirect_vreg.scatter [tilespmem:s25], [sflag:$0x3], $0x80, v2, vm0, $0xb8;
	[tilespmem:$0x8800] =	vst v63  }
0x1ac: {  	_ = 	snop  }
0x1ad: {  	[hbm4b:s7+s2] =	stream.indirect_vreg.scatter [tilespmem:s26], [sflag:$0x3], $0x80, v2, vm0, $0xb8;
	[tilespmem:$0x8800] =	vst v63  }
0x1ae: {  	_ = 	snop  }
0x1af: {  	[hbm4b:s8+s2] =	stream.indirect_vreg.scatter [tilespmem:s28], [sflag:$0x3], $0x80, v2, vm0, $0xb8;
	[tilespmem:$0x8800] =	vst v63  }
0x1b0: {  	_ = 	snop  }
0x1b1: {  	[hbm4b:s9+s2] =	stream.indirect_vreg.scatter [tilespmem:s29], [sflag:$0x3], $0x80, v2, vm0, $0xb8;
	[tilespmem:$0x8800] =	vst v63  }
0x1b2: {  	_ = 	snop  }
0x1b3: {  	[hbm4b:s10+s2] =	stream.indirect_vreg.scatter [tilespmem:s30], [sflag:$0x3], $0x80, v2, vm0, $0xb8;
	[tilespmem:$0x8800] =	vst v63  }
0x1b4: {  	_ = 	snop  }
0x1b5: {  	[hbm4b:s11+s2] =	stream.indirect_vreg.scatter [tilespmem:s31], [sflag:$0x3], $0x80, v2, vm0, $0xb8;
	[tilespmem:$0x8800] =	vst v63  }
0x1b6: {  	_ =	swait.ge [sflag:s0], $0x4000  }
0x1b7: {  	[sflag:s0] =	ssyncset.done $0x0  }
0x1b8: {  	[sflag:s0] =	ssyncadd.s32 $0xFFFFC000  }
0x1b9: {  	_ =	swait.ge [sflag:s1], $0x4000  }
0x1ba: {  	[sflag:s1] =	ssyncset.done $0x0  }
0x1bb: {  	[sflag:s1] =	ssyncadd.s32 $0xFFFFC000  }
0x1bc: {  	p0 =	sne.s32 s12, $0x1;
	_ =	swait.ge [sflag:s0], $0x4000  }
.Ltmp0:
0x1bd: {  	[sflag:s0] =	ssyncset.done $0x0;
	(pc) =	sbr.rel @p0 .LBB2_1-.Ltmp0, $4  }
0x1be: {  	[sflag:s0] =	ssyncadd.s32 $0xFFFFC000  }
0x1bf: {  	_ =	swait.ge [sflag:s1], $0x4000  }
0x1c0: {  	[sflag:s1] =	ssyncset.done $0x0  }
0x1c1: {  	s12 =	sadd.s32 $0xFFFFFFFF, s12;
	[sflag:s1] =	ssyncadd.s32 $0xFFFFC000  }
0x1c2: {  	_ =	sfence.sel $0x180000  }
0x1c3: {  	[bflag:$0x0] =	sbarrier.arrive $0xFFFF  }
0x1c4: {  	_ =	strace $0x90000047  }
0x1c5: {  	s0 =	stileid.u32;
	[bflag:$0x2] =	sbarrier.arrive $0xFFFF  }
0x1c6: {  	p0 =	sne.s32 s0, $0x0;
	s0 =	rddreg [dreg:$0x2]  }
0x1c7: {  	s0 =	sadd.s32 @!p0 $0x100000, s0  }
0x1c8: {  	[sflag:s0] =	ssyncadd.tile.s32 @!p0 $0x1;
	_ =	shalt  }
.Lfunc_end2:
_tile_overlayer_lowered:
.L_overlay_start_2:
0x1c9: {  	(tag) =	ssettag $0x2  }
0x1ca: {  	s0 =	rddreg [dreg:$0x0];
	s2 =	stileid.u32  }
0x1cb: {  	s1 =	rddreg [dreg:$0x1];
	p0 =	sne.s32 s2, $0x0  }
0x1cc: {  	s3 =	rddreg [dreg:$0x2];
	[bflag:$0x3] =	sbarrier.arrive $0xFFFF;
	s2 =	simm.s32 @!p0 $0x1C04  }
0x1cd: {  	[timem:s3], [sflag:s2] =	dma.local @!p0 [hbm:s0], s1  }
0x1ce: {  	s0 =	simm.s32 @!p0 $0x4  }
0x1cf: {  	_ =	swait.ge @!p0 [sflag:s0], s1  }
0x1d0: {  	s1 =	ssub.s32 @!p0 $0x0, s1;
	[sflag:s0] =	ssyncset.done @!p0 $0x0  }
0x1d1: {  	[sflag:s0] =	ssyncadd.s32 @!p0 s1  }
0x1d2: {  	[bflag:$0x3] =	sbarrier.arrive $0xFFFF  }
0x1d3: {  	_ =	shalt  }

</sc_bundles>
